<compile_context>
chip_gen: v7x
topology: tpu7x:2x2x1
jax: 0.10.2.dev20260603
libtpu: 0.0.44.dev20260713+nightly
codegen_flags: <defaults>
</compile_context>

<pallas_src>
import functools

import jax
import jax.numpy as jnp
from jax import lax
from jax.experimental import pallas as pl
from jax.experimental.pallas import tpu as pltpu
from jax.experimental.pallas import tpu_sc as plsc

NC = 2
NS = 16
NW = NC * NS
LANES = 16

HID = 128
POS_VOCAB = 13
TOTAL = 1024 * 200
NROWS = TOTAL // NW
CHUNK = 128
NCHUNK = NROWS // CHUNK
NBUF = 6
LOOKAHEAD = 3


def _emb_kernel(ids_hbm, pids_hbm, word_hbm, pos_hbm, out_hbm,
                idx_v, pidx_v, pos_local, wbuf, gsem, osem):
    wid = lax.axis_index("s") * NC + lax.axis_index("c")

    pltpu.sync_copy(ids_hbm.at[wid], idx_v)
    pltpu.sync_copy(pids_hbm.at[wid], pidx_v)
    pltpu.sync_copy(pos_hbm, pos_local)

    for b in range(LOOKAHEAD):
        pltpu.async_copy(word_hbm.at[idx_v.at[b]], wbuf.at[b], gsem.at[b])

    @pl.loop(0, NCHUNK)
    def chunk(j):
        slot = lax.rem(j, NBUF)
        pltpu.make_async_copy(word_hbm.at[idx_v.at[j]], wbuf.at[slot],
                              gsem.at[slot]).wait()

        nj = j + LOOKAHEAD
        nslot = lax.rem(nj, NBUF)

        @pl.when(nj < NCHUNK)
        def _prefetch():
            @pl.when(nj >= NBUF)
            def _drain():
                pltpu.make_async_copy(wbuf.at[nslot], out_hbm.at[wid, 0],
                                      osem.at[nslot]).wait()

            pltpu.async_copy(word_hbm.at[idx_v.at[nj]], wbuf.at[nslot],
                             gsem.at[nslot])

        @plsc.parallel_loop(0, CHUNK // LANES)
        def group(g):
            pv = pidx_v[j, pl.ds(g * LANES, LANES)]
            for l in range(LANES):
                p = pv[l]
                r = g * LANES + l
                for c in range(HID // LANES):
                    x = pos_local[p, pl.ds(c * LANES, LANES)]
                    plsc.addupdate(
                        wbuf.at[slot, r, pl.ds(c * LANES, LANES)], x)

        pltpu.async_copy(wbuf.at[slot], out_hbm.at[wid, j], osem.at[slot])

    @pl.loop(NCHUNK - NBUF, NCHUNK)
    def drain(j):
        slot = lax.rem(j, NBUF)
        pltpu.make_async_copy(wbuf.at[slot], out_hbm.at[wid, 0],
                              osem.at[slot]).wait()


@jax.jit
def _run(ids3, pids3, word_embeddings, pos_embeddings):
    mesh = plsc.VectorSubcoreMesh(core_axis_name="c", subcore_axis_name="s")
    k = functools.partial(
        pl.kernel,
        out_type=jax.ShapeDtypeStruct((NW, NCHUNK, CHUNK, HID), jnp.float32),
        mesh=mesh,
        compiler_params=pltpu.CompilerParams(needs_layout_passes=False),
        scratch_types=[
            pltpu.VMEM((NCHUNK, CHUNK), jnp.int32),
            pltpu.VMEM((NCHUNK, CHUNK), jnp.int32),
            pltpu.VMEM((POS_VOCAB, HID), jnp.float32),
            pltpu.VMEM((NBUF, CHUNK, HID), jnp.float32),
            pltpu.SemaphoreType.DMA((NBUF,)),
            pltpu.SemaphoreType.DMA((NBUF,)),
        ],
    )(_emb_kernel)
    return k(ids3, pids3, word_embeddings, pos_embeddings)


def kernel(input_ids, pos_ids, word_embeddings, position_embeddings,
           token_type_embeddings, pos_embeddings):
    del position_embeddings, token_type_embeddings
    B, S = input_ids.shape
    ids3 = input_ids.reshape(NW, NCHUNK, CHUNK).astype(jnp.int32)
    pids3 = pos_ids.reshape(NW, NCHUNK, CHUNK).astype(jnp.int32)
    out = _run(ids3, pids3, word_embeddings, pos_embeddings)
    return out.reshape(B, S, HID)

# --- scband reference (transcript-rebuilt; emitter-appended) ---
"""Pipeline reference for scband-my-embeddings-21474836480210 (READ-ONLY COPY).

The authoritative reference and input builder live on the scoring server;
editing this copy changes nothing except your own understanding.
"""

import jax, jax.numpy as jnp
import numpy as np

VOCAB = 100000
HIDDEN = 128
MAX_POS = 2048
TYPE_VOCAB = 2
POS_IDS_VOCAB = 13
B, S = 1024, 200


def setup_inputs(seed: int = 0) -> dict:
    key = jax.random.key(seed)
    k1, k2, k3, k4, k5, k6 = jax.random.split(key, 6)
    input_ids = jax.random.randint(k1, (B, S), 0, VOCAB, dtype=jnp.int64 if jax.config.jax_enable_x64 else jnp.int32)
    pos_ids = jax.random.randint(k2, (B, S), 0, POS_IDS_VOCAB, dtype=jnp.int64 if jax.config.jax_enable_x64 else jnp.int32)
    word_embeddings = jax.random.normal(k3, (VOCAB, HIDDEN), dtype=jnp.float32) * 0.02
    # padding_idx=0 -> row 0 zeroed, as nn.Embedding(padding_idx=0) does
    word_embeddings = word_embeddings.at[0].set(0.0)
    position_embeddings = jax.random.normal(k4, (MAX_POS, HIDDEN), dtype=jnp.float32) * 0.02
    token_type_embeddings = jax.random.normal(k5, (TYPE_VOCAB, HIDDEN), dtype=jnp.float32) * 0.02
    pos_embeddings = jax.random.normal(k6, (POS_IDS_VOCAB, HIDDEN), dtype=jnp.float32) * 0.02
    return {
        "input_ids": input_ids,
        "pos_ids": pos_ids,
        "word_embeddings": word_embeddings,
        "position_embeddings": position_embeddings,
        "token_type_embeddings": token_type_embeddings,
        "pos_embeddings": pos_embeddings,
    }


def reference(input_ids, pos_ids, word_embeddings, position_embeddings, token_type_embeddings, pos_embeddings):
    input_shape = input_ids.shape
    seq_length = input_shape[1]
    # position_ids default: arange expanded (computed, as in original forward)
    position_ids = jnp.broadcast_to(jnp.arange(seq_length, dtype=input_ids.dtype)[None, :], input_shape)
    # token_type_ids default: zeros
    token_type_ids = jnp.zeros(input_shape, dtype=input_ids.dtype)
    inputs_embeds = jnp.take(word_embeddings, input_ids, axis=0)
    _position_embeds = jnp.take(position_embeddings, position_ids, axis=0)  # computed but unused, matching original
    _token_type_embeds = jnp.take(token_type_embeddings, token_type_ids, axis=0)  # computed but unused, matching original
    pos_embeds = jnp.take(pos_embeddings, pos_ids, axis=0)
    embeddings = inputs_embeds + pos_embeds
    return embeddings

if __name__ == "__main__":
    import jax
    _d = setup_inputs()
    print(jax.jit(kernel)(*tuple(_d.values())))

</pallas_src>

<mosaic_0001>
#map = affine_map<(d0, d1) -> (0, 0, 0)>
#map1 = affine_map<(d0, d1) -> (0, 0)>
#map2 = affine_map<(d0, d1) -> (0, 0, 0, 0)>
module attributes {stable_mosaic.version = 14 : i64} {
  func.func @_emb_kernel(%arg0: i32, %arg1: i32, %arg2: memref<32x50x128xi32, #tpu.memory_space<hbm>>, %arg3: memref<32x50x128xi32, #tpu.memory_space<hbm>>, %arg4: memref<100000x128xf32, #tpu.memory_space<hbm>>, %arg5: memref<13x128xf32, #tpu.memory_space<hbm>>, %arg6: memref<32x50x128x128xf32, #tpu.memory_space<hbm>>, %arg7: memref<50x128xi32, #tpu.memory_space<vmem>>, %arg8: memref<50x128xi32, #tpu.memory_space<vmem>>, %arg9: memref<13x128xf32, #tpu.memory_space<vmem>>, %arg10: memref<6x128x128xf32, #tpu.memory_space<vmem>>, %arg11: memref<6x!tpu.dma_semaphore, #tpu.memory_space<semaphore_mem>>, %arg12: memref<6x!tpu.dma_semaphore, #tpu.memory_space<semaphore_mem>>) attributes {dimension_semantics = [#tpu.dimension_semantics<core_parallel>, #tpu.dimension_semantics<subcore_parallel>], iteration_bounds = array<i64: 2, 16>, scalar_prefetch = 0 : i64, scratch_operands = 6 : i64, tpu.core_type = #tpu.core_type<sc_vector_subcore>, window_params = [{transform_indices = #map}, {transform_indices = #map}, {transform_indices = #map1}, {transform_indices = #map1}, {transform_indices = #map2}]} {
    %mul3A = arith.constant 2 : i32
    %mul3A_0 = arith.muli %arg1, %mul3A : i32
    %add3A = arith.addi %mul3A_0, %arg0 : i32
    "tpu.region"() ({
      %run_scoped3A = tpu.sem_alloc : memref<!tpu.dma_semaphore, #tpu.memory_space<semaphore_mem>>
      %dma_start3A_54 = arith.constant 0 : i32
      %dma_start3A_55 = arith.constant 0 : i32
      %dma_start3A_56 = tpu.memref_slice %arg2[%add3A, %dma_start3A_54, %dma_start3A_55] : memref<32x50x128xi32, #tpu.memory_space<hbm>> -> memref<1x50x128xi32, #tpu.memory_space<hbm>>
      %dma_start3A_57 = tpu.memref_squeeze %dma_start3A_56 : memref<1x50x128xi32, #tpu.memory_space<hbm>> -> memref<50x128xi32, #tpu.memory_space<hbm>>
      %dma_start3A_58 = arith.constant 0 : i32
      %dma_start3A_59 = arith.constant 0 : i32
      %dma_start3A_60 = tpu.memref_slice %arg2[%add3A, %dma_start3A_58, %dma_start3A_59] : memref<32x50x128xi32, #tpu.memory_space<hbm>> -> memref<1x50x128xi32, #tpu.memory_space<hbm>>
      %dma_start3A_61 = tpu.memref_squeeze %dma_start3A_60 : memref<1x50x128xi32, #tpu.memory_space<hbm>> -> memref<50x128xi32, #tpu.memory_space<hbm>>
      tpu.enqueue_dma source(%dma_start3A_61 : memref<50x128xi32, #tpu.memory_space<hbm>>) target(%arg7 : memref<50x128xi32, #tpu.memory_space<vmem>>) target_semaphore(%run_scoped3A : memref<!tpu.dma_semaphore, #tpu.memory_space<semaphore_mem>>)
      %dma_wait3A = arith.constant 0 : i32
      %dma_wait3A_62 = arith.constant 0 : i32
      %dma_wait3A_63 = tpu.memref_slice %arg2[%add3A, %dma_wait3A, %dma_wait3A_62] : memref<32x50x128xi32, #tpu.memory_space<hbm>> -> memref<1x50x128xi32, #tpu.memory_space<hbm>>
      %dma_wait3A_64 = tpu.memref_squeeze %dma_wait3A_63 : memref<1x50x128xi32, #tpu.memory_space<hbm>> -> memref<50x128xi32, #tpu.memory_space<hbm>>
      %dma_wait3A_65 = arith.constant 0 : i32
      %dma_wait3A_66 = arith.constant 0 : i32
      %dma_wait3A_67 = tpu.memref_slice %arg2[%add3A, %dma_wait3A_65, %dma_wait3A_66] : memref<32x50x128xi32, #tpu.memory_space<hbm>> -> memref<1x50x128xi32, #tpu.memory_space<hbm>>
      %dma_wait3A_68 = tpu.memref_squeeze %dma_wait3A_67 : memref<1x50x128xi32, #tpu.memory_space<hbm>> -> memref<50x128xi32, #tpu.memory_space<hbm>>
      tpu.wait_dma2 semaphore(%run_scoped3A : memref<!tpu.dma_semaphore, #tpu.memory_space<semaphore_mem>>) src(%dma_wait3A_68 : memref<50x128xi32, #tpu.memory_space<hbm>>) dst(%arg7 : memref<50x128xi32, #tpu.memory_space<vmem>>)
      tpu.yield
    }) : () -> ()
    "tpu.region"() ({
      %run_scoped3A = tpu.sem_alloc : memref<!tpu.dma_semaphore, #tpu.memory_space<semaphore_mem>>
      %dma_start3A_54 = arith.constant 0 : i32
      %dma_start3A_55 = arith.constant 0 : i32
      %dma_start3A_56 = tpu.memref_slice %arg3[%add3A, %dma_start3A_54, %dma_start3A_55] : memref<32x50x128xi32, #tpu.memory_space<hbm>> -> memref<1x50x128xi32, #tpu.memory_space<hbm>>
      %dma_start3A_57 = tpu.memref_squeeze %dma_start3A_56 : memref<1x50x128xi32, #tpu.memory_space<hbm>> -> memref<50x128xi32, #tpu.memory_space<hbm>>
      %dma_start3A_58 = arith.constant 0 : i32
      %dma_start3A_59 = arith.constant 0 : i32
      %dma_start3A_60 = tpu.memref_slice %arg3[%add3A, %dma_start3A_58, %dma_start3A_59] : memref<32x50x128xi32, #tpu.memory_space<hbm>> -> memref<1x50x128xi32, #tpu.memory_space<hbm>>
      %dma_start3A_61 = tpu.memref_squeeze %dma_start3A_60 : memref<1x50x128xi32, #tpu.memory_space<hbm>> -> memref<50x128xi32, #tpu.memory_space<hbm>>
      tpu.enqueue_dma source(%dma_start3A_61 : memref<50x128xi32, #tpu.memory_space<hbm>>) target(%arg8 : memref<50x128xi32, #tpu.memory_space<vmem>>) target_semaphore(%run_scoped3A : memref<!tpu.dma_semaphore, #tpu.memory_space<semaphore_mem>>)
      %dma_wait3A = arith.constant 0 : i32
      %dma_wait3A_62 = arith.constant 0 : i32
      %dma_wait3A_63 = tpu.memref_slice %arg3[%add3A, %dma_wait3A, %dma_wait3A_62] : memref<32x50x128xi32, #tpu.memory_space<hbm>> -> memref<1x50x128xi32, #tpu.memory_space<hbm>>
      %dma_wait3A_64 = tpu.memref_squeeze %dma_wait3A_63 : memref<1x50x128xi32, #tpu.memory_space<hbm>> -> memref<50x128xi32, #tpu.memory_space<hbm>>
      %dma_wait3A_65 = arith.constant 0 : i32
      %dma_wait3A_66 = arith.constant 0 : i32
      %dma_wait3A_67 = tpu.memref_slice %arg3[%add3A, %dma_wait3A_65, %dma_wait3A_66] : memref<32x50x128xi32, #tpu.memory_space<hbm>> -> memref<1x50x128xi32, #tpu.memory_space<hbm>>
      %dma_wait3A_68 = tpu.memref_squeeze %dma_wait3A_67 : memref<1x50x128xi32, #tpu.memory_space<hbm>> -> memref<50x128xi32, #tpu.memory_space<hbm>>
      tpu.wait_dma2 semaphore(%run_scoped3A : memref<!tpu.dma_semaphore, #tpu.memory_space<semaphore_mem>>) src(%dma_wait3A_68 : memref<50x128xi32, #tpu.memory_space<hbm>>) dst(%arg8 : memref<50x128xi32, #tpu.memory_space<vmem>>)
      tpu.yield
    }) : () -> ()
    "tpu.region"() ({
      %run_scoped3A = tpu.sem_alloc : memref<!tpu.dma_semaphore, #tpu.memory_space<semaphore_mem>>
      tpu.enqueue_dma source(%arg5 : memref<13x128xf32, #tpu.memory_space<hbm>>) target(%arg9 : memref<13x128xf32, #tpu.memory_space<vmem>>) target_semaphore(%run_scoped3A : memref<!tpu.dma_semaphore, #tpu.memory_space<semaphore_mem>>)
      tpu.wait_dma2 semaphore(%run_scoped3A : memref<!tpu.dma_semaphore, #tpu.memory_space<semaphore_mem>>) src(%arg5 : memref<13x128xf32, #tpu.memory_space<hbm>>) dst(%arg9 : memref<13x128xf32, #tpu.memory_space<vmem>>)
      tpu.yield
    }) : () -> ()
    %dma_start3A = arith.constant 0 : i32
    %dma_start3A_1 = arith.constant 0 : i32
    %dma_start3A_2 = arith.constant 0 : i32
    %dma_start3A_3 = arith.constant 0 : i32
    %dma_start3A_4 = arith.constant 0 : i32
    %dma_start3A_5 = tpu.memref_slice %arg10[%dma_start3A_1, %dma_start3A_3, %dma_start3A_4] : memref<6x128x128xf32, #tpu.memory_space<vmem>> -> memref<1x128x128xf32, #tpu.memory_space<vmem>>
    %dma_start3A_6 = tpu.memref_squeeze %dma_start3A_5 : memref<1x128x128xf32, #tpu.memory_space<vmem>> -> memref<128x128xf32, #tpu.memory_space<vmem>>
    %dma_start3A_7 = arith.constant 0 : i32
    %dma_start3A_8 = tpu.memref_slice %arg7[%dma_start3A, %dma_start3A_7] : memref<50x128xi32, #tpu.memory_space<vmem>> -> memref<1x128xi32, #tpu.memory_space<vmem>>
    %dma_start3A_9 = tpu.memref_squeeze %dma_start3A_8 : memref<1x128xi32, #tpu.memory_space<vmem>> -> memref<128xi32, #tpu.memory_space<vmem>>
    %dma_start3A_10 = arith.constant 0 : i32
    %dma_start3A_11 = arith.constant 0 : i32
    %dma_start3A_12 = tpu.memref_slice %arg4[%dma_start3A_10, %dma_start3A_11] : memref<100000x128xf32, #tpu.memory_space<hbm>> -> memref<100000x128xf32, #tpu.memory_space<hbm>>
    %dma_start3A_13 = tpu.memref_slice %arg11[%dma_start3A_2] : memref<6x!tpu.dma_semaphore, #tpu.memory_space<semaphore_mem>> -> memref<1x!tpu.dma_semaphore, #tpu.memory_space<semaphore_mem>>
    %dma_start3A_14 = tpu.memref_squeeze %dma_start3A_13 : memref<1x!tpu.dma_semaphore, #tpu.memory_space<semaphore_mem>> -> memref<!tpu.dma_semaphore, #tpu.memory_space<semaphore_mem>>
    tpu.enqueue_indirect_dma source(%dma_start3A_12 : memref<100000x128xf32, #tpu.memory_space<hbm>>) target(%dma_start3A_6 : memref<128x128xf32, #tpu.memory_space<vmem>>) offsets(%dma_start3A_9 : memref<128xi32, #tpu.memory_space<vmem>>) semaphore(%dma_start3A_14 : memref<!tpu.dma_semaphore, #tpu.memory_space<semaphore_mem>>)
    %dma_start3A_15 = arith.constant 1 : i32
    %dma_start3A_16 = arith.constant 1 : i32
    %dma_start3A_17 = arith.constant 1 : i32
    %dma_start3A_18 = arith.constant 0 : i32
    %dma_start3A_19 = arith.constant 0 : i32
    %dma_start3A_20 = tpu.memref_slice %arg10[%dma_start3A_16, %dma_start3A_18, %dma_start3A_19] : memref<6x128x128xf32, #tpu.memory_space<vmem>> -> memref<1x128x128xf32, #tpu.memory_space<vmem>>
    %dma_start3A_21 = tpu.memref_squeeze %dma_start3A_20 : memref<1x128x128xf32, #tpu.memory_space<vmem>> -> memref<128x128xf32, #tpu.memory_space<vmem>>
    %dma_start3A_22 = arith.constant 0 : i32
    %dma_start3A_23 = tpu.memref_slice %arg7[%dma_start3A_15, %dma_start3A_22] : memref<50x128xi32, #tpu.memory_space<vmem>> -> memref<1x128xi32, #tpu.memory_space<vmem>>
    %dma_start3A_24 = tpu.memref_squeeze %dma_start3A_23 : memref<1x128xi32, #tpu.memory_space<vmem>> -> memref<128xi32, #tpu.memory_space<vmem>>
    %dma_start3A_25 = arith.constant 0 : i32
    %dma_start3A_26 = arith.constant 0 : i32
    %dma_start3A_27 = tpu.memref_slice %arg4[%dma_start3A_25, %dma_start3A_26] : memref<100000x128xf32, #tpu.memory_space<hbm>> -> memref<100000x128xf32, #tpu.memory_space<hbm>>
    %dma_start3A_28 = tpu.memref_slice %arg11[%dma_start3A_17] : memref<6x!tpu.dma_semaphore, #tpu.memory_space<semaphore_mem>> -> memref<1x!tpu.dma_semaphore, #tpu.memory_space<semaphore_mem>>
    %dma_start3A_29 = tpu.memref_squeeze %dma_start3A_28 : memref<1x!tpu.dma_semaphore, #tpu.memory_space<semaphore_mem>> -> memref<!tpu.dma_semaphore, #tpu.memory_space<semaphore_mem>>
    tpu.enqueue_indirect_dma source(%dma_start3A_27 : memref<100000x128xf32, #tpu.memory_space<hbm>>) target(%dma_start3A_21 : memref<128x128xf32, #tpu.memory_space<vmem>>) offsets(%dma_start3A_24 : memref<128xi32, #tpu.memory_space<vmem>>) semaphore(%dma_start3A_29 : memref<!tpu.dma_semaphore, #tpu.memory_space<semaphore_mem>>)
    %dma_start3A_30 = arith.constant 2 : i32
    %dma_start3A_31 = arith.constant 2 : i32
    %dma_start3A_32 = arith.constant 2 : i32
    %dma_start3A_33 = arith.constant 0 : i32
    %dma_start3A_34 = arith.constant 0 : i32
    %dma_start3A_35 = tpu.memref_slice %arg10[%dma_start3A_31, %dma_start3A_33, %dma_start3A_34] : memref<6x128x128xf32, #tpu.memory_space<vmem>> -> memref<1x128x128xf32, #tpu.memory_space<vmem>>
    %dma_start3A_36 = tpu.memref_squeeze %dma_start3A_35 : memref<1x128x128xf32, #tpu.memory_space<vmem>> -> memref<128x128xf32, #tpu.memory_space<vmem>>
    %dma_start3A_37 = arith.constant 0 : i32
    %dma_start3A_38 = tpu.memref_slice %arg7[%dma_start3A_30, %dma_start3A_37] : memref<50x128xi32, #tpu.memory_space<vmem>> -> memref<1x128xi32, #tpu.memory_space<vmem>>
    %dma_start3A_39 = tpu.memref_squeeze %dma_start3A_38 : memref<1x128xi32, #tpu.memory_space<vmem>> -> memref<128xi32, #tpu.memory_space<vmem>>
    %dma_start3A_40 = arith.constant 0 : i32
    %dma_start3A_41 = arith.constant 0 : i32
    %dma_start3A_42 = tpu.memref_slice %arg4[%dma_start3A_40, %dma_start3A_41] : memref<100000x128xf32, #tpu.memory_space<hbm>> -> memref<100000x128xf32, #tpu.memory_space<hbm>>
    %dma_start3A_43 = tpu.memref_slice %arg11[%dma_start3A_32] : memref<6x!tpu.dma_semaphore, #tpu.memory_space<semaphore_mem>> -> memref<1x!tpu.dma_semaphore, #tpu.memory_space<semaphore_mem>>
    %dma_start3A_44 = tpu.memref_squeeze %dma_start3A_43 : memref<1x!tpu.dma_semaphore, #tpu.memory_space<semaphore_mem>> -> memref<!tpu.dma_semaphore, #tpu.memory_space<semaphore_mem>>
    tpu.enqueue_indirect_dma source(%dma_start3A_42 : memref<100000x128xf32, #tpu.memory_space<hbm>>) target(%dma_start3A_36 : memref<128x128xf32, #tpu.memory_space<vmem>>) offsets(%dma_start3A_39 : memref<128xi32, #tpu.memory_space<vmem>>) semaphore(%dma_start3A_44 : memref<!tpu.dma_semaphore, #tpu.memory_space<semaphore_mem>>)
    %scan3A = arith.constant 0 : i32
    %scan3A_45 = arith.constant 50 : i32
    %scan3A_46 = arith.addi %scan3A, %scan3A_45 : i32
    %scan3A_47 = arith.constant 1 : i32
    scf.for %scan3A_54 = %scan3A to %scan3A_46 step %scan3A_47  : i32 {
      %mul3A_55 = arith.constant 1 : i32
      %mul3A_56 = arith.muli %scan3A_54, %mul3A_55 : i32
      %add3A_57 = arith.constant 0 : i32
      %add3A_58 = arith.addi %add3A_57, %mul3A_56 : i32
      %rem3A = arith.constant 6 : i32
      %rem3A_59 = arith.remsi %add3A_58, %rem3A : i32
      %dma_wait3A = arith.constant 0 : i32
      %dma_wait3A_60 = arith.constant 0 : i32
      %dma_wait3A_61 = tpu.memref_slice %arg10[%rem3A_59, %dma_wait3A, %dma_wait3A_60] : memref<6x128x128xf32, #tpu.memory_space<vmem>> -> memref<1x128x128xf32, #tpu.memory_space<vmem>>
      %dma_wait3A_62 = tpu.memref_squeeze %dma_wait3A_61 : memref<1x128x128xf32, #tpu.memory_space<vmem>> -> memref<128x128xf32, #tpu.memory_space<vmem>>
      %dma_wait3A_63 = arith.constant 0 : i32
      %dma_wait3A_64 = tpu.memref_slice %arg7[%add3A_58, %dma_wait3A_63] : memref<50x128xi32, #tpu.memory_space<vmem>> -> memref<1x128xi32, #tpu.memory_space<vmem>>
      %dma_wait3A_65 = tpu.memref_squeeze %dma_wait3A_64 : memref<1x128xi32, #tpu.memory_space<vmem>> -> memref<128xi32, #tpu.memory_space<vmem>>
      %dma_wait3A_66 = arith.constant 0 : i32
      %dma_wait3A_67 = arith.constant 0 : i32
      %dma_wait3A_68 = tpu.memref_slice %arg4[%dma_wait3A_66, %dma_wait3A_67] : memref<100000x128xf32, #tpu.memory_space<hbm>> -> memref<100000x128xf32, #tpu.memory_space<hbm>>
      %dma_wait3A_69 = tpu.memref_slice %arg11[%rem3A_59] : memref<6x!tpu.dma_semaphore, #tpu.memory_space<semaphore_mem>> -> memref<1x!tpu.dma_semaphore, #tpu.memory_space<semaphore_mem>>
      %dma_wait3A_70 = tpu.memref_squeeze %dma_wait3A_69 : memref<1x!tpu.dma_semaphore, #tpu.memory_space<semaphore_mem>> -> memref<!tpu.dma_semaphore, #tpu.memory_space<semaphore_mem>>
      tpu.wait_indirect_dma semaphore(%dma_wait3A_70 : memref<!tpu.dma_semaphore, #tpu.memory_space<semaphore_mem>>) src(%dma_wait3A_68 : memref<100000x128xf32, #tpu.memory_space<hbm>>) dst(%dma_wait3A_62 : memref<128x128xf32, #tpu.memory_space<vmem>>)
      %add3A_71 = arith.constant 3 : i32
      %add3A_72 = arith.addi %add3A_58, %add3A_71 : i32
      %rem3A_73 = arith.constant 6 : i32
      %rem3A_74 = arith.remsi %add3A_72, %rem3A_73 : i32
      %lt3A = arith.constant 50 : i32
      %lt3A_75 = arith.cmpi slt, %add3A_72, %lt3A : i32
      %convert_element_type3A = arith.extui %lt3A_75 : i1 to i32
      %cond3A = arith.constant 0 : i32
      %cond3A_76 = arith.cmpi ne, %convert_element_type3A, %cond3A : i32
      scf.if %cond3A_76 {
        %ge3A = arith.constant 6 : i32
        %ge3A_97 = arith.cmpi sge, %add3A_72, %ge3A : i32
        %convert_element_type3A_98 = arith.extui %ge3A_97 : i1 to i32
        %cond3A_99 = arith.constant 0 : i32
        %cond3A_100 = arith.cmpi ne, %convert_element_type3A_98, %cond3A_99 : i32
        scf.if %cond3A_100 {
          %dma_wait3A_113 = arith.constant 0 : i32
          %dma_wait3A_114 = arith.constant 0 : i32
          %dma_wait3A_115 = arith.constant 0 : i32
          %dma_wait3A_116 = tpu.memref_slice %arg10[%rem3A_74, %dma_wait3A_114, %dma_wait3A_115] : memref<6x128x128xf32, #tpu.memory_space<vmem>> -> memref<1x128x128xf32, #tpu.memory_space<vmem>>
          %dma_wait3A_117 = tpu.memref_squeeze %dma_wait3A_116 : memref<1x128x128xf32, #tpu.memory_space<vmem>> -> memref<128x128xf32, #tpu.memory_space<vmem>>
          %dma_wait3A_118 = arith.constant 0 : i32
          %dma_wait3A_119 = arith.constant 0 : i32
          %dma_wait3A_120 = tpu.memref_slice %arg6[%add3A, %dma_wait3A_113, %dma_wait3A_118, %dma_wait3A_119] : memref<32x50x128x128xf32, #tpu.memory_space<hbm>> -> memref<1x1x128x128xf32, #tpu.memory_space<hbm>>
          %dma_wait3A_121 = tpu.memref_squeeze %dma_wait3A_120 : memref<1x1x128x128xf32, #tpu.memory_space<hbm>> -> memref<128x128xf32, #tpu.memory_space<hbm>>
          %dma_wait3A_122 = tpu.memref_slice %arg12[%rem3A_74] : memref<6x!tpu.dma_semaphore, #tpu.memory_space<semaphore_mem>> -> memref<1x!tpu.dma_semaphore, #tpu.memory_space<semaphore_mem>>
          %dma_wait3A_123 = tpu.memref_squeeze %dma_wait3A_122 : memref<1x!tpu.dma_semaphore, #tpu.memory_space<semaphore_mem>> -> memref<!tpu.dma_semaphore, #tpu.memory_space<semaphore_mem>>
          %dma_wait3A_124 = arith.constant 0 : i32
          %dma_wait3A_125 = arith.constant 0 : i32
          %dma_wait3A_126 = tpu.memref_slice %arg6[%add3A, %dma_wait3A_113, %dma_wait3A_124, %dma_wait3A_125] : memref<32x50x128x128xf32, #tpu.memory_space<hbm>> -> memref<1x1x128x128xf32, #tpu.memory_space<hbm>>
          %dma_wait3A_127 = tpu.memref_squeeze %dma_wait3A_126 : memref<1x1x128x128xf32, #tpu.memory_space<hbm>> -> memref<128x128xf32, #tpu.memory_space<hbm>>
          %dma_wait3A_128 = arith.constant 0 : i32
          %dma_wait3A_129 = arith.constant 0 : i32
          %dma_wait3A_130 = tpu.memref_slice %arg10[%rem3A_74, %dma_wait3A_128, %dma_wait3A_129] : memref<6x128x128xf32, #tpu.memory_space<vmem>> -> memref<1x128x128xf32, #tpu.memory_space<vmem>>
          %dma_wait3A_131 = tpu.memref_squeeze %dma_wait3A_130 : memref<1x128x128xf32, #tpu.memory_space<vmem>> -> memref<128x128xf32, #tpu.memory_space<vmem>>
          tpu.wait_dma2 semaphore(%dma_wait3A_123 : memref<!tpu.dma_semaphore, #tpu.memory_space<semaphore_mem>>) src(%dma_wait3A_131 : memref<128x128xf32, #tpu.memory_space<vmem>>) dst(%dma_wait3A_127 : memref<128x128xf32, #tpu.memory_space<hbm>>)
        } else {
        }
        %dma_start3A_101 = arith.constant 0 : i32
        %dma_start3A_102 = arith.constant 0 : i32
        %dma_start3A_103 = tpu.memref_slice %arg10[%rem3A_74, %dma_start3A_101, %dma_start3A_102] : memref<6x128x128xf32, #tpu.memory_space<vmem>> -> memref<1x128x128xf32, #tpu.memory_space<vmem>>
        %dma_start3A_104 = tpu.memref_squeeze %dma_start3A_103 : memref<1x128x128xf32, #tpu.memory_space<vmem>> -> memref<128x128xf32, #tpu.memory_space<vmem>>
        %dma_start3A_105 = arith.constant 0 : i32
        %dma_start3A_106 = tpu.memref_slice %arg7[%add3A_72, %dma_start3A_105] : memref<50x128xi32, #tpu.memory_space<vmem>> -> memref<1x128xi32, #tpu.memory_space<vmem>>
        %dma_start3A_107 = tpu.memref_squeeze %dma_start3A_106 : memref<1x128xi32, #tpu.memory_space<vmem>> -> memref<128xi32, #tpu.memory_space<vmem>>
        %dma_start3A_108 = arith.constant 0 : i32
        %dma_start3A_109 = arith.constant 0 : i32
        %dma_start3A_110 = tpu.memref_slice %arg4[%dma_start3A_108, %dma_start3A_109] : memref<100000x128xf32, #tpu.memory_space<hbm>> -> memref<100000x128xf32, #tpu.memory_space<hbm>>
        %dma_start3A_111 = tpu.memref_slice %arg11[%rem3A_74] : memref<6x!tpu.dma_semaphore, #tpu.memory_space<semaphore_mem>> -> memref<1x!tpu.dma_semaphore, #tpu.memory_space<semaphore_mem>>
        %dma_start3A_112 = tpu.memref_squeeze %dma_start3A_111 : memref<1x!tpu.dma_semaphore, #tpu.memory_space<semaphore_mem>> -> memref<!tpu.dma_semaphore, #tpu.memory_space<semaphore_mem>>
        tpu.enqueue_indirect_dma source(%dma_start3A_110 : memref<100000x128xf32, #tpu.memory_space<hbm>>) target(%dma_start3A_104 : memref<128x128xf32, #tpu.memory_space<vmem>>) offsets(%dma_start3A_107 : memref<128xi32, #tpu.memory_space<vmem>>) semaphore(%dma_start3A_112 : memref<!tpu.dma_semaphore, #tpu.memory_space<semaphore_mem>>)
      } else {
      }
      %parallel_loop3A = arith.constant 0 : i32
      %parallel_loop3A_77 = arith.constant 8 : i32
      %parallel_loop3A_78 = arith.constant 1 : i32
      scf.for %parallel_loop3A_97 = %parallel_loop3A to %parallel_loop3A_77 step %parallel_loop3A_78  : i32 {
        %parallel_loop3A_98 = arith.constant 16 : i32
        %parallel_loop3A_99 = arith.muli %parallel_loop3A_97, %parallel_loop3A_98 : i32
        %parallel_loop3A_100 = arith.index_cast %add3A_58 : i32 to index
        %parallel_loop3A_101 = arith.index_cast %parallel_loop3A_99 : i32 to index
        %parallel_loop3A_102 = tpu.vector_load %arg8[%parallel_loop3A_100, %parallel_loop3A_101] {strides = array<i32>} : memref<50x128xi32, #tpu.memory_space<vmem>>, vector<16xi32>,
        %parallel_loop3A_103 = vector.extract_strided_slice %parallel_loop3A_102 {offsets = [0], sizes = [1], strides = [1]} : vector<16xi32> to vector<1xi32>
        %parallel_loop3A_104 = vector.extract %parallel_loop3A_103[0] : i32 from vector<1xi32>
        %parallel_loop3A_105 = arith.constant 16 : i32
        %parallel_loop3A_106 = arith.muli %parallel_loop3A_97, %parallel_loop3A_105 : i32
        %parallel_loop3A_107 = arith.constant 0 : i32
        %parallel_loop3A_108 = arith.addi %parallel_loop3A_106, %parallel_loop3A_107 : i32
        %parallel_loop3A_109 = arith.index_cast %parallel_loop3A_104 : i32 to index
        %parallel_loop3A_110 = arith.constant 0 : index
        %parallel_loop3A_111 = tpu.vector_load %arg9[%parallel_loop3A_109, %parallel_loop3A_110] {strides = array<i32>} : memref<13x128xf32, #tpu.memory_space<vmem>>, vector<16xf32>,
        %parallel_loop3A_112 = arith.index_cast %rem3A_59 : i32 to index
        %parallel_loop3A_113 = arith.index_cast %parallel_loop3A_108 : i32 to index
        %parallel_loop3A_114 = arith.constant 0 : index
        %parallel_loop3A_115 = tpu.vector_load %arg10[%parallel_loop3A_112, %parallel_loop3A_113, %parallel_loop3A_114] {strides = array<i32>} : memref<6x128x128xf32, #tpu.memory_space<vmem>>, vector<16xf32>,
        tpu.vector_store %arg10[%parallel_loop3A_112, %parallel_loop3A_113, %parallel_loop3A_114], %parallel_loop3A_111 {add = true, strides = array<i32>} : memref<6x128x128xf32, #tpu.memory_space<vmem>>, vector<16xf32>,
        %parallel_loop3A_116 = arith.index_cast %parallel_loop3A_104 : i32 to index
        %parallel_loop3A_117 = arith.constant 16 : index
        %parallel_loop3A_118 = tpu.vector_load %arg9[%parallel_loop3A_116, %parallel_loop3A_117] {strides = array<i32>} : memref<13x128xf32, #tpu.memory_space<vmem>>, vector<16xf32>,
        %parallel_loop3A_119 = arith.index_cast %rem3A_59 : i32 to index
        %parallel_loop3A_120 = arith.index_cast %parallel_loop3A_108 : i32 to index
        %parallel_loop3A_121 = arith.constant 16 : index
        %parallel_loop3A_122 = tpu.vector_load %arg10[%parallel_loop3A_119, %parallel_loop3A_120, %parallel_loop3A_121] {strides = array<i32>} : memref<6x128x128xf32, #tpu.memory_space<vmem>>, vector<16xf32>,
        tpu.vector_store %arg10[%parallel_loop3A_119, %parallel_loop3A_120, %parallel_loop3A_121], %parallel_loop3A_118 {add = true, strides = array<i32>} : memref<6x128x128xf32, #tpu.memory_space<vmem>>, vector<16xf32>,
        %parallel_loop3A_123 = arith.index_cast %parallel_loop3A_104 : i32 to index
        %parallel_loop3A_124 = arith.constant 32 : index
        %parallel_loop3A_125 = tpu.vector_load %arg9[%parallel_loop3A_123, %parallel_loop3A_124] {strides = array<i32>} : memref<13x128xf32, #tpu.memory_space<vmem>>, vector<16xf32>,
        %parallel_loop3A_126 = arith.index_cast %rem3A_59 : i32 to index
        %parallel_loop3A_127 = arith.index_cast %parallel_loop3A_108 : i32 to index
        %parallel_loop3A_128 = arith.constant 32 : index
        %parallel_loop3A_129 = tpu.vector_load %arg10[%parallel_loop3A_126, %parallel_loop3A_127, %parallel_loop3A_128] {strides = array<i32>} : memref<6x128x128xf32, #tpu.memory_space<vmem>>, vector<16xf32>,
        tpu.vector_store %arg10[%parallel_loop3A_126, %parallel_loop3A_127, %parallel_loop3A_128], %parallel_loop3A_125 {add = true, strides = array<i32>} : memref<6x128x128xf32, #tpu.memory_space<vmem>>, vector<16xf32>,
        %parallel_loop3A_130 = arith.index_cast %parallel_loop3A_104 : i32 to index
        %parallel_loop3A_131 = arith.constant 48 : index
        %parallel_loop3A_132 = tpu.vector_load %arg9[%parallel_loop3A_130, %parallel_loop3A_131] {strides = array<i32>} : memref<13x128xf32, #tpu.memory_space<vmem>>, vector<16xf32>,
        %parallel_loop3A_133 = arith.index_cast %rem3A_59 : i32 to index
        %parallel_loop3A_134 = arith.index_cast %parallel_loop3A_108 : i32 to index
        %parallel_loop3A_135 = arith.constant 48 : index
        %parallel_loop3A_136 = tpu.vector_load %arg10[%parallel_loop3A_133, %parallel_loop3A_134, %parallel_loop3A_135] {strides = array<i32>} : memref<6x128x128xf32, #tpu.memory_space<vmem>>, vector<16xf32>,
        tpu.vector_store %arg10[%parallel_loop3A_133, %parallel_loop3A_134, %parallel_loop3A_135], %parallel_loop3A_132 {add = true, strides = array<i32>} : memref<6x128x128xf32, #tpu.memory_space<vmem>>, vector<16xf32>,
        %parallel_loop3A_137 = arith.index_cast %parallel_loop3A_104 : i32 to index
        %parallel_loop3A_138 = arith.constant 64 : index
        %parallel_loop3A_139 = tpu.vector_load %arg9[%parallel_loop3A_137, %parallel_loop3A_138] {strides = array<i32>} : memref<13x128xf32, #tpu.memory_space<vmem>>, vector<16xf32>,
        %parallel_loop3A_140 = arith.index_cast %rem3A_59 : i32 to index
        %parallel_loop3A_141 = arith.index_cast %parallel_loop3A_108 : i32 to index
        %parallel_loop3A_142 = arith.constant 64 : index
        %parallel_loop3A_143 = tpu.vector_load %arg10[%parallel_loop3A_140, %parallel_loop3A_141, %parallel_loop3A_142] {strides = array<i32>} : memref<6x128x128xf32, #tpu.memory_space<vmem>>, vector<16xf32>,
        tpu.vector_store %arg10[%parallel_loop3A_140, %parallel_loop3A_141, %parallel_loop3A_142], %parallel_loop3A_139 {add = true, strides = array<i32>} : memref<6x128x128xf32, #tpu.memory_space<vmem>>, vector<16xf32>,
        %parallel_loop3A_144 = arith.index_cast %parallel_loop3A_104 : i32 to index
        %parallel_loop3A_145 = arith.constant 80 : index
        %parallel_loop3A_146 = tpu.vector_load %arg9[%parallel_loop3A_144, %parallel_loop3A_145] {strides = array<i32>} : memref<13x128xf32, #tpu.memory_space<vmem>>, vector<16xf32>,
        %parallel_loop3A_147 = arith.index_cast %rem3A_59 : i32 to index
        %parallel_loop3A_148 = arith.index_cast %parallel_loop3A_108 : i32 to index
        %parallel_loop3A_149 = arith.constant 80 : index
        %parallel_loop3A_150 = tpu.vector_load %arg10[%parallel_loop3A_147, %parallel_loop3A_148, %parallel_loop3A_149] {strides = array<i32>} : memref<6x128x128xf32, #tpu.memory_space<vmem>>, vector<16xf32>,
        tpu.vector_store %arg10[%parallel_loop3A_147, %parallel_loop3A_148, %parallel_loop3A_149], %parallel_loop3A_146 {add = true, strides = array<i32>} : memref<6x128x128xf32, #tpu.memory_space<vmem>>, vector<16xf32>,
        %parallel_loop3A_151 = arith.index_cast %parallel_loop3A_104 : i32 to index
        %parallel_loop3A_152 = arith.constant 96 : index
        %parallel_loop3A_153 = tpu.vector_load %arg9[%parallel_loop3A_151, %parallel_loop3A_152] {strides = array<i32>} : memref<13x128xf32, #tpu.memory_space<vmem>>, vector<16xf32>,
        %parallel_loop3A_154 = arith.index_cast %rem3A_59 : i32 to index
        %parallel_loop3A_155 = arith.index_cast %parallel_loop3A_108 : i32 to index
        %parallel_loop3A_156 = arith.constant 96 : index
        %parallel_loop3A_157 = tpu.vector_load %arg10[%parallel_loop3A_154, %parallel_loop3A_155, %parallel_loop3A_156] {strides = array<i32>} : memref<6x128x128xf32, #tpu.memory_space<vmem>>, vector<16xf32>,
        tpu.vector_store %arg10[%parallel_loop3A_154, %parallel_loop3A_155, %parallel_loop3A_156], %parallel_loop3A_153 {add = true, strides = array<i32>} : memref<6x128x128xf32, #tpu.memory_space<vmem>>, vector<16xf32>,
        %parallel_loop3A_158 = arith.index_cast %parallel_loop3A_104 : i32 to index
        %parallel_loop3A_159 = arith.constant 112 : index
        %parallel_loop3A_160 = tpu.vector_load %arg9[%parallel_loop3A_158, %parallel_loop3A_159] {strides = array<i32>} : memref<13x128xf32, #tpu.memory_space<vmem>>, vector<16xf32>,
        %parallel_loop3A_161 = arith.index_cast %rem3A_59 : i32 to index
        %parallel_loop3A_162 = arith.index_cast %parallel_loop3A_108 : i32 to index
        %parallel_loop3A_163 = arith.constant 112 : index
        %parallel_loop3A_164 = tpu.vector_load %arg10[%parallel_loop3A_161, %parallel_loop3A_162, %parallel_loop3A_163] {strides = array<i32>} : memref<6x128x128xf32, #tpu.memory_space<vmem>>, vector<16xf32>,
        tpu.vector_store %arg10[%parallel_loop3A_161, %parallel_loop3A_162, %parallel_loop3A_163], %parallel_loop3A_160 {add = true, strides = array<i32>} : memref<6x128x128xf32, #tpu.memory_space<vmem>>, vector<16xf32>,
        %parallel_loop3A_165 = vector.extract_strided_slice %parallel_loop3A_102 {offsets = [1], sizes = [1], strides = [1]} : vector<16xi32> to vector<1xi32>
        %parallel_loop3A_166 = vector.extract %parallel_loop3A_165[0] : i32 from vector<1xi32>
        %parallel_loop3A_167 = arith.constant 16 : i32
        %parallel_loop3A_168 = arith.muli %parallel_loop3A_97, %parallel_loop3A_167 : i32
        %parallel_loop3A_169 = arith.constant 1 : i32
        %parallel_loop3A_170 = arith.addi %parallel_loop3A_168, %parallel_loop3A_169 : i32
        %parallel_loop3A_171 = arith.index_cast %parallel_loop3A_166 : i32 to index
        %parallel_loop3A_172 = arith.constant 0 : index
        %parallel_loop3A_173 = tpu.vector_load %arg9[%parallel_loop3A_171, %parallel_loop3A_172] {strides = array<i32>} : memref<13x128xf32, #tpu.memory_space<vmem>>, vector<16xf32>,
        %parallel_loop3A_174 = arith.index_cast %rem3A_59 : i32 to index
        %parallel_loop3A_175 = arith.index_cast %parallel_loop3A_170 : i32 to index
        %parallel_loop3A_176 = arith.constant 0 : index
        %parallel_loop3A_177 = tpu.vector_load %arg10[%parallel_loop3A_174, %parallel_loop3A_175, %parallel_loop3A_176] {strides = array<i32>} : memref<6x128x128xf32, #tpu.memory_space<vmem>>, vector<16xf32>,
        tpu.vector_store %arg10[%parallel_loop3A_174, %parallel_loop3A_175, %parallel_loop3A_176], %parallel_loop3A_173 {add = true, strides = array<i32>} : memref<6x128x128xf32, #tpu.memory_space<vmem>>, vector<16xf32>,
        %parallel_loop3A_178 = arith.index_cast %parallel_loop3A_166 : i32 to index
        %parallel_loop3A_179 = arith.constant 16 : index
        %parallel_loop3A_180 = tpu.vector_load %arg9[%parallel_loop3A_178, %parallel_loop3A_179] {strides = array<i32>} : memref<13x128xf32, #tpu.memory_space<vmem>>, vector<16xf32>,
        %parallel_loop3A_181 = arith.index_cast %rem3A_59 : i32 to index
        %parallel_loop3A_182 = arith.index_cast %parallel_loop3A_170 : i32 to index
        %parallel_loop3A_183 = arith.constant 16 : index
        %parallel_loop3A_184 = tpu.vector_load %arg10[%parallel_loop3A_181, %parallel_loop3A_182, %parallel_loop3A_183] {strides = array<i32>} : memref<6x128x128xf32, #tpu.memory_space<vmem>>, vector<16xf32>,
        tpu.vector_store %arg10[%parallel_loop3A_181, %parallel_loop3A_182, %parallel_loop3A_183], %parallel_loop3A_180 {add = true, strides = array<i32>} : memref<6x128x128xf32, #tpu.memory_space<vmem>>, vector<16xf32>,
        %parallel_loop3A_185 = arith.index_cast %parallel_loop3A_166 : i32 to index
        %parallel_loop3A_186 = arith.constant 32 : index
        %parallel_loop3A_187 = tpu.vector_load %arg9[%parallel_loop3A_185, %parallel_loop3A_186] {strides = array<i32>} : memref<13x128xf32, #tpu.memory_space<vmem>>, vector<16xf32>,
        %parallel_loop3A_188 = arith.index_cast %rem3A_59 : i32 to index
        %parallel_loop3A_189 = arith.index_cast %parallel_loop3A_170 : i32 to index
        %parallel_loop3A_190 = arith.constant 32 : index
        %parallel_loop3A_191 = tpu.vector_load %arg10[%parallel_loop3A_188, %parallel_loop3A_189, %parallel_loop3A_190] {strides = array<i32>} : memref<6x128x128xf32, #tpu.memory_space<vmem>>, vector<16xf32>,
        tpu.vector_store %arg10[%parallel_loop3A_188, %parallel_loop3A_189, %parallel_loop3A_190], %parallel_loop3A_187 {add = true, strides = array<i32>} : memref<6x128x128xf32, #tpu.memory_space<vmem>>, vector<16xf32>,
        %parallel_loop3A_192 = arith.index_cast %parallel_loop3A_166 : i32 to index
        %parallel_loop3A_193 = arith.constant 48 : index
        %parallel_loop3A_194 = tpu.vector_load %arg9[%parallel_loop3A_192, %parallel_loop3A_193] {strides = array<i32>} : memref<13x128xf32, #tpu.memory_space<vmem>>, vector<16xf32>,
        %parallel_loop3A_195 = arith.index_cast %rem3A_59 : i32 to index
        %parallel_loop3A_196 = arith.index_cast %parallel_loop3A_170 : i32 to index
        %parallel_loop3A_197 = arith.constant 48 : index
        %parallel_loop3A_198 = tpu.vector_load %arg10[%parallel_loop3A_195, %parallel_loop3A_196, %parallel_loop3A_197] {strides = array<i32>} : memref<6x128x128xf32, #tpu.memory_space<vmem>>, vector<16xf32>,
        tpu.vector_store %arg10[%parallel_loop3A_195, %parallel_loop3A_196, %parallel_loop3A_197], %parallel_loop3A_194 {add = true, strides = array<i32>} : memref<6x128x128xf32, #tpu.memory_space<vmem>>, vector<16xf32>,
        %parallel_loop3A_199 = arith.index_cast %parallel_loop3A_166 : i32 to index
        %parallel_loop3A_200 = arith.constant 64 : index
        %parallel_loop3A_201 = tpu.vector_load %arg9[%parallel_loop3A_199, %parallel_loop3A_200] {strides = array<i32>} : memref<13x128xf32, #tpu.memory_space<vmem>>, vector<16xf32>,
        %parallel_loop3A_202 = arith.index_cast %rem3A_59 : i32 to index
        %parallel_loop3A_203 = arith.index_cast %parallel_loop3A_170 : i32 to index
        %parallel_loop3A_204 = arith.constant 64 : index
        %parallel_loop3A_205 = tpu.vector_load %arg10[%parallel_loop3A_202, %parallel_loop3A_203, %parallel_loop3A_204] {strides = array<i32>} : memref<6x128x128xf32, #tpu.memory_space<vmem>>, vector<16xf32>,
        tpu.vector_store %arg10[%parallel_loop3A_202, %parallel_loop3A_203, %parallel_loop3A_204], %parallel_loop3A_201 {add = true, strides = array<i32>} : memref<6x128x128xf32, #tpu.memory_space<vmem>>, vector<16xf32>,
        %parallel_loop3A_206 = arith.index_cast %parallel_loop3A_166 : i32 to index
        %parallel_loop3A_207 = arith.constant 80 : index
        %parallel_loop3A_208 = tpu.vector_load %arg9[%parallel_loop3A_206, %parallel_loop3A_207] {strides = array<i32>} : memref<13x128xf32, #tpu.memory_space<vmem>>, vector<16xf32>,
        %parallel_loop3A_209 = arith.index_cast %rem3A_59 : i32 to index
        %parallel_loop3A_210 = arith.index_cast %parallel_loop3A_170 : i32 to index
        %parallel_loop3A_211 = arith.constant 80 : index
        %parallel_loop3A_212 = tpu.vector_load %arg10[%parallel_loop3A_209, %parallel_loop3A_210, %parallel_loop3A_211] {strides = array<i32>} : memref<6x128x128xf32, #tpu.memory_space<vmem>>, vector<16xf32>,
        tpu.vector_store %arg10[%parallel_loop3A_209, %parallel_loop3A_210, %parallel_loop3A_211], %parallel_loop3A_208 {add = true, strides = array<i32>} : memref<6x128x128xf32, #tpu.memory_space<vmem>>, vector<16xf32>,
        %parallel_loop3A_213 = arith.index_cast %parallel_loop3A_166 : i32 to index
        %parallel_loop3A_214 = arith.constant 96 : index
        %parallel_loop3A_215 = tpu.vector_load %arg9[%parallel_loop3A_213, %parallel_loop3A_214] {strides = array<i32>} : memref<13x128xf32, #tpu.memory_space<vmem>>, vector<16xf32>,
        %parallel_loop3A_216 = arith.index_cast %rem3A_59 : i32 to index
        %parallel_loop3A_217 = arith.index_cast %parallel_loop3A_170 : i32 to index
        %parallel_loop3A_218 = arith.constant 96 : index
        %parallel_loop3A_219 = tpu.vector_load %arg10[%parallel_loop3A_216, %parallel_loop3A_217, %parallel_loop3A_218] {strides = array<i32>} : memref<6x128x128xf32, #tpu.memory_space<vmem>>, vector<16xf32>,
        tpu.vector_store %arg10[%parallel_loop3A_216, %parallel_loop3A_217, %parallel_loop3A_218], %parallel_loop3A_215 {add = true, strides = array<i32>} : memref<6x128x128xf32, #tpu.memory_space<vmem>>, vector<16xf32>,
        %parallel_loop3A_220 = arith.index_cast %parallel_loop3A_166 : i32 to index
        %parallel_loop3A_221 = arith.constant 112 : index
        %parallel_loop3A_222 = tpu.vector_load %arg9[%parallel_loop3A_220, %parallel_loop3A_221] {strides = array<i32>} : memref<13x128xf32, #tpu.memory_space<vmem>>, vector<16xf32>,
        %parallel_loop3A_223 = arith.index_cast %rem3A_59 : i32 to index
        %parallel_loop3A_224 = arith.index_cast %parallel_loop3A_170 : i32 to index
        %parallel_loop3A_225 = arith.constant 112 : index
        %parallel_loop3A_226 = tpu.vector_load %arg10[%parallel_loop3A_223, %parallel_loop3A_224, %parallel_loop3A_225] {strides = array<i32>} : memref<6x128x128xf32, #tpu.memory_space<vmem>>, vector<16xf32>,
        tpu.vector_store %arg10[%parallel_loop3A_223, %parallel_loop3A_224, %parallel_loop3A_225], %parallel_loop3A_222 {add = true, strides = array<i32>} : memref<6x128x128xf32, #tpu.memory_space<vmem>>, vector<16xf32>,
        %parallel_loop3A_227 = vector.extract_strided_slice %parallel_loop3A_102 {offsets = [2], sizes = [1], strides = [1]} : vector<16xi32> to vector<1xi32>
        %parallel_loop3A_228 = vector.extract %parallel_loop3A_227[0] : i32 from vector<1xi32>
        %parallel_loop3A_229 = arith.constant 16 : i32
        %parallel_loop3A_230 = arith.muli %parallel_loop3A_97, %parallel_loop3A_229 : i32
        %parallel_loop3A_231 = arith.constant 2 : i32
        %parallel_loop3A_232 = arith.addi %parallel_loop3A_230, %parallel_loop3A_231 : i32
        %parallel_loop3A_233 = arith.index_cast %parallel_loop3A_228 : i32 to index
        %parallel_loop3A_234 = arith.constant 0 : index
        %parallel_loop3A_235 = tpu.vector_load %arg9[%parallel_loop3A_233, %parallel_loop3A_234] {strides = array<i32>} : memref<13x128xf32, #tpu.memory_space<vmem>>, vector<16xf32>,
        %parallel_loop3A_236 = arith.index_cast %rem3A_59 : i32 to index
        %parallel_loop3A_237 = arith.index_cast %parallel_loop3A_232 : i32 to index
        %parallel_loop3A_238 = arith.constant 0 : index
        %parallel_loop3A_239 = tpu.vector_load %arg10[%parallel_loop3A_236, %parallel_loop3A_237, %parallel_loop3A_238] {strides = array<i32>} : memref<6x128x128xf32, #tpu.memory_space<vmem>>, vector<16xf32>,
        tpu.vector_store %arg10[%parallel_loop3A_236, %parallel_loop3A_237, %parallel_loop3A_238], %parallel_loop3A_235 {add = true, strides = array<i32>} : memref<6x128x128xf32, #tpu.memory_space<vmem>>, vector<16xf32>,
        %parallel_loop3A_240 = arith.index_cast %parallel_loop3A_228 : i32 to index
        %parallel_loop3A_241 = arith.constant 16 : index
        %parallel_loop3A_242 = tpu.vector_load %arg9[%parallel_loop3A_240, %parallel_loop3A_241] {strides = array<i32>} : memref<13x128xf32, #tpu.memory_space<vmem>>, vector<16xf32>,
        %parallel_loop3A_243 = arith.index_cast %rem3A_59 : i32 to index
        %parallel_loop3A_244 = arith.index_cast %parallel_loop3A_232 : i32 to index
        %parallel_loop3A_245 = arith.constant 16 : index
        %parallel_loop3A_246 = tpu.vector_load %arg10[%parallel_loop3A_243, %parallel_loop3A_244, %parallel_loop3A_245] {strides = array<i32>} : memref<6x128x128xf32, #tpu.memory_space<vmem>>, vector<16xf32>,
        tpu.vector_store %arg10[%parallel_loop3A_243, %parallel_loop3A_244, %parallel_loop3A_245], %parallel_loop3A_242 {add = true, strides = array<i32>} : memref<6x128x128xf32, #tpu.memory_space<vmem>>, vector<16xf32>,
        %parallel_loop3A_247 = arith.index_cast %parallel_loop3A_228 : i32 to index
        %parallel_loop3A_248 = arith.constant 32 : index
        %parallel_loop3A_249 = tpu.vector_load %arg9[%parallel_loop3A_247, %parallel_loop3A_248] {strides = array<i32>} : memref<13x128xf32, #tpu.memory_space<vmem>>, vector<16xf32>,
        %parallel_loop3A_250 = arith.index_cast %rem3A_59 : i32 to index
        %parallel_loop3A_251 = arith.index_cast %parallel_loop3A_232 : i32 to index
        %parallel_loop3A_252 = arith.constant 32 : index
        %parallel_loop3A_253 = tpu.vector_load %arg10[%parallel_loop3A_250, %parallel_loop3A_251, %parallel_loop3A_252] {strides = array<i32>} : memref<6x128x128xf32, #tpu.memory_space<vmem>>, vector<16xf32>,
        tpu.vector_store %arg10[%parallel_loop3A_250, %parallel_loop3A_251, %parallel_loop3A_252], %parallel_loop3A_249 {add = true, strides = array<i32>} : memref<6x128x128xf32, #tpu.memory_space<vmem>>, vector<16xf32>,
        %parallel_loop3A_254 = arith.index_cast %parallel_loop3A_228 : i32 to index
        %parallel_loop3A_255 = arith.constant 48 : index
        %parallel_loop3A_256 = tpu.vector_load %arg9[%parallel_loop3A_254, %parallel_loop3A_255] {strides = array<i32>} : memref<13x128xf32, #tpu.memory_space<vmem>>, vector<16xf32>,
        %parallel_loop3A_257 = arith.index_cast %rem3A_59 : i32 to index
        %parallel_loop3A_258 = arith.index_cast %parallel_loop3A_232 : i32 to index
        %parallel_loop3A_259 = arith.constant 48 : index
        %parallel_loop3A_260 = tpu.vector_load %arg10[%parallel_loop3A_257, %parallel_loop3A_258, %parallel_loop3A_259] {strides = array<i32>} : memref<6x128x128xf32, #tpu.memory_space<vmem>>, vector<16xf32>,
        tpu.vector_store %arg10[%parallel_loop3A_257, %parallel_loop3A_258, %parallel_loop3A_259], %parallel_loop3A_256 {add = true, strides = array<i32>} : memref<6x128x128xf32, #tpu.memory_space<vmem>>, vector<16xf32>,
        %parallel_loop3A_261 = arith.index_cast %parallel_loop3A_228 : i32 to index
        %parallel_loop3A_262 = arith.constant 64 : index
        %parallel_loop3A_263 = tpu.vector_load %arg9[%parallel_loop3A_261, %parallel_loop3A_262] {strides = array<i32>} : memref<13x128xf32, #tpu.memory_space<vmem>>, vector<16xf32>,
        %parallel_loop3A_264 = arith.index_cast %rem3A_59 : i32 to index
        %parallel_loop3A_265 = arith.index_cast %parallel_loop3A_232 : i32 to index
        %parallel_loop3A_266 = arith.constant 64 : index
        %parallel_loop3A_267 = tpu.vector_load %arg10[%parallel_loop3A_264, %parallel_loop3A_265, %parallel_loop3A_266] {strides = array<i32>} : memref<6x128x128xf32, #tpu.memory_space<vmem>>, vector<16xf32>,
        tpu.vector_store %arg10[%parallel_loop3A_264, %parallel_loop3A_265, %parallel_loop3A_266], %parallel_loop3A_263 {add = true, strides = array<i32>} : memref<6x128x128xf32, #tpu.memory_space<vmem>>, vector<16xf32>,
        %parallel_loop3A_268 = arith.index_cast %parallel_loop3A_228 : i32 to index
        %parallel_loop3A_269 = arith.constant 80 : index
        %parallel_loop3A_270 = tpu.vector_load %arg9[%parallel_loop3A_268, %parallel_loop3A_269] {strides = array<i32>} : memref<13x128xf32, #tpu.memory_space<vmem>>, vector<16xf32>,
        %parallel_loop3A_271 = arith.index_cast %rem3A_59 : i32 to index
        %parallel_loop3A_272 = arith.index_cast %parallel_loop3A_232 : i32 to index
        %parallel_loop3A_273 = arith.constant 80 : index
        %parallel_loop3A_274 = tpu.vector_load %arg10[%parallel_loop3A_271, %parallel_loop3A_272, %parallel_loop3A_273] {strides = array<i32>} : memref<6x128x128xf32, #tpu.memory_space<vmem>>, vector<16xf32>,
        tpu.vector_store %arg10[%parallel_loop3A_271, %parallel_loop3A_272, %parallel_loop3A_273], %parallel_loop3A_270 {add = true, strides = array<i32>} : memref<6x128x128xf32, #tpu.memory_space<vmem>>, vector<16xf32>,
        %parallel_loop3A_275 = arith.index_cast %parallel_loop3A_228 : i32 to index
        %parallel_loop3A_276 = arith.constant 96 : index
        %parallel_loop3A_277 = tpu.vector_load %arg9[%parallel_loop3A_275, %parallel_loop3A_276] {strides = array<i32>} : memref<13x128xf32, #tpu.memory_space<vmem>>, vector<16xf32>,
        %parallel_loop3A_278 = arith.index_cast %rem3A_59 : i32 to index
        %parallel_loop3A_279 = arith.index_cast %parallel_loop3A_232 : i32 to index
        %parallel_loop3A_280 = arith.constant 96 : index
        %parallel_loop3A_281 = tpu.vector_load %arg10[%parallel_loop3A_278, %parallel_loop3A_279, %parallel_loop3A_280] {strides = array<i32>} : memref<6x128x128xf32, #tpu.memory_space<vmem>>, vector<16xf32>,
        tpu.vector_store %arg10[%parallel_loop3A_278, %parallel_loop3A_279, %parallel_loop3A_280], %parallel_loop3A_277 {add = true, strides = array<i32>} : memref<6x128x128xf32, #tpu.memory_space<vmem>>, vector<16xf32>,
        %parallel_loop3A_282 = arith.index_cast %parallel_loop3A_228 : i32 to index
        %parallel_loop3A_283 = arith.constant 112 : index
        %parallel_loop3A_284 = tpu.vector_load %arg9[%parallel_loop3A_282, %parallel_loop3A_283] {strides = array<i32>} : memref<13x128xf32, #tpu.memory_space<vmem>>, vector<16xf32>,
        %parallel_loop3A_285 = arith.index_cast %rem3A_59 : i32 to index
        %parallel_loop3A_286 = arith.index_cast %parallel_loop3A_232 : i32 to index
        %parallel_loop3A_287 = arith.constant 112 : index
        %parallel_loop3A_288 = tpu.vector_load %arg10[%parallel_loop3A_285, %parallel_loop3A_286, %parallel_loop3A_287] {strides = array<i32>} : memref<6x128x128xf32, #tpu.memory_space<vmem>>, vector<16xf32>,
        tpu.vector_store %arg10[%parallel_loop3A_285, %parallel_loop3A_286, %parallel_loop3A_287], %parallel_loop3A_284 {add = true, strides = array<i32>} : memref<6x128x128xf32, #tpu.memory_space<vmem>>, vector<16xf32>,
        %parallel_loop3A_289 = vector.extract_strided_slice %parallel_loop3A_102 {offsets = [3], sizes = [1], strides = [1]} : vector<16xi32> to vector<1xi32>
        %parallel_loop3A_290 = vector.extract %parallel_loop3A_289[0] : i32 from vector<1xi32>
        %parallel_loop3A_291 = arith.constant 16 : i32
        %parallel_loop3A_292 = arith.muli %parallel_loop3A_97, %parallel_loop3A_291 : i32
        %parallel_loop3A_293 = arith.constant 3 : i32
        %parallel_loop3A_294 = arith.addi %parallel_loop3A_292, %parallel_loop3A_293 : i32
        %parallel_loop3A_295 = arith.index_cast %parallel_loop3A_290 : i32 to index
        %parallel_loop3A_296 = arith.constant 0 : index
        %parallel_loop3A_297 = tpu.vector_load %arg9[%parallel_loop3A_295, %parallel_loop3A_296] {strides = array<i32>} : memref<13x128xf32, #tpu.memory_space<vmem>>, vector<16xf32>,
        %parallel_loop3A_298 = arith.index_cast %rem3A_59 : i32 to index
        %parallel_loop3A_299 = arith.index_cast %parallel_loop3A_294 : i32 to index
        %parallel_loop3A_300 = arith.constant 0 : index
        %parallel_loop3A_301 = tpu.vector_load %arg10[%parallel_loop3A_298, %parallel_loop3A_299, %parallel_loop3A_300] {strides = array<i32>} : memref<6x128x128xf32, #tpu.memory_space<vmem>>, vector<16xf32>,
        tpu.vector_store %arg10[%parallel_loop3A_298, %parallel_loop3A_299, %parallel_loop3A_300], %parallel_loop3A_297 {add = true, strides = array<i32>} : memref<6x128x128xf32, #tpu.memory_space<vmem>>, vector<16xf32>,
        %parallel_loop3A_302 = arith.index_cast %parallel_loop3A_290 : i32 to index
        %parallel_loop3A_303 = arith.constant 16 : index
        %parallel_loop3A_304 = tpu.vector_load %arg9[%parallel_loop3A_302, %parallel_loop3A_303] {strides = array<i32>} : memref<13x128xf32, #tpu.memory_space<vmem>>, vector<16xf32>,
        %parallel_loop3A_305 = arith.index_cast %rem3A_59 : i32 to index
        %parallel_loop3A_306 = arith.index_cast %parallel_loop3A_294 : i32 to index
        %parallel_loop3A_307 = arith.constant 16 : index
        %parallel_loop3A_308 = tpu.vector_load %arg10[%parallel_loop3A_305, %parallel_loop3A_306, %parallel_loop3A_307] {strides = array<i32>} : memref<6x128x128xf32, #tpu.memory_space<vmem>>, vector<16xf32>,
        tpu.vector_store %arg10[%parallel_loop3A_305, %parallel_loop3A_306, %parallel_loop3A_307], %parallel_loop3A_304 {add = true, strides = array<i32>} : memref<6x128x128xf32, #tpu.memory_space<vmem>>, vector<16xf32>,
        %parallel_loop3A_309 = arith.index_cast %parallel_loop3A_290 : i32 to index
        %parallel_loop3A_310 = arith.constant 32 : index
        %parallel_loop3A_311 = tpu.vector_load %arg9[%parallel_loop3A_309, %parallel_loop3A_310] {strides = array<i32>} : memref<13x128xf32, #tpu.memory_space<vmem>>, vector<16xf32>,
        %parallel_loop3A_312 = arith.index_cast %rem3A_59 : i32 to index
        %parallel_loop3A_313 = arith.index_cast %parallel_loop3A_294 : i32 to index
        %parallel_loop3A_314 = arith.constant 32 : index
        %parallel_loop3A_315 = tpu.vector_load %arg10[%parallel_loop3A_312, %parallel_loop3A_313, %parallel_loop3A_314] {strides = array<i32>} : memref<6x128x128xf32, #tpu.memory_space<vmem>>, vector<16xf32>,
        tpu.vector_store %arg10[%parallel_loop3A_312, %parallel_loop3A_313, %parallel_loop3A_314], %parallel_loop3A_311 {add = true, strides = array<i32>} : memref<6x128x128xf32, #tpu.memory_space<vmem>>, vector<16xf32>,
        %parallel_loop3A_316 = arith.index_cast %parallel_loop3A_290 : i32 to index
        %parallel_loop3A_317 = arith.constant 48 : index
        %parallel_loop3A_318 = tpu.vector_load %arg9[%parallel_loop3A_316, %parallel_loop3A_317] {strides = array<i32>} : memref<13x128xf32, #tpu.memory_space<vmem>>, vector<16xf32>,
        %parallel_loop3A_319 = arith.index_cast %rem3A_59 : i32 to index
        %parallel_loop3A_320 = arith.index_cast %parallel_loop3A_294 : i32 to index
        %parallel_loop3A_321 = arith.constant 48 : index
        %parallel_loop3A_322 = tpu.vector_load %arg10[%parallel_loop3A_319, %parallel_loop3A_320, %parallel_loop3A_321] {strides = array<i32>} : memref<6x128x128xf32, #tpu.memory_space<vmem>>, vector<16xf32>,
        tpu.vector_store %arg10[%parallel_loop3A_319, %parallel_loop3A_320, %parallel_loop3A_321], %parallel_loop3A_318 {add = true, strides = array<i32>} : memref<6x128x128xf32, #tpu.memory_space<vmem>>, vector<16xf32>,
        %parallel_loop3A_323 = arith.index_cast %parallel_loop3A_290 : i32 to index
        %parallel_loop3A_324 = arith.constant 64 : index
        %parallel_loop3A_325 = tpu.vector_load %arg9[%parallel_loop3A_323, %parallel_loop3A_324] {strides = array<i32>} : memref<13x128xf32, #tpu.memory_space<vmem>>, vector<16xf32>,
        %parallel_loop3A_326 = arith.index_cast %rem3A_59 : i32 to index
        %parallel_loop3A_327 = arith.index_cast %parallel_loop3A_294 : i32 to index
        %parallel_loop3A_328 = arith.constant 64 : index
        %parallel_loop3A_329 = tpu.vector_load %arg10[%parallel_loop3A_326, %parallel_loop3A_327, %parallel_loop3A_328] {strides = array<i32>} : memref<6x128x128xf32, #tpu.memory_space<vmem>>, vector<16xf32>,
        tpu.vector_store %arg10[%parallel_loop3A_326, %parallel_loop3A_327, %parallel_loop3A_328], %parallel_loop3A_325 {add = true, strides = array<i32>} : memref<6x128x128xf32, #tpu.memory_space<vmem>>, vector<16xf32>,
        %parallel_loop3A_330 = arith.index_cast %parallel_loop3A_290 : i32 to index
        %parallel_loop3A_331 = arith.constant 80 : index
        %parallel_loop3A_332 = tpu.vector_load %arg9[%parallel_loop3A_330, %parallel_loop3A_331] {strides = array<i32>} : memref<13x128xf32, #tpu.memory_space<vmem>>, vector<16xf32>,
        %parallel_loop3A_333 = arith.index_cast %rem3A_59 : i32 to index
        %parallel_loop3A_334 = arith.index_cast %parallel_loop3A_294 : i32 to index
        %parallel_loop3A_335 = arith.constant 80 : index
        %parallel_loop3A_336 = tpu.vector_load %arg10[%parallel_loop3A_333, %parallel_loop3A_334, %parallel_loop3A_335] {strides = array<i32>} : memref<6x128x128xf32, #tpu.memory_space<vmem>>, vector<16xf32>,
        tpu.vector_store %arg10[%parallel_loop3A_333, %parallel_loop3A_334, %parallel_loop3A_335], %parallel_loop3A_332 {add = true, strides = array<i32>} : memref<6x128x128xf32, #tpu.memory_space<vmem>>, vector<16xf32>,
        %parallel_loop3A_337 = arith.index_cast %parallel_loop3A_290 : i32 to index
        %parallel_loop3A_338 = arith.constant 96 : index
        %parallel_loop3A_339 = tpu.vector_load %arg9[%parallel_loop3A_337, %parallel_loop3A_338] {strides = array<i32>} : memref<13x128xf32, #tpu.memory_space<vmem>>, vector<16xf32>,
        %parallel_loop3A_340 = arith.index_cast %rem3A_59 : i32 to index
        %parallel_loop3A_341 = arith.index_cast %parallel_loop3A_294 : i32 to index
        %parallel_loop3A_342 = arith.constant 96 : index
        %parallel_loop3A_343 = tpu.vector_load %arg10[%parallel_loop3A_340, %parallel_loop3A_341, %parallel_loop3A_342] {strides = array<i32>} : memref<6x128x128xf32, #tpu.memory_space<vmem>>, vector<16xf32>,
        tpu.vector_store %arg10[%parallel_loop3A_340, %parallel_loop3A_341, %parallel_loop3A_342], %parallel_loop3A_339 {add = true, strides = array<i32>} : memref<6x128x128xf32, #tpu.memory_space<vmem>>, vector<16xf32>,
        %parallel_loop3A_344 = arith.index_cast %parallel_loop3A_290 : i32 to index
        %parallel_loop3A_345 = arith.constant 112 : index
        %parallel_loop3A_346 = tpu.vector_load %arg9[%parallel_loop3A_344, %parallel_loop3A_345] {strides = array<i32>} : memref<13x128xf32, #tpu.memory_space<vmem>>, vector<16xf32>,
        %parallel_loop3A_347 = arith.index_cast %rem3A_59 : i32 to index
        %parallel_loop3A_348 = arith.index_cast %parallel_loop3A_294 : i32 to index
        %parallel_loop3A_349 = arith.constant 112 : index
        %parallel_loop3A_350 = tpu.vector_load %arg10[%parallel_loop3A_347, %parallel_loop3A_348, %parallel_loop3A_349] {strides = array<i32>} : memref<6x128x128xf32, #tpu.memory_space<vmem>>, vector<16xf32>,
        tpu.vector_store %arg10[%parallel_loop3A_347, %parallel_loop3A_348, %parallel_loop3A_349], %parallel_loop3A_346 {add = true, strides = array<i32>} : memref<6x128x128xf32, #tpu.memory_space<vmem>>, vector<16xf32>,
        %parallel_loop3A_351 = vector.extract_strided_slice %parallel_loop3A_102 {offsets = [4], sizes = [1], strides = [1]} : vector<16xi32> to vector<1xi32>
        %parallel_loop3A_352 = vector.extract %parallel_loop3A_351[0] : i32 from vector<1xi32>
        %parallel_loop3A_353 = arith.constant 16 : i32
        %parallel_loop3A_354 = arith.muli %parallel_loop3A_97, %parallel_loop3A_353 : i32
        %parallel_loop3A_355 = arith.constant 4 : i32
        %parallel_loop3A_356 = arith.addi %parallel_loop3A_354, %parallel_loop3A_355 : i32
        %parallel_loop3A_357 = arith.index_cast %parallel_loop3A_352 : i32 to index
        %parallel_loop3A_358 = arith.constant 0 : index
        %parallel_loop3A_359 = tpu.vector_load %arg9[%parallel_loop3A_357, %parallel_loop3A_358] {strides = array<i32>} : memref<13x128xf32, #tpu.memory_space<vmem>>, vector<16xf32>,
        %parallel_loop3A_360 = arith.index_cast %rem3A_59 : i32 to index
        %parallel_loop3A_361 = arith.index_cast %parallel_loop3A_356 : i32 to index
        %parallel_loop3A_362 = arith.constant 0 : index
        %parallel_loop3A_363 = tpu.vector_load %arg10[%parallel_loop3A_360, %parallel_loop3A_361, %parallel_loop3A_362] {strides = array<i32>} : memref<6x128x128xf32, #tpu.memory_space<vmem>>, vector<16xf32>,
        tpu.vector_store %arg10[%parallel_loop3A_360, %parallel_loop3A_361, %parallel_loop3A_362], %parallel_loop3A_359 {add = true, strides = array<i32>} : memref<6x128x128xf32, #tpu.memory_space<vmem>>, vector<16xf32>,
        %parallel_loop3A_364 = arith.index_cast %parallel_loop3A_352 : i32 to index
        %parallel_loop3A_365 = arith.constant 16 : index
        %parallel_loop3A_366 = tpu.vector_load %arg9[%parallel_loop3A_364, %parallel_loop3A_365] {strides = array<i32>} : memref<13x128xf32, #tpu.memory_space<vmem>>, vector<16xf32>,
        %parallel_loop3A_367 = arith.index_cast %rem3A_59 : i32 to index
        %parallel_loop3A_368 = arith.index_cast %parallel_loop3A_356 : i32 to index
        %parallel_loop3A_369 = arith.constant 16 : index
        %parallel_loop3A_370 = tpu.vector_load %arg10[%parallel_loop3A_367, %parallel_loop3A_368, %parallel_loop3A_369] {strides = array<i32>} : memref<6x128x128xf32, #tpu.memory_space<vmem>>, vector<16xf32>,
        tpu.vector_store %arg10[%parallel_loop3A_367, %parallel_loop3A_368, %parallel_loop3A_369], %parallel_loop3A_366 {add = true, strides = array<i32>} : memref<6x128x128xf32, #tpu.memory_space<vmem>>, vector<16xf32>,
        %parallel_loop3A_371 = arith.index_cast %parallel_loop3A_352 : i32 to index
        %parallel_loop3A_372 = arith.constant 32 : index
        %parallel_loop3A_373 = tpu.vector_load %arg9[%parallel_loop3A_371, %parallel_loop3A_372] {strides = array<i32>} : memref<13x128xf32, #tpu.memory_space<vmem>>, vector<16xf32>,
        %parallel_loop3A_374 = arith.index_cast %rem3A_59 : i32 to index
        %parallel_loop3A_375 = arith.index_cast %parallel_loop3A_356 : i32 to index
        %parallel_loop3A_376 = arith.constant 32 : index
        %parallel_loop3A_377 = tpu.vector_load %arg10[%parallel_loop3A_374, %parallel_loop3A_375, %parallel_loop3A_376] {strides = array<i32>} : memref<6x128x128xf32, #tpu.memory_space<vmem>>, vector<16xf32>,
        tpu.vector_store %arg10[%parallel_loop3A_374, %parallel_loop3A_375, %parallel_loop3A_376], %parallel_loop3A_373 {add = true, strides = array<i32>} : memref<6x128x128xf32, #tpu.memory_space<vmem>>, vector<16xf32>,
        %parallel_loop3A_378 = arith.index_cast %parallel_loop3A_352 : i32 to index
        %parallel_loop3A_379 = arith.constant 48 : index
        %parallel_loop3A_380 = tpu.vector_load %arg9[%parallel_loop3A_378, %parallel_loop3A_379] {strides = array<i32>} : memref<13x128xf32, #tpu.memory_space<vmem>>, vector<16xf32>,
        %parallel_loop3A_381 = arith.index_cast %rem3A_59 : i32 to index
        %parallel_loop3A_382 = arith.index_cast %parallel_loop3A_356 : i32 to index
        %parallel_loop3A_383 = arith.constant 48 : index
        %parallel_loop3A_384 = tpu.vector_load %arg10[%parallel_loop3A_381, %parallel_loop3A_382, %parallel_loop3A_383] {strides = array<i32>} : memref<6x128x128xf32, #tpu.memory_space<vmem>>, vector<16xf32>,
        tpu.vector_store %arg10[%parallel_loop3A_381, %parallel_loop3A_382, %parallel_loop3A_383], %parallel_loop3A_380 {add = true, strides = array<i32>} : memref<6x128x128xf32, #tpu.memory_space<vmem>>, vector<16xf32>,
        %parallel_loop3A_385 = arith.index_cast %parallel_loop3A_352 : i32 to index
        %parallel_loop3A_386 = arith.constant 64 : index
        %parallel_loop3A_387 = tpu.vector_load %arg9[%parallel_loop3A_385, %parallel_loop3A_386] {strides = array<i32>} : memref<13x128xf32, #tpu.memory_space<vmem>>, vector<16xf32>,
        %parallel_loop3A_388 = arith.index_cast %rem3A_59 : i32 to index
        %parallel_loop3A_389 = arith.index_cast %parallel_loop3A_356 : i32 to index
        %parallel_loop3A_390 = arith.constant 64 : index
        %parallel_loop3A_391 = tpu.vector_load %arg10[%parallel_loop3A_388, %parallel_loop3A_389, %parallel_loop3A_390] {strides = array<i32>} : memref<6x128x128xf32, #tpu.memory_space<vmem>>, vector<16xf32>,
        tpu.vector_store %arg10[%parallel_loop3A_388, %parallel_loop3A_389, %parallel_loop3A_390], %parallel_loop3A_387 {add = true, strides = array<i32>} : memref<6x128x128xf32, #tpu.memory_space<vmem>>, vector<16xf32>,
        %parallel_loop3A_392 = arith.index_cast %parallel_loop3A_352 : i32 to index
        %parallel_loop3A_393 = arith.constant 80 : index
        %parallel_loop3A_394 = tpu.vector_load %arg9[%parallel_loop3A_392, %parallel_loop3A_393] {strides = array<i32>} : memref<13x128xf32, #tpu.memory_space<vmem>>, vector<16xf32>,
        %parallel_loop3A_395 = arith.index_cast %rem3A_59 : i32 to index
        %parallel_loop3A_396 = arith.index_cast %parallel_loop3A_356 : i32 to index
        %parallel_loop3A_397 = arith.constant 80 : index
        %parallel_loop3A_398 = tpu.vector_load %arg10[%parallel_loop3A_395, %parallel_loop3A_396, %parallel_loop3A_397] {strides = array<i32>} : memref<6x128x128xf32, #tpu.memory_space<vmem>>, vector<16xf32>,
        tpu.vector_store %arg10[%parallel_loop3A_395, %parallel_loop3A_396, %parallel_loop3A_397], %parallel_loop3A_394 {add = true, strides = array<i32>} : memref<6x128x128xf32, #tpu.memory_space<vmem>>, vector<16xf32>,
        %parallel_loop3A_399 = arith.index_cast %parallel_loop3A_352 : i32 to index
        %parallel_loop3A_400 = arith.constant 96 : index
        %parallel_loop3A_401 = tpu.vector_load %arg9[%parallel_loop3A_399, %parallel_loop3A_400] {strides = array<i32>} : memref<13x128xf32, #tpu.memory_space<vmem>>, vector<16xf32>,
        %parallel_loop3A_402 = arith.index_cast %rem3A_59 : i32 to index
        %parallel_loop3A_403 = arith.index_cast %parallel_loop3A_356 : i32 to index
        %parallel_loop3A_404 = arith.constant 96 : index
        %parallel_loop3A_405 = tpu.vector_load %arg10[%parallel_loop3A_402, %parallel_loop3A_403, %parallel_loop3A_404] {strides = array<i32>} : memref<6x128x128xf32, #tpu.memory_space<vmem>>, vector<16xf32>,
        tpu.vector_store %arg10[%parallel_loop3A_402, %parallel_loop3A_403, %parallel_loop3A_404], %parallel_loop3A_401 {add = true, strides = array<i32>} : memref<6x128x128xf32, #tpu.memory_space<vmem>>, vector<16xf32>,
        %parallel_loop3A_406 = arith.index_cast %parallel_loop3A_352 : i32 to index
        %parallel_loop3A_407 = arith.constant 112 : index
        %parallel_loop3A_408 = tpu.vector_load %arg9[%parallel_loop3A_406, %parallel_loop3A_407] {strides = array<i32>} : memref<13x128xf32, #tpu.memory_space<vmem>>, vector<16xf32>,
        %parallel_loop3A_409 = arith.index_cast %rem3A_59 : i32 to index
        %parallel_loop3A_410 = arith.index_cast %parallel_loop3A_356 : i32 to index
        %parallel_loop3A_411 = arith.constant 112 : index
        %parallel_loop3A_412 = tpu.vector_load %arg10[%parallel_loop3A_409, %parallel_loop3A_410, %parallel_loop3A_411] {strides = array<i32>} : memref<6x128x128xf32, #tpu.memory_space<vmem>>, vector<16xf32>,
        tpu.vector_store %arg10[%parallel_loop3A_409, %parallel_loop3A_410, %parallel_loop3A_411], %parallel_loop3A_408 {add = true, strides = array<i32>} : memref<6x128x128xf32, #tpu.memory_space<vmem>>, vector<16xf32>,
        %parallel_loop3A_413 = vector.extract_strided_slice %parallel_loop3A_102 {offsets = [5], sizes = [1], strides = [1]} : vector<16xi32> to vector<1xi32>
        %parallel_loop3A_414 = vector.extract %parallel_loop3A_413[0] : i32 from vector<1xi32>
        %parallel_loop3A_415 = arith.constant 16 : i32
        %parallel_loop3A_416 = arith.muli %parallel_loop3A_97, %parallel_loop3A_415 : i32
        %parallel_loop3A_417 = arith.constant 5 : i32
        %parallel_loop3A_418 = arith.addi %parallel_loop3A_416, %parallel_loop3A_417 : i32
        %parallel_loop3A_419 = arith.index_cast %parallel_loop3A_414 : i32 to index
        %parallel_loop3A_420 = arith.constant 0 : index
        %parallel_loop3A_421 = tpu.vector_load %arg9[%parallel_loop3A_419, %parallel_loop3A_420] {strides = array<i32>} : memref<13x128xf32, #tpu.memory_space<vmem>>, vector<16xf32>,
        %parallel_loop3A_422 = arith.index_cast %rem3A_59 : i32 to index
        %parallel_loop3A_423 = arith.index_cast %parallel_loop3A_418 : i32 to index
        %parallel_loop3A_424 = arith.constant 0 : index
        %parallel_loop3A_425 = tpu.vector_load %arg10[%parallel_loop3A_422, %parallel_loop3A_423, %parallel_loop3A_424] {strides = array<i32>} : memref<6x128x128xf32, #tpu.memory_space<vmem>>, vector<16xf32>,
        tpu.vector_store %arg10[%parallel_loop3A_422, %parallel_loop3A_423, %parallel_loop3A_424], %parallel_loop3A_421 {add = true, strides = array<i32>} : memref<6x128x128xf32, #tpu.memory_space<vmem>>, vector<16xf32>,
        %parallel_loop3A_426 = arith.index_cast %parallel_loop3A_414 : i32 to index
        %parallel_loop3A_427 = arith.constant 16 : index
        %parallel_loop3A_428 = tpu.vector_load %arg9[%parallel_loop3A_426, %parallel_loop3A_427] {strides = array<i32>} : memref<13x128xf32, #tpu.memory_space<vmem>>, vector<16xf32>,
        %parallel_loop3A_429 = arith.index_cast %rem3A_59 : i32 to index
        %parallel_loop3A_430 = arith.index_cast %parallel_loop3A_418 : i32 to index
        %parallel_loop3A_431 = arith.constant 16 : index
        %parallel_loop3A_432 = tpu.vector_load %arg10[%parallel_loop3A_429, %parallel_loop3A_430, %parallel_loop3A_431] {strides = array<i32>} : memref<6x128x128xf32, #tpu.memory_space<vmem>>, vector<16xf32>,
        tpu.vector_store %arg10[%parallel_loop3A_429, %parallel_loop3A_430, %parallel_loop3A_431], %parallel_loop3A_428 {add = true, strides = array<i32>} : memref<6x128x128xf32, #tpu.memory_space<vmem>>, vector<16xf32>,
        %parallel_loop3A_433 = arith.index_cast %parallel_loop3A_414 : i32 to index
        %parallel_loop3A_434 = arith.constant 32 : index
        %parallel_loop3A_435 = tpu.vector_load %arg9[%parallel_loop3A_433, %parallel_loop3A_434] {strides = array<i32>} : memref<13x128xf32, #tpu.memory_space<vmem>>, vector<16xf32>,
        %parallel_loop3A_436 = arith.index_cast %rem3A_59 : i32 to index
        %parallel_loop3A_437 = arith.index_cast %parallel_loop3A_418 : i32 to index
        %parallel_loop3A_438 = arith.constant 32 : index
        %parallel_loop3A_439 = tpu.vector_load %arg10[%parallel_loop3A_436, %parallel_loop3A_437, %parallel_loop3A_438] {strides = array<i32>} : memref<6x128x128xf32, #tpu.memory_space<vmem>>, vector<16xf32>,
        tpu.vector_store %arg10[%parallel_loop3A_436, %parallel_loop3A_437, %parallel_loop3A_438], %parallel_loop3A_435 {add = true, strides = array<i32>} : memref<6x128x128xf32, #tpu.memory_space<vmem>>, vector<16xf32>,
        %parallel_loop3A_440 = arith.index_cast %parallel_loop3A_414 : i32 to index
        %parallel_loop3A_441 = arith.constant 48 : index
        %parallel_loop3A_442 = tpu.vector_load %arg9[%parallel_loop3A_440, %parallel_loop3A_441] {strides = array<i32>} : memref<13x128xf32, #tpu.memory_space<vmem>>, vector<16xf32>,
        %parallel_loop3A_443 = arith.index_cast %rem3A_59 : i32 to index
        %parallel_loop3A_444 = arith.index_cast %parallel_loop3A_418 : i32 to index
        %parallel_loop3A_445 = arith.constant 48 : index
        %parallel_loop3A_446 = tpu.vector_load %arg10[%parallel_loop3A_443, %parallel_loop3A_444, %parallel_loop3A_445] {strides = array<i32>} : memref<6x128x128xf32, #tpu.memory_space<vmem>>, vector<16xf32>,
        tpu.vector_store %arg10[%parallel_loop3A_443, %parallel_loop3A_444, %parallel_loop3A_445], %parallel_loop3A_442 {add = true, strides = array<i32>} : memref<6x128x128xf32, #tpu.memory_space<vmem>>, vector<16xf32>,
        %parallel_loop3A_447 = arith.index_cast %parallel_loop3A_414 : i32 to index
        %parallel_loop3A_448 = arith.constant 64 : index
        %parallel_loop3A_449 = tpu.vector_load %arg9[%parallel_loop3A_447, %parallel_loop3A_448] {strides = array<i32>} : memref<13x128xf32, #tpu.memory_space<vmem>>, vector<16xf32>,
        %parallel_loop3A_450 = arith.index_cast %rem3A_59 : i32 to index
        %parallel_loop3A_451 = arith.index_cast %parallel_loop3A_418 : i32 to index
        %parallel_loop3A_452 = arith.constant 64 : index
        %parallel_loop3A_453 = tpu.vector_load %arg10[%parallel_loop3A_450, %parallel_loop3A_451, %parallel_loop3A_452] {strides = array<i32>} : memref<6x128x128xf32, #tpu.memory_space<vmem>>, vector<16xf32>,
        tpu.vector_store %arg10[%parallel_loop3A_450, %parallel_loop3A_451, %parallel_loop3A_452], %parallel_loop3A_449 {add = true, strides = array<i32>} : memref<6x128x128xf32, #tpu.memory_space<vmem>>, vector<16xf32>,
        %parallel_loop3A_454 = arith.index_cast %parallel_loop3A_414 : i32 to index
        %parallel_loop3A_455 = arith.constant 80 : index
        %parallel_loop3A_456 = tpu.vector_load %arg9[%parallel_loop3A_454, %parallel_loop3A_455] {strides = array<i32>} : memref<13x128xf32, #tpu.memory_space<vmem>>, vector<16xf32>,
        %parallel_loop3A_457 = arith.index_cast %rem3A_59 : i32 to index
        %parallel_loop3A_458 = arith.index_cast %parallel_loop3A_418 : i32 to index
        %parallel_loop3A_459 = arith.constant 80 : index
        %parallel_loop3A_460 = tpu.vector_load %arg10[%parallel_loop3A_457, %parallel_loop3A_458, %parallel_loop3A_459] {strides = array<i32>} : memref<6x128x128xf32, #tpu.memory_space<vmem>>, vector<16xf32>,
        tpu.vector_store %arg10[%parallel_loop3A_457, %parallel_loop3A_458, %parallel_loop3A_459], %parallel_loop3A_456 {add = true, strides = array<i32>} : memref<6x128x128xf32, #tpu.memory_space<vmem>>, vector<16xf32>,
        %parallel_loop3A_461 = arith.index_cast %parallel_loop3A_414 : i32 to index
        %parallel_loop3A_462 = arith.constant 96 : index
        %parallel_loop3A_463 = tpu.vector_load %arg9[%parallel_loop3A_461, %parallel_loop3A_462] {strides = array<i32>} : memref<13x128xf32, #tpu.memory_space<vmem>>, vector<16xf32>,
        %parallel_loop3A_464 = arith.index_cast %rem3A_59 : i32 to index
        %parallel_loop3A_465 = arith.index_cast %parallel_loop3A_418 : i32 to index
        %parallel_loop3A_466 = arith.constant 96 : index
        %parallel_loop3A_467 = tpu.vector_load %arg10[%parallel_loop3A_464, %parallel_loop3A_465, %parallel_loop3A_466] {strides = array<i32>} : memref<6x128x128xf32, #tpu.memory_space<vmem>>, vector<16xf32>,
        tpu.vector_store %arg10[%parallel_loop3A_464, %parallel_loop3A_465, %parallel_loop3A_466], %parallel_loop3A_463 {add = true, strides = array<i32>} : memref<6x128x128xf32, #tpu.memory_space<vmem>>, vector<16xf32>,
        %parallel_loop3A_468 = arith.index_cast %parallel_loop3A_414 : i32 to index
        %parallel_loop3A_469 = arith.constant 112 : index
        %parallel_loop3A_470 = tpu.vector_load %arg9[%parallel_loop3A_468, %parallel_loop3A_469] {strides = array<i32>} : memref<13x128xf32, #tpu.memory_space<vmem>>, vector<16xf32>,
        %parallel_loop3A_471 = arith.index_cast %rem3A_59 : i32 to index
        %parallel_loop3A_472 = arith.index_cast %parallel_loop3A_418 : i32 to index
        %parallel_loop3A_473 = arith.constant 112 : index
        %parallel_loop3A_474 = tpu.vector_load %arg10[%parallel_loop3A_471, %parallel_loop3A_472, %parallel_loop3A_473] {strides = array<i32>} : memref<6x128x128xf32, #tpu.memory_space<vmem>>, vector<16xf32>,
        tpu.vector_store %arg10[%parallel_loop3A_471, %parallel_loop3A_472, %parallel_loop3A_473], %parallel_loop3A_470 {add = true, strides = array<i32>} : memref<6x128x128xf32, #tpu.memory_space<vmem>>, vector<16xf32>,
        %parallel_loop3A_475 = vector.extract_strided_slice %parallel_loop3A_102 {offsets = [6], sizes = [1], strides = [1]} : vector<16xi32> to vector<1xi32>
        %parallel_loop3A_476 = vector.extract %parallel_loop3A_475[0] : i32 from vector<1xi32>
        %parallel_loop3A_477 = arith.constant 16 : i32
        %parallel_loop3A_478 = arith.muli %parallel_loop3A_97, %parallel_loop3A_477 : i32
        %parallel_loop3A_479 = arith.constant 6 : i32
        %parallel_loop3A_480 = arith.addi %parallel_loop3A_478, %parallel_loop3A_479 : i32
        %parallel_loop3A_481 = arith.index_cast %parallel_loop3A_476 : i32 to index
        %parallel_loop3A_482 = arith.constant 0 : index
        %parallel_loop3A_483 = tpu.vector_load %arg9[%parallel_loop3A_481, %parallel_loop3A_482] {strides = array<i32>} : memref<13x128xf32, #tpu.memory_space<vmem>>, vector<16xf32>,
        %parallel_loop3A_484 = arith.index_cast %rem3A_59 : i32 to index
        %parallel_loop3A_485 = arith.index_cast %parallel_loop3A_480 : i32 to index
        %parallel_loop3A_486 = arith.constant 0 : index
        %parallel_loop3A_487 = tpu.vector_load %arg10[%parallel_loop3A_484, %parallel_loop3A_485, %parallel_loop3A_486] {strides = array<i32>} : memref<6x128x128xf32, #tpu.memory_space<vmem>>, vector<16xf32>,
        tpu.vector_store %arg10[%parallel_loop3A_484, %parallel_loop3A_485, %parallel_loop3A_486], %parallel_loop3A_483 {add = true, strides = array<i32>} : memref<6x128x128xf32, #tpu.memory_space<vmem>>, vector<16xf32>,
        %parallel_loop3A_488 = arith.index_cast %parallel_loop3A_476 : i32 to index
        %parallel_loop3A_489 = arith.constant 16 : index
        %parallel_loop3A_490 = tpu.vector_load %arg9[%parallel_loop3A_488, %parallel_loop3A_489] {strides = array<i32>} : memref<13x128xf32, #tpu.memory_space<vmem>>, vector<16xf32>,
        %parallel_loop3A_491 = arith.index_cast %rem3A_59 : i32 to index
        %parallel_loop3A_492 = arith.index_cast %parallel_loop3A_480 : i32 to index
        %parallel_loop3A_493 = arith.constant 16 : index
        %parallel_loop3A_494 = tpu.vector_load %arg10[%parallel_loop3A_491, %parallel_loop3A_492, %parallel_loop3A_493] {strides = array<i32>} : memref<6x128x128xf32, #tpu.memory_space<vmem>>, vector<16xf32>,
        tpu.vector_store %arg10[%parallel_loop3A_491, %parallel_loop3A_492, %parallel_loop3A_493], %parallel_loop3A_490 {add = true, strides = array<i32>} : memref<6x128x128xf32, #tpu.memory_space<vmem>>, vector<16xf32>,
        %parallel_loop3A_495 = arith.index_cast %parallel_loop3A_476 : i32 to index
        %parallel_loop3A_496 = arith.constant 32 : index
        %parallel_loop3A_497 = tpu.vector_load %arg9[%parallel_loop3A_495, %parallel_loop3A_496] {strides = array<i32>} : memref<13x128xf32, #tpu.memory_space<vmem>>, vector<16xf32>,
        %parallel_loop3A_498 = arith.index_cast %rem3A_59 : i32 to index
        %parallel_loop3A_499 = arith.index_cast %parallel_loop3A_480 : i32 to index
        %parallel_loop3A_500 = arith.constant 32 : index
        %parallel_loop3A_501 = tpu.vector_load %arg10[%parallel_loop3A_498, %parallel_loop3A_499, %parallel_loop3A_500] {strides = array<i32>} : memref<6x128x128xf32, #tpu.memory_space<vmem>>, vector<16xf32>,
        tpu.vector_store %arg10[%parallel_loop3A_498, %parallel_loop3A_499, %parallel_loop3A_500], %parallel_loop3A_497 {add = true, strides = array<i32>} : memref<6x128x128xf32, #tpu.memory_space<vmem>>, vector<16xf32>,
        %parallel_loop3A_502 = arith.index_cast %parallel_loop3A_476 : i32 to index
        %parallel_loop3A_503 = arith.constant 48 : index
        %parallel_loop3A_504 = tpu.vector_load %arg9[%parallel_loop3A_502, %parallel_loop3A_503] {strides = array<i32>} : memref<13x128xf32, #tpu.memory_space<vmem>>, vector<16xf32>,
        %parallel_loop3A_505 = arith.index_cast %rem3A_59 : i32 to index
        %parallel_loop3A_506 = arith.index_cast %parallel_loop3A_480 : i32 to index
        %parallel_loop3A_507 = arith.constant 48 : index
        %parallel_loop3A_508 = tpu.vector_load %arg10[%parallel_loop3A_505, %parallel_loop3A_506, %parallel_loop3A_507] {strides = array<i32>} : memref<6x128x128xf32, #tpu.memory_space<vmem>>, vector<16xf32>,
        tpu.vector_store %arg10[%parallel_loop3A_505, %parallel_loop3A_506, %parallel_loop3A_507], %parallel_loop3A_504 {add = true, strides = array<i32>} : memref<6x128x128xf32, #tpu.memory_space<vmem>>, vector<16xf32>,
        %parallel_loop3A_509 = arith.index_cast %parallel_loop3A_476 : i32 to index
        %parallel_loop3A_510 = arith.constant 64 : index
        %parallel_loop3A_511 = tpu.vector_load %arg9[%parallel_loop3A_509, %parallel_loop3A_510] {strides = array<i32>} : memref<13x128xf32, #tpu.memory_space<vmem>>, vector<16xf32>,
        %parallel_loop3A_512 = arith.index_cast %rem3A_59 : i32 to index
        %parallel_loop3A_513 = arith.index_cast %parallel_loop3A_480 : i32 to index
        %parallel_loop3A_514 = arith.constant 64 : index
        %parallel_loop3A_515 = tpu.vector_load %arg10[%parallel_loop3A_512, %parallel_loop3A_513, %parallel_loop3A_514] {strides = array<i32>} : memref<6x128x128xf32, #tpu.memory_space<vmem>>, vector<16xf32>,
        tpu.vector_store %arg10[%parallel_loop3A_512, %parallel_loop3A_513, %parallel_loop3A_514], %parallel_loop3A_511 {add = true, strides = array<i32>} : memref<6x128x128xf32, #tpu.memory_space<vmem>>, vector<16xf32>,
        %parallel_loop3A_516 = arith.index_cast %parallel_loop3A_476 : i32 to index
        %parallel_loop3A_517 = arith.constant 80 : index
        %parallel_loop3A_518 = tpu.vector_load %arg9[%parallel_loop3A_516, %parallel_loop3A_517] {strides = array<i32>} : memref<13x128xf32, #tpu.memory_space<vmem>>, vector<16xf32>,
        %parallel_loop3A_519 = arith.index_cast %rem3A_59 : i32 to index
        %parallel_loop3A_520 = arith.index_cast %parallel_loop3A_480 : i32 to index
        %parallel_loop3A_521 = arith.constant 80 : index
        %parallel_loop3A_522 = tpu.vector_load %arg10[%parallel_loop3A_519, %parallel_loop3A_520, %parallel_loop3A_521] {strides = array<i32>} : memref<6x128x128xf32, #tpu.memory_space<vmem>>, vector<16xf32>,
        tpu.vector_store %arg10[%parallel_loop3A_519, %parallel_loop3A_520, %parallel_loop3A_521], %parallel_loop3A_518 {add = true, strides = array<i32>} : memref<6x128x128xf32, #tpu.memory_space<vmem>>, vector<16xf32>,
        %parallel_loop3A_523 = arith.index_cast %parallel_loop3A_476 : i32 to index
        %parallel_loop3A_524 = arith.constant 96 : index
        %parallel_loop3A_525 = tpu.vector_load %arg9[%parallel_loop3A_523, %parallel_loop3A_524] {strides = array<i32>} : memref<13x128xf32, #tpu.memory_space<vmem>>, vector<16xf32>,
        %parallel_loop3A_526 = arith.index_cast %rem3A_59 : i32 to index
        %parallel_loop3A_527 = arith.index_cast %parallel_loop3A_480 : i32 to index
        %parallel_loop3A_528 = arith.constant 96 : index
        %parallel_loop3A_529 = tpu.vector_load %arg10[%parallel_loop3A_526, %parallel_loop3A_527, %parallel_loop3A_528] {strides = array<i32>} : memref<6x128x128xf32, #tpu.memory_space<vmem>>, vector<16xf32>,
        tpu.vector_store %arg10[%parallel_loop3A_526, %parallel_loop3A_527, %parallel_loop3A_528], %parallel_loop3A_525 {add = true, strides = array<i32>} : memref<6x128x128xf32, #tpu.memory_space<vmem>>, vector<16xf32>,
        %parallel_loop3A_530 = arith.index_cast %parallel_loop3A_476 : i32 to index
        %parallel_loop3A_531 = arith.constant 112 : index
        %parallel_loop3A_532 = tpu.vector_load %arg9[%parallel_loop3A_530, %parallel_loop3A_531] {strides = array<i32>} : memref<13x128xf32, #tpu.memory_space<vmem>>, vector<16xf32>,
        %parallel_loop3A_533 = arith.index_cast %rem3A_59 : i32 to index
        %parallel_loop3A_534 = arith.index_cast %parallel_loop3A_480 : i32 to index
        %parallel_loop3A_535 = arith.constant 112 : index
        %parallel_loop3A_536 = tpu.vector_load %arg10[%parallel_loop3A_533, %parallel_loop3A_534, %parallel_loop3A_535] {strides = array<i32>} : memref<6x128x128xf32, #tpu.memory_space<vmem>>, vector<16xf32>,
        tpu.vector_store %arg10[%parallel_loop3A_533, %parallel_loop3A_534, %parallel_loop3A_535], %parallel_loop3A_532 {add = true, strides = array<i32>} : memref<6x128x128xf32, #tpu.memory_space<vmem>>, vector<16xf32>,
        %parallel_loop3A_537 = vector.extract_strided_slice %parallel_loop3A_102 {offsets = [7], sizes = [1], strides = [1]} : vector<16xi32> to vector<1xi32>
        %parallel_loop3A_538 = vector.extract %parallel_loop3A_537[0] : i32 from vector<1xi32>
        %parallel_loop3A_539 = arith.constant 16 : i32
        %parallel_loop3A_540 = arith.muli %parallel_loop3A_97, %parallel_loop3A_539 : i32
        %parallel_loop3A_541 = arith.constant 7 : i32
        %parallel_loop3A_542 = arith.addi %parallel_loop3A_540, %parallel_loop3A_541 : i32
        %parallel_loop3A_543 = arith.index_cast %parallel_loop3A_538 : i32 to index
        %parallel_loop3A_544 = arith.constant 0 : index
        %parallel_loop3A_545 = tpu.vector_load %arg9[%parallel_loop3A_543, %parallel_loop3A_544] {strides = array<i32>} : memref<13x128xf32, #tpu.memory_space<vmem>>, vector<16xf32>,
        %parallel_loop3A_546 = arith.index_cast %rem3A_59 : i32 to index
        %parallel_loop3A_547 = arith.index_cast %parallel_loop3A_542 : i32 to index
        %parallel_loop3A_548 = arith.constant 0 : index
        %parallel_loop3A_549 = tpu.vector_load %arg10[%parallel_loop3A_546, %parallel_loop3A_547, %parallel_loop3A_548] {strides = array<i32>} : memref<6x128x128xf32, #tpu.memory_space<vmem>>, vector<16xf32>,
        tpu.vector_store %arg10[%parallel_loop3A_546, %parallel_loop3A_547, %parallel_loop3A_548], %parallel_loop3A_545 {add = true, strides = array<i32>} : memref<6x128x128xf32, #tpu.memory_space<vmem>>, vector<16xf32>,
        %parallel_loop3A_550 = arith.index_cast %parallel_loop3A_538 : i32 to index
        %parallel_loop3A_551 = arith.constant 16 : index
        %parallel_loop3A_552 = tpu.vector_load %arg9[%parallel_loop3A_550, %parallel_loop3A_551] {strides = array<i32>} : memref<13x128xf32, #tpu.memory_space<vmem>>, vector<16xf32>,
        %parallel_loop3A_553 = arith.index_cast %rem3A_59 : i32 to index
        %parallel_loop3A_554 = arith.index_cast %parallel_loop3A_542 : i32 to index
        %parallel_loop3A_555 = arith.constant 16 : index
        %parallel_loop3A_556 = tpu.vector_load %arg10[%parallel_loop3A_553, %parallel_loop3A_554, %parallel_loop3A_555] {strides = array<i32>} : memref<6x128x128xf32, #tpu.memory_space<vmem>>, vector<16xf32>,
        tpu.vector_store %arg10[%parallel_loop3A_553, %parallel_loop3A_554, %parallel_loop3A_555], %parallel_loop3A_552 {add = true, strides = array<i32>} : memref<6x128x128xf32, #tpu.memory_space<vmem>>, vector<16xf32>,
        %parallel_loop3A_557 = arith.index_cast %parallel_loop3A_538 : i32 to index
        %parallel_loop3A_558 = arith.constant 32 : index
        %parallel_loop3A_559 = tpu.vector_load %arg9[%parallel_loop3A_557, %parallel_loop3A_558] {strides = array<i32>} : memref<13x128xf32, #tpu.memory_space<vmem>>, vector<16xf32>,
        %parallel_loop3A_560 = arith.index_cast %rem3A_59 : i32 to index
        %parallel_loop3A_561 = arith.index_cast %parallel_loop3A_542 : i32 to index
        %parallel_loop3A_562 = arith.constant 32 : index
        %parallel_loop3A_563 = tpu.vector_load %arg10[%parallel_loop3A_560, %parallel_loop3A_561, %parallel_loop3A_562] {strides = array<i32>} : memref<6x128x128xf32, #tpu.memory_space<vmem>>, vector<16xf32>,
        tpu.vector_store %arg10[%parallel_loop3A_560, %parallel_loop3A_561, %parallel_loop3A_562], %parallel_loop3A_559 {add = true, strides = array<i32>} : memref<6x128x128xf32, #tpu.memory_space<vmem>>, vector<16xf32>,
        %parallel_loop3A_564 = arith.index_cast %parallel_loop3A_538 : i32 to index
        %parallel_loop3A_565 = arith.constant 48 : index
        %parallel_loop3A_566 = tpu.vector_load %arg9[%parallel_loop3A_564, %parallel_loop3A_565] {strides = array<i32>} : memref<13x128xf32, #tpu.memory_space<vmem>>, vector<16xf32>,
        %parallel_loop3A_567 = arith.index_cast %rem3A_59 : i32 to index
        %parallel_loop3A_568 = arith.index_cast %parallel_loop3A_542 : i32 to index
        %parallel_loop3A_569 = arith.constant 48 : index
        %parallel_loop3A_570 = tpu.vector_load %arg10[%parallel_loop3A_567, %parallel_loop3A_568, %parallel_loop3A_569] {strides = array<i32>} : memref<6x128x128xf32, #tpu.memory_space<vmem>>, vector<16xf32>,
        tpu.vector_store %arg10[%parallel_loop3A_567, %parallel_loop3A_568, %parallel_loop3A_569], %parallel_loop3A_566 {add = true, strides = array<i32>} : memref<6x128x128xf32, #tpu.memory_space<vmem>>, vector<16xf32>,
        %parallel_loop3A_571 = arith.index_cast %parallel_loop3A_538 : i32 to index
        %parallel_loop3A_572 = arith.constant 64 : index
        %parallel_loop3A_573 = tpu.vector_load %arg9[%parallel_loop3A_571, %parallel_loop3A_572] {strides = array<i32>} : memref<13x128xf32, #tpu.memory_space<vmem>>, vector<16xf32>,
        %parallel_loop3A_574 = arith.index_cast %rem3A_59 : i32 to index
        %parallel_loop3A_575 = arith.index_cast %parallel_loop3A_542 : i32 to index
        %parallel_loop3A_576 = arith.constant 64 : index
        %parallel_loop3A_577 = tpu.vector_load %arg10[%parallel_loop3A_574, %parallel_loop3A_575, %parallel_loop3A_576] {strides = array<i32>} : memref<6x128x128xf32, #tpu.memory_space<vmem>>, vector<16xf32>,
        tpu.vector_store %arg10[%parallel_loop3A_574, %parallel_loop3A_575, %parallel_loop3A_576], %parallel_loop3A_573 {add = true, strides = array<i32>} : memref<6x128x128xf32, #tpu.memory_space<vmem>>, vector<16xf32>,
        %parallel_loop3A_578 = arith.index_cast %parallel_loop3A_538 : i32 to index
        %parallel_loop3A_579 = arith.constant 80 : index
        %parallel_loop3A_580 = tpu.vector_load %arg9[%parallel_loop3A_578, %parallel_loop3A_579] {strides = array<i32>} : memref<13x128xf32, #tpu.memory_space<vmem>>, vector<16xf32>,
        %parallel_loop3A_581 = arith.index_cast %rem3A_59 : i32 to index
        %parallel_loop3A_582 = arith.index_cast %parallel_loop3A_542 : i32 to index
        %parallel_loop3A_583 = arith.constant 80 : index
        %parallel_loop3A_584 = tpu.vector_load %arg10[%parallel_loop3A_581, %parallel_loop3A_582, %parallel_loop3A_583] {strides = array<i32>} : memref<6x128x128xf32, #tpu.memory_space<vmem>>, vector<16xf32>,
        tpu.vector_store %arg10[%parallel_loop3A_581, %parallel_loop3A_582, %parallel_loop3A_583], %parallel_loop3A_580 {add = true, strides = array<i32>} : memref<6x128x128xf32, #tpu.memory_space<vmem>>, vector<16xf32>,
        %parallel_loop3A_585 = arith.index_cast %parallel_loop3A_538 : i32 to index
        %parallel_loop3A_586 = arith.constant 96 : index
        %parallel_loop3A_587 = tpu.vector_load %arg9[%parallel_loop3A_585, %parallel_loop3A_586] {strides = array<i32>} : memref<13x128xf32, #tpu.memory_space<vmem>>, vector<16xf32>,
        %parallel_loop3A_588 = arith.index_cast %rem3A_59 : i32 to index
        %parallel_loop3A_589 = arith.index_cast %parallel_loop3A_542 : i32 to index
        %parallel_loop3A_590 = arith.constant 96 : index
        %parallel_loop3A_591 = tpu.vector_load %arg10[%parallel_loop3A_588, %parallel_loop3A_589, %parallel_loop3A_590] {strides = array<i32>} : memref<6x128x128xf32, #tpu.memory_space<vmem>>, vector<16xf32>,
        tpu.vector_store %arg10[%parallel_loop3A_588, %parallel_loop3A_589, %parallel_loop3A_590], %parallel_loop3A_587 {add = true, strides = array<i32>} : memref<6x128x128xf32, #tpu.memory_space<vmem>>, vector<16xf32>,
        %parallel_loop3A_592 = arith.index_cast %parallel_loop3A_538 : i32 to index
        %parallel_loop3A_593 = arith.constant 112 : index
        %parallel_loop3A_594 = tpu.vector_load %arg9[%parallel_loop3A_592, %parallel_loop3A_593] {strides = array<i32>} : memref<13x128xf32, #tpu.memory_space<vmem>>, vector<16xf32>,
        %parallel_loop3A_595 = arith.index_cast %rem3A_59 : i32 to index
        %parallel_loop3A_596 = arith.index_cast %parallel_loop3A_542 : i32 to index
        %parallel_loop3A_597 = arith.constant 112 : index
        %parallel_loop3A_598 = tpu.vector_load %arg10[%parallel_loop3A_595, %parallel_loop3A_596, %parallel_loop3A_597] {strides = array<i32>} : memref<6x128x128xf32, #tpu.memory_space<vmem>>, vector<16xf32>,
        tpu.vector_store %arg10[%parallel_loop3A_595, %parallel_loop3A_596, %parallel_loop3A_597], %parallel_loop3A_594 {add = true, strides = array<i32>} : memref<6x128x128xf32, #tpu.memory_space<vmem>>, vector<16xf32>,
        %parallel_loop3A_599 = vector.extract_strided_slice %parallel_loop3A_102 {offsets = [8], sizes = [1], strides = [1]} : vector<16xi32> to vector<1xi32>
        %parallel_loop3A_600 = vector.extract %parallel_loop3A_599[0] : i32 from vector<1xi32>
        %parallel_loop3A_601 = arith.constant 16 : i32
        %parallel_loop3A_602 = arith.muli %parallel_loop3A_97, %parallel_loop3A_601 : i32
        %parallel_loop3A_603 = arith.constant 8 : i32
        %parallel_loop3A_604 = arith.addi %parallel_loop3A_602, %parallel_loop3A_603 : i32
        %parallel_loop3A_605 = arith.index_cast %parallel_loop3A_600 : i32 to index
        %parallel_loop3A_606 = arith.constant 0 : index
        %parallel_loop3A_607 = tpu.vector_load %arg9[%parallel_loop3A_605, %parallel_loop3A_606] {strides = array<i32>} : memref<13x128xf32, #tpu.memory_space<vmem>>, vector<16xf32>,
        %parallel_loop3A_608 = arith.index_cast %rem3A_59 : i32 to index
        %parallel_loop3A_609 = arith.index_cast %parallel_loop3A_604 : i32 to index
        %parallel_loop3A_610 = arith.constant 0 : index
        %parallel_loop3A_611 = tpu.vector_load %arg10[%parallel_loop3A_608, %parallel_loop3A_609, %parallel_loop3A_610] {strides = array<i32>} : memref<6x128x128xf32, #tpu.memory_space<vmem>>, vector<16xf32>,
        tpu.vector_store %arg10[%parallel_loop3A_608, %parallel_loop3A_609, %parallel_loop3A_610], %parallel_loop3A_607 {add = true, strides = array<i32>} : memref<6x128x128xf32, #tpu.memory_space<vmem>>, vector<16xf32>,
        %parallel_loop3A_612 = arith.index_cast %parallel_loop3A_600 : i32 to index
        %parallel_loop3A_613 = arith.constant 16 : index
        %parallel_loop3A_614 = tpu.vector_load %arg9[%parallel_loop3A_612, %parallel_loop3A_613] {strides = array<i32>} : memref<13x128xf32, #tpu.memory_space<vmem>>, vector<16xf32>,
        %parallel_loop3A_615 = arith.index_cast %rem3A_59 : i32 to index
        %parallel_loop3A_616 = arith.index_cast %parallel_loop3A_604 : i32 to index
        %parallel_loop3A_617 = arith.constant 16 : index
        %parallel_loop3A_618 = tpu.vector_load %arg10[%parallel_loop3A_615, %parallel_loop3A_616, %parallel_loop3A_617] {strides = array<i32>} : memref<6x128x128xf32, #tpu.memory_space<vmem>>, vector<16xf32>,
        tpu.vector_store %arg10[%parallel_loop3A_615, %parallel_loop3A_616, %parallel_loop3A_617], %parallel_loop3A_614 {add = true, strides = array<i32>} : memref<6x128x128xf32, #tpu.memory_space<vmem>>, vector<16xf32>,
        %parallel_loop3A_619 = arith.index_cast %parallel_loop3A_600 : i32 to index
        %parallel_loop3A_620 = arith.constant 32 : index
        %parallel_loop3A_621 = tpu.vector_load %arg9[%parallel_loop3A_619, %parallel_loop3A_620] {strides = array<i32>} : memref<13x128xf32, #tpu.memory_space<vmem>>, vector<16xf32>,
        %parallel_loop3A_622 = arith.index_cast %rem3A_59 : i32 to index
        %parallel_loop3A_623 = arith.index_cast %parallel_loop3A_604 : i32 to index
        %parallel_loop3A_624 = arith.constant 32 : index
        %parallel_loop3A_625 = tpu.vector_load %arg10[%parallel_loop3A_622, %parallel_loop3A_623, %parallel_loop3A_624] {strides = array<i32>} : memref<6x128x128xf32, #tpu.memory_space<vmem>>, vector<16xf32>,
        tpu.vector_store %arg10[%parallel_loop3A_622, %parallel_loop3A_623, %parallel_loop3A_624], %parallel_loop3A_621 {add = true, strides = array<i32>} : memref<6x128x128xf32, #tpu.memory_space<vmem>>, vector<16xf32>,
        %parallel_loop3A_626 = arith.index_cast %parallel_loop3A_600 : i32 to index
        %parallel_loop3A_627 = arith.constant 48 : index
        %parallel_loop3A_628 = tpu.vector_load %arg9[%parallel_loop3A_626, %parallel_loop3A_627] {strides = array<i32>} : memref<13x128xf32, #tpu.memory_space<vmem>>, vector<16xf32>,
        %parallel_loop3A_629 = arith.index_cast %rem3A_59 : i32 to index
        %parallel_loop3A_630 = arith.index_cast %parallel_loop3A_604 : i32 to index
        %parallel_loop3A_631 = arith.constant 48 : index
        %parallel_loop3A_632 = tpu.vector_load %arg10[%parallel_loop3A_629, %parallel_loop3A_630, %parallel_loop3A_631] {strides = array<i32>} : memref<6x128x128xf32, #tpu.memory_space<vmem>>, vector<16xf32>,
        tpu.vector_store %arg10[%parallel_loop3A_629, %parallel_loop3A_630, %parallel_loop3A_631], %parallel_loop3A_628 {add = true, strides = array<i32>} : memref<6x128x128xf32, #tpu.memory_space<vmem>>, vector<16xf32>,
        %parallel_loop3A_633 = arith.index_cast %parallel_loop3A_600 : i32 to index
        %parallel_loop3A_634 = arith.constant 64 : index
        %parallel_loop3A_635 = tpu.vector_load %arg9[%parallel_loop3A_633, %parallel_loop3A_634] {strides = array<i32>} : memref<13x128xf32, #tpu.memory_space<vmem>>, vector<16xf32>,
        %parallel_loop3A_636 = arith.index_cast %rem3A_59 : i32 to index
        %parallel_loop3A_637 = arith.index_cast %parallel_loop3A_604 : i32 to index
        %parallel_loop3A_638 = arith.constant 64 : index
        %parallel_loop3A_639 = tpu.vector_load %arg10[%parallel_loop3A_636, %parallel_loop3A_637, %parallel_loop3A_638] {strides = array<i32>} : memref<6x128x128xf32, #tpu.memory_space<vmem>>, vector<16xf32>,
        tpu.vector_store %arg10[%parallel_loop3A_636, %parallel_loop3A_637, %parallel_loop3A_638], %parallel_loop3A_635 {add = true, strides = array<i32>} : memref<6x128x128xf32, #tpu.memory_space<vmem>>, vector<16xf32>,
        %parallel_loop3A_640 = arith.index_cast %parallel_loop3A_600 : i32 to index
        %parallel_loop3A_641 = arith.constant 80 : index
        %parallel_loop3A_642 = tpu.vector_load %arg9[%parallel_loop3A_640, %parallel_loop3A_641] {strides = array<i32>} : memref<13x128xf32, #tpu.memory_space<vmem>>, vector<16xf32>,
        %parallel_loop3A_643 = arith.index_cast %rem3A_59 : i32 to index
        %parallel_loop3A_644 = arith.index_cast %parallel_loop3A_604 : i32 to index
        %parallel_loop3A_645 = arith.constant 80 : index
        %parallel_loop3A_646 = tpu.vector_load %arg10[%parallel_loop3A_643, %parallel_loop3A_644, %parallel_loop3A_645] {strides = array<i32>} : memref<6x128x128xf32, #tpu.memory_space<vmem>>, vector<16xf32>,
        tpu.vector_store %arg10[%parallel_loop3A_643, %parallel_loop3A_644, %parallel_loop3A_645], %parallel_loop3A_642 {add = true, strides = array<i32>} : memref<6x128x128xf32, #tpu.memory_space<vmem>>, vector<16xf32>,
        %parallel_loop3A_647 = arith.index_cast %parallel_loop3A_600 : i32 to index
        %parallel_loop3A_648 = arith.constant 96 : index
        %parallel_loop3A_649 = tpu.vector_load %arg9[%parallel_loop3A_647, %parallel_loop3A_648] {strides = array<i32>} : memref<13x128xf32, #tpu.memory_space<vmem>>, vector<16xf32>,
        %parallel_loop3A_650 = arith.index_cast %rem3A_59 : i32 to index
        %parallel_loop3A_651 = arith.index_cast %parallel_loop3A_604 : i32 to index
        %parallel_loop3A_652 = arith.constant 96 : index
        %parallel_loop3A_653 = tpu.vector_load %arg10[%parallel_loop3A_650, %parallel_loop3A_651, %parallel_loop3A_652] {strides = array<i32>} : memref<6x128x128xf32, #tpu.memory_space<vmem>>, vector<16xf32>,
        tpu.vector_store %arg10[%parallel_loop3A_650, %parallel_loop3A_651, %parallel_loop3A_652], %parallel_loop3A_649 {add = true, strides = array<i32>} : memref<6x128x128xf32, #tpu.memory_space<vmem>>, vector<16xf32>,
        %parallel_loop3A_654 = arith.index_cast %parallel_loop3A_600 : i32 to index
        %parallel_loop3A_655 = arith.constant 112 : index
        %parallel_loop3A_656 = tpu.vector_load %arg9[%parallel_loop3A_654, %parallel_loop3A_655] {strides = array<i32>} : memref<13x128xf32, #tpu.memory_space<vmem>>, vector<16xf32>,
        %parallel_loop3A_657 = arith.index_cast %rem3A_59 : i32 to index
        %parallel_loop3A_658 = arith.index_cast %parallel_loop3A_604 : i32 to index
        %parallel_loop3A_659 = arith.constant 112 : index
        %parallel_loop3A_660 = tpu.vector_load %arg10[%parallel_loop3A_657, %parallel_loop3A_658, %parallel_loop3A_659] {strides = array<i32>} : memref<6x128x128xf32, #tpu.memory_space<vmem>>, vector<16xf32>,
        tpu.vector_store %arg10[%parallel_loop3A_657, %parallel_loop3A_658, %parallel_loop3A_659], %parallel_loop3A_656 {add = true, strides = array<i32>} : memref<6x128x128xf32, #tpu.memory_space<vmem>>, vector<16xf32>,
        %parallel_loop3A_661 = vector.extract_strided_slice %parallel_loop3A_102 {offsets = [9], sizes = [1], strides = [1]} : vector<16xi32> to vector<1xi32>
        %parallel_loop3A_662 = vector.extract %parallel_loop3A_661[0] : i32 from vector<1xi32>
        %parallel_loop3A_663 = arith.constant 16 : i32
        %parallel_loop3A_664 = arith.muli %parallel_loop3A_97, %parallel_loop3A_663 : i32
        %parallel_loop3A_665 = arith.constant 9 : i32
        %parallel_loop3A_666 = arith.addi %parallel_loop3A_664, %parallel_loop3A_665 : i32
        %parallel_loop3A_667 = arith.index_cast %parallel_loop3A_662 : i32 to index
        %parallel_loop3A_668 = arith.constant 0 : index
        %parallel_loop3A_669 = tpu.vector_load %arg9[%parallel_loop3A_667, %parallel_loop3A_668] {strides = array<i32>} : memref<13x128xf32, #tpu.memory_space<vmem>>, vector<16xf32>,
        %parallel_loop3A_670 = arith.index_cast %rem3A_59 : i32 to index
        %parallel_loop3A_671 = arith.index_cast %parallel_loop3A_666 : i32 to index
        %parallel_loop3A_672 = arith.constant 0 : index
        %parallel_loop3A_673 = tpu.vector_load %arg10[%parallel_loop3A_670, %parallel_loop3A_671, %parallel_loop3A_672] {strides = array<i32>} : memref<6x128x128xf32, #tpu.memory_space<vmem>>, vector<16xf32>,
        tpu.vector_store %arg10[%parallel_loop3A_670, %parallel_loop3A_671, %parallel_loop3A_672], %parallel_loop3A_669 {add = true, strides = array<i32>} : memref<6x128x128xf32, #tpu.memory_space<vmem>>, vector<16xf32>,
        %parallel_loop3A_674 = arith.index_cast %parallel_loop3A_662 : i32 to index
        %parallel_loop3A_675 = arith.constant 16 : index
        %parallel_loop3A_676 = tpu.vector_load %arg9[%parallel_loop3A_674, %parallel_loop3A_675] {strides = array<i32>} : memref<13x128xf32, #tpu.memory_space<vmem>>, vector<16xf32>,
        %parallel_loop3A_677 = arith.index_cast %rem3A_59 : i32 to index
        %parallel_loop3A_678 = arith.index_cast %parallel_loop3A_666 : i32 to index
        %parallel_loop3A_679 = arith.constant 16 : index
        %parallel_loop3A_680 = tpu.vector_load %arg10[%parallel_loop3A_677, %parallel_loop3A_678, %parallel_loop3A_679] {strides = array<i32>} : memref<6x128x128xf32, #tpu.memory_space<vmem>>, vector<16xf32>,
        tpu.vector_store %arg10[%parallel_loop3A_677, %parallel_loop3A_678, %parallel_loop3A_679], %parallel_loop3A_676 {add = true, strides = array<i32>} : memref<6x128x128xf32, #tpu.memory_space<vmem>>, vector<16xf32>,
        %parallel_loop3A_681 = arith.index_cast %parallel_loop3A_662 : i32 to index
        %parallel_loop3A_682 = arith.constant 32 : index
        %parallel_loop3A_683 = tpu.vector_load %arg9[%parallel_loop3A_681, %parallel_loop3A_682] {strides = array<i32>} : memref<13x128xf32, #tpu.memory_space<vmem>>, vector<16xf32>,
        %parallel_loop3A_684 = arith.index_cast %rem3A_59 : i32 to index
        %parallel_loop3A_685 = arith.index_cast %parallel_loop3A_666 : i32 to index
        %parallel_loop3A_686 = arith.constant 32 : index
        %parallel_loop3A_687 = tpu.vector_load %arg10[%parallel_loop3A_684, %parallel_loop3A_685, %parallel_loop3A_686] {strides = array<i32>} : memref<6x128x128xf32, #tpu.memory_space<vmem>>, vector<16xf32>,
        tpu.vector_store %arg10[%parallel_loop3A_684, %parallel_loop3A_685, %parallel_loop3A_686], %parallel_loop3A_683 {add = true, strides = array<i32>} : memref<6x128x128xf32, #tpu.memory_space<vmem>>, vector<16xf32>,
        %parallel_loop3A_688 = arith.index_cast %parallel_loop3A_662 : i32 to index
        %parallel_loop3A_689 = arith.constant 48 : index
        %parallel_loop3A_690 = tpu.vector_load %arg9[%parallel_loop3A_688, %parallel_loop3A_689] {strides = array<i32>} : memref<13x128xf32, #tpu.memory_space<vmem>>, vector<16xf32>,
        %parallel_loop3A_691 = arith.index_cast %rem3A_59 : i32 to index
        %parallel_loop3A_692 = arith.index_cast %parallel_loop3A_666 : i32 to index
        %parallel_loop3A_693 = arith.constant 48 : index
        %parallel_loop3A_694 = tpu.vector_load %arg10[%parallel_loop3A_691, %parallel_loop3A_692, %parallel_loop3A_693] {strides = array<i32>} : memref<6x128x128xf32, #tpu.memory_space<vmem>>, vector<16xf32>,
        tpu.vector_store %arg10[%parallel_loop3A_691, %parallel_loop3A_692, %parallel_loop3A_693], %parallel_loop3A_690 {add = true, strides = array<i32>} : memref<6x128x128xf32, #tpu.memory_space<vmem>>, vector<16xf32>,
        %parallel_loop3A_695 = arith.index_cast %parallel_loop3A_662 : i32 to index
        %parallel_loop3A_696 = arith.constant 64 : index
        %parallel_loop3A_697 = tpu.vector_load %arg9[%parallel_loop3A_695, %parallel_loop3A_696] {strides = array<i32>} : memref<13x128xf32, #tpu.memory_space<vmem>>, vector<16xf32>,
        %parallel_loop3A_698 = arith.index_cast %rem3A_59 : i32 to index
        %parallel_loop3A_699 = arith.index_cast %parallel_loop3A_666 : i32 to index
        %parallel_loop3A_700 = arith.constant 64 : index
        %parallel_loop3A_701 = tpu.vector_load %arg10[%parallel_loop3A_698, %parallel_loop3A_699, %parallel_loop3A_700] {strides = array<i32>} : memref<6x128x128xf32, #tpu.memory_space<vmem>>, vector<16xf32>,
        tpu.vector_store %arg10[%parallel_loop3A_698, %parallel_loop3A_699, %parallel_loop3A_700], %parallel_loop3A_697 {add = true, strides = array<i32>} : memref<6x128x128xf32, #tpu.memory_space<vmem>>, vector<16xf32>,
        %parallel_loop3A_702 = arith.index_cast %parallel_loop3A_662 : i32 to index
        %parallel_loop3A_703 = arith.constant 80 : index
        %parallel_loop3A_704 = tpu.vector_load %arg9[%parallel_loop3A_702, %parallel_loop3A_703] {strides = array<i32>} : memref<13x128xf32, #tpu.memory_space<vmem>>, vector<16xf32>,
        %parallel_loop3A_705 = arith.index_cast %rem3A_59 : i32 to index
        %parallel_loop3A_706 = arith.index_cast %parallel_loop3A_666 : i32 to index
        %parallel_loop3A_707 = arith.constant 80 : index
        %parallel_loop3A_708 = tpu.vector_load %arg10[%parallel_loop3A_705, %parallel_loop3A_706, %parallel_loop3A_707] {strides = array<i32>} : memref<6x128x128xf32, #tpu.memory_space<vmem>>, vector<16xf32>,
        tpu.vector_store %arg10[%parallel_loop3A_705, %parallel_loop3A_706, %parallel_loop3A_707], %parallel_loop3A_704 {add = true, strides = array<i32>} : memref<6x128x128xf32, #tpu.memory_space<vmem>>, vector<16xf32>,
        %parallel_loop3A_709 = arith.index_cast %parallel_loop3A_662 : i32 to index
        %parallel_loop3A_710 = arith.constant 96 : index
        %parallel_loop3A_711 = tpu.vector_load %arg9[%parallel_loop3A_709, %parallel_loop3A_710] {strides = array<i32>} : memref<13x128xf32, #tpu.memory_space<vmem>>, vector<16xf32>,
        %parallel_loop3A_712 = arith.index_cast %rem3A_59 : i32 to index
        %parallel_loop3A_713 = arith.index_cast %parallel_loop3A_666 : i32 to index
        %parallel_loop3A_714 = arith.constant 96 : index
        %parallel_loop3A_715 = tpu.vector_load %arg10[%parallel_loop3A_712, %parallel_loop3A_713, %parallel_loop3A_714] {strides = array<i32>} : memref<6x128x128xf32, #tpu.memory_space<vmem>>, vector<16xf32>,
        tpu.vector_store %arg10[%parallel_loop3A_712, %parallel_loop3A_713, %parallel_loop3A_714], %parallel_loop3A_711 {add = true, strides = array<i32>} : memref<6x128x128xf32, #tpu.memory_space<vmem>>, vector<16xf32>,
        %parallel_loop3A_716 = arith.index_cast %parallel_loop3A_662 : i32 to index
        %parallel_loop3A_717 = arith.constant 112 : index
        %parallel_loop3A_718 = tpu.vector_load %arg9[%parallel_loop3A_716, %parallel_loop3A_717] {strides = array<i32>} : memref<13x128xf32, #tpu.memory_space<vmem>>, vector<16xf32>,
        %parallel_loop3A_719 = arith.index_cast %rem3A_59 : i32 to index
        %parallel_loop3A_720 = arith.index_cast %parallel_loop3A_666 : i32 to index
        %parallel_loop3A_721 = arith.constant 112 : index
        %parallel_loop3A_722 = tpu.vector_load %arg10[%parallel_loop3A_719, %parallel_loop3A_720, %parallel_loop3A_721] {strides = array<i32>} : memref<6x128x128xf32, #tpu.memory_space<vmem>>, vector<16xf32>,
        tpu.vector_store %arg10[%parallel_loop3A_719, %parallel_loop3A_720, %parallel_loop3A_721], %parallel_loop3A_718 {add = true, strides = array<i32>} : memref<6x128x128xf32, #tpu.memory_space<vmem>>, vector<16xf32>,
        %parallel_loop3A_723 = vector.extract_strided_slice %parallel_loop3A_102 {offsets = [10], sizes = [1], strides = [1]} : vector<16xi32> to vector<1xi32>
        %parallel_loop3A_724 = vector.extract %parallel_loop3A_723[0] : i32 from vector<1xi32>
        %parallel_loop3A_725 = arith.constant 16 : i32
        %parallel_loop3A_726 = arith.muli %parallel_loop3A_97, %parallel_loop3A_725 : i32
        %parallel_loop3A_727 = arith.constant 10 : i32
        %parallel_loop3A_728 = arith.addi %parallel_loop3A_726, %parallel_loop3A_727 : i32
        %parallel_loop3A_729 = arith.index_cast %parallel_loop3A_724 : i32 to index
        %parallel_loop3A_730 = arith.constant 0 : index
        %parallel_loop3A_731 = tpu.vector_load %arg9[%parallel_loop3A_729, %parallel_loop3A_730] {strides = array<i32>} : memref<13x128xf32, #tpu.memory_space<vmem>>, vector<16xf32>,
        %parallel_loop3A_732 = arith.index_cast %rem3A_59 : i32 to index
        %parallel_loop3A_733 = arith.index_cast %parallel_loop3A_728 : i32 to index
        %parallel_loop3A_734 = arith.constant 0 : index
        %parallel_loop3A_735 = tpu.vector_load %arg10[%parallel_loop3A_732, %parallel_loop3A_733, %parallel_loop3A_734] {strides = array<i32>} : memref<6x128x128xf32, #tpu.memory_space<vmem>>, vector<16xf32>,
        tpu.vector_store %arg10[%parallel_loop3A_732, %parallel_loop3A_733, %parallel_loop3A_734], %parallel_loop3A_731 {add = true, strides = array<i32>} : memref<6x128x128xf32, #tpu.memory_space<vmem>>, vector<16xf32>,
        %parallel_loop3A_736 = arith.index_cast %parallel_loop3A_724 : i32 to index
        %parallel_loop3A_737 = arith.constant 16 : index
        %parallel_loop3A_738 = tpu.vector_load %arg9[%parallel_loop3A_736, %parallel_loop3A_737] {strides = array<i32>} : memref<13x128xf32, #tpu.memory_space<vmem>>, vector<16xf32>,
        %parallel_loop3A_739 = arith.index_cast %rem3A_59 : i32 to index
        %parallel_loop3A_740 = arith.index_cast %parallel_loop3A_728 : i32 to index
        %parallel_loop3A_741 = arith.constant 16 : index
        %parallel_loop3A_742 = tpu.vector_load %arg10[%parallel_loop3A_739, %parallel_loop3A_740, %parallel_loop3A_741] {strides = array<i32>} : memref<6x128x128xf32, #tpu.memory_space<vmem>>, vector<16xf32>,
        tpu.vector_store %arg10[%parallel_loop3A_739, %parallel_loop3A_740, %parallel_loop3A_741], %parallel_loop3A_738 {add = true, strides = array<i32>} : memref<6x128x128xf32, #tpu.memory_space<vmem>>, vector<16xf32>,
        %parallel_loop3A_743 = arith.index_cast %parallel_loop3A_724 : i32 to index
        %parallel_loop3A_744 = arith.constant 32 : index
        %parallel_loop3A_745 = tpu.vector_load %arg9[%parallel_loop3A_743, %parallel_loop3A_744] {strides = array<i32>} : memref<13x128xf32, #tpu.memory_space<vmem>>, vector<16xf32>,
        %parallel_loop3A_746 = arith.index_cast %rem3A_59 : i32 to index
        %parallel_loop3A_747 = arith.index_cast %parallel_loop3A_728 : i32 to index
        %parallel_loop3A_748 = arith.constant 32 : index
        %parallel_loop3A_749 = tpu.vector_load %arg10[%parallel_loop3A_746, %parallel_loop3A_747, %parallel_loop3A_748] {strides = array<i32>} : memref<6x128x128xf32, #tpu.memory_space<vmem>>, vector<16xf32>,
        tpu.vector_store %arg10[%parallel_loop3A_746, %parallel_loop3A_747, %parallel_loop3A_748], %parallel_loop3A_745 {add = true, strides = array<i32>} : memref<6x128x128xf32, #tpu.memory_space<vmem>>, vector<16xf32>,
        %parallel_loop3A_750 = arith.index_cast %parallel_loop3A_724 : i32 to index
        %parallel_loop3A_751 = arith.constant 48 : index
        %parallel_loop3A_752 = tpu.vector_load %arg9[%parallel_loop3A_750, %parallel_loop3A_751] {strides = array<i32>} : memref<13x128xf32, #tpu.memory_space<vmem>>, vector<16xf32>,
        %parallel_loop3A_753 = arith.index_cast %rem3A_59 : i32 to index
        %parallel_loop3A_754 = arith.index_cast %parallel_loop3A_728 : i32 to index
        %parallel_loop3A_755 = arith.constant 48 : index
        %parallel_loop3A_756 = tpu.vector_load %arg10[%parallel_loop3A_753, %parallel_loop3A_754, %parallel_loop3A_755] {strides = array<i32>} : memref<6x128x128xf32, #tpu.memory_space<vmem>>, vector<16xf32>,
        tpu.vector_store %arg10[%parallel_loop3A_753, %parallel_loop3A_754, %parallel_loop3A_755], %parallel_loop3A_752 {add = true, strides = array<i32>} : memref<6x128x128xf32, #tpu.memory_space<vmem>>, vector<16xf32>,
        %parallel_loop3A_757 = arith.index_cast %parallel_loop3A_724 : i32 to index
        %parallel_loop3A_758 = arith.constant 64 : index
        %parallel_loop3A_759 = tpu.vector_load %arg9[%parallel_loop3A_757, %parallel_loop3A_758] {strides = array<i32>} : memref<13x128xf32, #tpu.memory_space<vmem>>, vector<16xf32>,
        %parallel_loop3A_760 = arith.index_cast %rem3A_59 : i32 to index
        %parallel_loop3A_761 = arith.index_cast %parallel_loop3A_728 : i32 to index
        %parallel_loop3A_762 = arith.constant 64 : index
        %parallel_loop3A_763 = tpu.vector_load %arg10[%parallel_loop3A_760, %parallel_loop3A_761, %parallel_loop3A_762] {strides = array<i32>} : memref<6x128x128xf32, #tpu.memory_space<vmem>>, vector<16xf32>,
        tpu.vector_store %arg10[%parallel_loop3A_760, %parallel_loop3A_761, %parallel_loop3A_762], %parallel_loop3A_759 {add = true, strides = array<i32>} : memref<6x128x128xf32, #tpu.memory_space<vmem>>, vector<16xf32>,
        %parallel_loop3A_764 = arith.index_cast %parallel_loop3A_724 : i32 to index
        %parallel_loop3A_765 = arith.constant 80 : index
        %parallel_loop3A_766 = tpu.vector_load %arg9[%parallel_loop3A_764, %parallel_loop3A_765] {strides = array<i32>} : memref<13x128xf32, #tpu.memory_space<vmem>>, vector<16xf32>,
        %parallel_loop3A_767 = arith.index_cast %rem3A_59 : i32 to index
        %parallel_loop3A_768 = arith.index_cast %parallel_loop3A_728 : i32 to index
        %parallel_loop3A_769 = arith.constant 80 : index
        %parallel_loop3A_770 = tpu.vector_load %arg10[%parallel_loop3A_767, %parallel_loop3A_768, %parallel_loop3A_769] {strides = array<i32>} : memref<6x128x128xf32, #tpu.memory_space<vmem>>, vector<16xf32>,
        tpu.vector_store %arg10[%parallel_loop3A_767, %parallel_loop3A_768, %parallel_loop3A_769], %parallel_loop3A_766 {add = true, strides = array<i32>} : memref<6x128x128xf32, #tpu.memory_space<vmem>>, vector<16xf32>,
        %parallel_loop3A_771 = arith.index_cast %parallel_loop3A_724 : i32 to index
        %parallel_loop3A_772 = arith.constant 96 : index
        %parallel_loop3A_773 = tpu.vector_load %arg9[%parallel_loop3A_771, %parallel_loop3A_772] {strides = array<i32>} : memref<13x128xf32, #tpu.memory_space<vmem>>, vector<16xf32>,
        %parallel_loop3A_774 = arith.index_cast %rem3A_59 : i32 to index
        %parallel_loop3A_775 = arith.index_cast %parallel_loop3A_728 : i32 to index
        %parallel_loop3A_776 = arith.constant 96 : index
        %parallel_loop3A_777 = tpu.vector_load %arg10[%parallel_loop3A_774, %parallel_loop3A_775, %parallel_loop3A_776] {strides = array<i32>} : memref<6x128x128xf32, #tpu.memory_space<vmem>>, vector<16xf32>,
        tpu.vector_store %arg10[%parallel_loop3A_774, %parallel_loop3A_775, %parallel_loop3A_776], %parallel_loop3A_773 {add = true, strides = array<i32>} : memref<6x128x128xf32, #tpu.memory_space<vmem>>, vector<16xf32>,
        %parallel_loop3A_778 = arith.index_cast %parallel_loop3A_724 : i32 to index
        %parallel_loop3A_779 = arith.constant 112 : index
        %parallel_loop3A_780 = tpu.vector_load %arg9[%parallel_loop3A_778, %parallel_loop3A_779] {strides = array<i32>} : memref<13x128xf32, #tpu.memory_space<vmem>>, vector<16xf32>,
        %parallel_loop3A_781 = arith.index_cast %rem3A_59 : i32 to index
        %parallel_loop3A_782 = arith.index_cast %parallel_loop3A_728 : i32 to index
        %parallel_loop3A_783 = arith.constant 112 : index
        %parallel_loop3A_784 = tpu.vector_load %arg10[%parallel_loop3A_781, %parallel_loop3A_782, %parallel_loop3A_783] {strides = array<i32>} : memref<6x128x128xf32, #tpu.memory_space<vmem>>, vector<16xf32>,
        tpu.vector_store %arg10[%parallel_loop3A_781, %parallel_loop3A_782, %parallel_loop3A_783], %parallel_loop3A_780 {add = true, strides = array<i32>} : memref<6x128x128xf32, #tpu.memory_space<vmem>>, vector<16xf32>,
        %parallel_loop3A_785 = vector.extract_strided_slice %parallel_loop3A_102 {offsets = [11], sizes = [1], strides = [1]} : vector<16xi32> to vector<1xi32>
        %parallel_loop3A_786 = vector.extract %parallel_loop3A_785[0] : i32 from vector<1xi32>
        %parallel_loop3A_787 = arith.constant 16 : i32
        %parallel_loop3A_788 = arith.muli %parallel_loop3A_97, %parallel_loop3A_787 : i32
        %parallel_loop3A_789 = arith.constant 11 : i32
        %parallel_loop3A_790 = arith.addi %parallel_loop3A_788, %parallel_loop3A_789 : i32
        %parallel_loop3A_791 = arith.index_cast %parallel_loop3A_786 : i32 to index
        %parallel_loop3A_792 = arith.constant 0 : index
        %parallel_loop3A_793 = tpu.vector_load %arg9[%parallel_loop3A_791, %parallel_loop3A_792] {strides = array<i32>} : memref<13x128xf32, #tpu.memory_space<vmem>>, vector<16xf32>,
        %parallel_loop3A_794 = arith.index_cast %rem3A_59 : i32 to index
        %parallel_loop3A_795 = arith.index_cast %parallel_loop3A_790 : i32 to index
        %parallel_loop3A_796 = arith.constant 0 : index
        %parallel_loop3A_797 = tpu.vector_load %arg10[%parallel_loop3A_794, %parallel_loop3A_795, %parallel_loop3A_796] {strides = array<i32>} : memref<6x128x128xf32, #tpu.memory_space<vmem>>, vector<16xf32>,
        tpu.vector_store %arg10[%parallel_loop3A_794, %parallel_loop3A_795, %parallel_loop3A_796], %parallel_loop3A_793 {add = true, strides = array<i32>} : memref<6x128x128xf32, #tpu.memory_space<vmem>>, vector<16xf32>,
        %parallel_loop3A_798 = arith.index_cast %parallel_loop3A_786 : i32 to index
        %parallel_loop3A_799 = arith.constant 16 : index
        %parallel_loop3A_800 = tpu.vector_load %arg9[%parallel_loop3A_798, %parallel_loop3A_799] {strides = array<i32>} : memref<13x128xf32, #tpu.memory_space<vmem>>, vector<16xf32>,
        %parallel_loop3A_801 = arith.index_cast %rem3A_59 : i32 to index
        %parallel_loop3A_802 = arith.index_cast %parallel_loop3A_790 : i32 to index
        %parallel_loop3A_803 = arith.constant 16 : index
        %parallel_loop3A_804 = tpu.vector_load %arg10[%parallel_loop3A_801, %parallel_loop3A_802, %parallel_loop3A_803] {strides = array<i32>} : memref<6x128x128xf32, #tpu.memory_space<vmem>>, vector<16xf32>,
        tpu.vector_store %arg10[%parallel_loop3A_801, %parallel_loop3A_802, %parallel_loop3A_803], %parallel_loop3A_800 {add = true, strides = array<i32>} : memref<6x128x128xf32, #tpu.memory_space<vmem>>, vector<16xf32>,
        %parallel_loop3A_805 = arith.index_cast %parallel_loop3A_786 : i32 to index
        %parallel_loop3A_806 = arith.constant 32 : index
        %parallel_loop3A_807 = tpu.vector_load %arg9[%parallel_loop3A_805, %parallel_loop3A_806] {strides = array<i32>} : memref<13x128xf32, #tpu.memory_space<vmem>>, vector<16xf32>,
        %parallel_loop3A_808 = arith.index_cast %rem3A_59 : i32 to index
        %parallel_loop3A_809 = arith.index_cast %parallel_loop3A_790 : i32 to index
        %parallel_loop3A_810 = arith.constant 32 : index
        %parallel_loop3A_811 = tpu.vector_load %arg10[%parallel_loop3A_808, %parallel_loop3A_809, %parallel_loop3A_810] {strides = array<i32>} : memref<6x128x128xf32, #tpu.memory_space<vmem>>, vector<16xf32>,
        tpu.vector_store %arg10[%parallel_loop3A_808, %parallel_loop3A_809, %parallel_loop3A_810], %parallel_loop3A_807 {add = true, strides = array<i32>} : memref<6x128x128xf32, #tpu.memory_space<vmem>>, vector<16xf32>,
        %parallel_loop3A_812 = arith.index_cast %parallel_loop3A_786 : i32 to index
        %parallel_loop3A_813 = arith.constant 48 : index
        %parallel_loop3A_814 = tpu.vector_load %arg9[%parallel_loop3A_812, %parallel_loop3A_813] {strides = array<i32>} : memref<13x128xf32, #tpu.memory_space<vmem>>, vector<16xf32>,
        %parallel_loop3A_815 = arith.index_cast %rem3A_59 : i32 to index
        %parallel_loop3A_816 = arith.index_cast %parallel_loop3A_790 : i32 to index
        %parallel_loop3A_817 = arith.constant 48 : index
        %parallel_loop3A_818 = tpu.vector_load %arg10[%parallel_loop3A_815, %parallel_loop3A_816, %parallel_loop3A_817] {strides = array<i32>} : memref<6x128x128xf32, #tpu.memory_space<vmem>>, vector<16xf32>,
        tpu.vector_store %arg10[%parallel_loop3A_815, %parallel_loop3A_816, %parallel_loop3A_817], %parallel_loop3A_814 {add = true, strides = array<i32>} : memref<6x128x128xf32, #tpu.memory_space<vmem>>, vector<16xf32>,
        %parallel_loop3A_819 = arith.index_cast %parallel_loop3A_786 : i32 to index
        %parallel_loop3A_820 = arith.constant 64 : index
        %parallel_loop3A_821 = tpu.vector_load %arg9[%parallel_loop3A_819, %parallel_loop3A_820] {strides = array<i32>} : memref<13x128xf32, #tpu.memory_space<vmem>>, vector<16xf32>,
        %parallel_loop3A_822 = arith.index_cast %rem3A_59 : i32 to index
        %parallel_loop3A_823 = arith.index_cast %parallel_loop3A_790 : i32 to index
        %parallel_loop3A_824 = arith.constant 64 : index
        %parallel_loop3A_825 = tpu.vector_load %arg10[%parallel_loop3A_822, %parallel_loop3A_823, %parallel_loop3A_824] {strides = array<i32>} : memref<6x128x128xf32, #tpu.memory_space<vmem>>, vector<16xf32>,
        tpu.vector_store %arg10[%parallel_loop3A_822, %parallel_loop3A_823, %parallel_loop3A_824], %parallel_loop3A_821 {add = true, strides = array<i32>} : memref<6x128x128xf32, #tpu.memory_space<vmem>>, vector<16xf32>,
        %parallel_loop3A_826 = arith.index_cast %parallel_loop3A_786 : i32 to index
        %parallel_loop3A_827 = arith.constant 80 : index
        %parallel_loop3A_828 = tpu.vector_load %arg9[%parallel_loop3A_826, %parallel_loop3A_827] {strides = array<i32>} : memref<13x128xf32, #tpu.memory_space<vmem>>, vector<16xf32>,
        %parallel_loop3A_829 = arith.index_cast %rem3A_59 : i32 to index
        %parallel_loop3A_830 = arith.index_cast %parallel_loop3A_790 : i32 to index
        %parallel_loop3A_831 = arith.constant 80 : index
        %parallel_loop3A_832 = tpu.vector_load %arg10[%parallel_loop3A_829, %parallel_loop3A_830, %parallel_loop3A_831] {strides = array<i32>} : memref<6x128x128xf32, #tpu.memory_space<vmem>>, vector<16xf32>,
        tpu.vector_store %arg10[%parallel_loop3A_829, %parallel_loop3A_830, %parallel_loop3A_831], %parallel_loop3A_828 {add = true, strides = array<i32>} : memref<6x128x128xf32, #tpu.memory_space<vmem>>, vector<16xf32>,
        %parallel_loop3A_833 = arith.index_cast %parallel_loop3A_786 : i32 to index
        %parallel_loop3A_834 = arith.constant 96 : index
        %parallel_loop3A_835 = tpu.vector_load %arg9[%parallel_loop3A_833, %parallel_loop3A_834] {strides = array<i32>} : memref<13x128xf32, #tpu.memory_space<vmem>>, vector<16xf32>,
        %parallel_loop3A_836 = arith.index_cast %rem3A_59 : i32 to index
        %parallel_loop3A_837 = arith.index_cast %parallel_loop3A_790 : i32 to index
        %parallel_loop3A_838 = arith.constant 96 : index
        %parallel_loop3A_839 = tpu.vector_load %arg10[%parallel_loop3A_836, %parallel_loop3A_837, %parallel_loop3A_838] {strides = array<i32>} : memref<6x128x128xf32, #tpu.memory_space<vmem>>, vector<16xf32>,
        tpu.vector_store %arg10[%parallel_loop3A_836, %parallel_loop3A_837, %parallel_loop3A_838], %parallel_loop3A_835 {add = true, strides = array<i32>} : memref<6x128x128xf32, #tpu.memory_space<vmem>>, vector<16xf32>,
        %parallel_loop3A_840 = arith.index_cast %parallel_loop3A_786 : i32 to index
        %parallel_loop3A_841 = arith.constant 112 : index
        %parallel_loop3A_842 = tpu.vector_load %arg9[%parallel_loop3A_840, %parallel_loop3A_841] {strides = array<i32>} : memref<13x128xf32, #tpu.memory_space<vmem>>, vector<16xf32>,
        %parallel_loop3A_843 = arith.index_cast %rem3A_59 : i32 to index
        %parallel_loop3A_844 = arith.index_cast %parallel_loop3A_790 : i32 to index
        %parallel_loop3A_845 = arith.constant 112 : index
        %parallel_loop3A_846 = tpu.vector_load %arg10[%parallel_loop3A_843, %parallel_loop3A_844, %parallel_loop3A_845] {strides = array<i32>} : memref<6x128x128xf32, #tpu.memory_space<vmem>>, vector<16xf32>,
        tpu.vector_store %arg10[%parallel_loop3A_843, %parallel_loop3A_844, %parallel_loop3A_845], %parallel_loop3A_842 {add = true, strides = array<i32>} : memref<6x128x128xf32, #tpu.memory_space<vmem>>, vector<16xf32>,
        %parallel_loop3A_847 = vector.extract_strided_slice %parallel_loop3A_102 {offsets = [12], sizes = [1], strides = [1]} : vector<16xi32> to vector<1xi32>
        %parallel_loop3A_848 = vector.extract %parallel_loop3A_847[0] : i32 from vector<1xi32>
        %parallel_loop3A_849 = arith.constant 16 : i32
        %parallel_loop3A_850 = arith.muli %parallel_loop3A_97, %parallel_loop3A_849 : i32
        %parallel_loop3A_851 = arith.constant 12 : i32
        %parallel_loop3A_852 = arith.addi %parallel_loop3A_850, %parallel_loop3A_851 : i32
        %parallel_loop3A_853 = arith.index_cast %parallel_loop3A_848 : i32 to index
        %parallel_loop3A_854 = arith.constant 0 : index
        %parallel_loop3A_855 = tpu.vector_load %arg9[%parallel_loop3A_853, %parallel_loop3A_854] {strides = array<i32>} : memref<13x128xf32, #tpu.memory_space<vmem>>, vector<16xf32>,
        %parallel_loop3A_856 = arith.index_cast %rem3A_59 : i32 to index
        %parallel_loop3A_857 = arith.index_cast %parallel_loop3A_852 : i32 to index
        %parallel_loop3A_858 = arith.constant 0 : index
        %parallel_loop3A_859 = tpu.vector_load %arg10[%parallel_loop3A_856, %parallel_loop3A_857, %parallel_loop3A_858] {strides = array<i32>} : memref<6x128x128xf32, #tpu.memory_space<vmem>>, vector<16xf32>,
        tpu.vector_store %arg10[%parallel_loop3A_856, %parallel_loop3A_857, %parallel_loop3A_858], %parallel_loop3A_855 {add = true, strides = array<i32>} : memref<6x128x128xf32, #tpu.memory_space<vmem>>, vector<16xf32>,
        %parallel_loop3A_860 = arith.index_cast %parallel_loop3A_848 : i32 to index
        %parallel_loop3A_861 = arith.constant 16 : index
        %parallel_loop3A_862 = tpu.vector_load %arg9[%parallel_loop3A_860, %parallel_loop3A_861] {strides = array<i32>} : memref<13x128xf32, #tpu.memory_space<vmem>>, vector<16xf32>,
        %parallel_loop3A_863 = arith.index_cast %rem3A_59 : i32 to index
        %parallel_loop3A_864 = arith.index_cast %parallel_loop3A_852 : i32 to index
        %parallel_loop3A_865 = arith.constant 16 : index
        %parallel_loop3A_866 = tpu.vector_load %arg10[%parallel_loop3A_863, %parallel_loop3A_864, %parallel_loop3A_865] {strides = array<i32>} : memref<6x128x128xf32, #tpu.memory_space<vmem>>, vector<16xf32>,
        tpu.vector_store %arg10[%parallel_loop3A_863, %parallel_loop3A_864, %parallel_loop3A_865], %parallel_loop3A_862 {add = true, strides = array<i32>} : memref<6x128x128xf32, #tpu.memory_space<vmem>>, vector<16xf32>,
        %parallel_loop3A_867 = arith.index_cast %parallel_loop3A_848 : i32 to index
        %parallel_loop3A_868 = arith.constant 32 : index
        %parallel_loop3A_869 = tpu.vector_load %arg9[%parallel_loop3A_867, %parallel_loop3A_868] {strides = array<i32>} : memref<13x128xf32, #tpu.memory_space<vmem>>, vector<16xf32>,
        %parallel_loop3A_870 = arith.index_cast %rem3A_59 : i32 to index
        %parallel_loop3A_871 = arith.index_cast %parallel_loop3A_852 : i32 to index
        %parallel_loop3A_872 = arith.constant 32 : index
        %parallel_loop3A_873 = tpu.vector_load %arg10[%parallel_loop3A_870, %parallel_loop3A_871, %parallel_loop3A_872] {strides = array<i32>} : memref<6x128x128xf32, #tpu.memory_space<vmem>>, vector<16xf32>,
        tpu.vector_store %arg10[%parallel_loop3A_870, %parallel_loop3A_871, %parallel_loop3A_872], %parallel_loop3A_869 {add = true, strides = array<i32>} : memref<6x128x128xf32, #tpu.memory_space<vmem>>, vector<16xf32>,
        %parallel_loop3A_874 = arith.index_cast %parallel_loop3A_848 : i32 to index
        %parallel_loop3A_875 = arith.constant 48 : index
        %parallel_loop3A_876 = tpu.vector_load %arg9[%parallel_loop3A_874, %parallel_loop3A_875] {strides = array<i32>} : memref<13x128xf32, #tpu.memory_space<vmem>>, vector<16xf32>,
        %parallel_loop3A_877 = arith.index_cast %rem3A_59 : i32 to index
        %parallel_loop3A_878 = arith.index_cast %parallel_loop3A_852 : i32 to index
        %parallel_loop3A_879 = arith.constant 48 : index
        %parallel_loop3A_880 = tpu.vector_load %arg10[%parallel_loop3A_877, %parallel_loop3A_878, %parallel_loop3A_879] {strides = array<i32>} : memref<6x128x128xf32, #tpu.memory_space<vmem>>, vector<16xf32>,
        tpu.vector_store %arg10[%parallel_loop3A_877, %parallel_loop3A_878, %parallel_loop3A_879], %parallel_loop3A_876 {add = true, strides = array<i32>} : memref<6x128x128xf32, #tpu.memory_space<vmem>>, vector<16xf32>,
        %parallel_loop3A_881 = arith.index_cast %parallel_loop3A_848 : i32 to index
        %parallel_loop3A_882 = arith.constant 64 : index
        %parallel_loop3A_883 = tpu.vector_load %arg9[%parallel_loop3A_881, %parallel_loop3A_882] {strides = array<i32>} : memref<13x128xf32, #tpu.memory_space<vmem>>, vector<16xf32>,
        %parallel_loop3A_884 = arith.index_cast %rem3A_59 : i32 to index
        %parallel_loop3A_885 = arith.index_cast %parallel_loop3A_852 : i32 to index
        %parallel_loop3A_886 = arith.constant 64 : index
        %parallel_loop3A_887 = tpu.vector_load %arg10[%parallel_loop3A_884, %parallel_loop3A_885, %parallel_loop3A_886] {strides = array<i32>} : memref<6x128x128xf32, #tpu.memory_space<vmem>>, vector<16xf32>,
        tpu.vector_store %arg10[%parallel_loop3A_884, %parallel_loop3A_885, %parallel_loop3A_886], %parallel_loop3A_883 {add = true, strides = array<i32>} : memref<6x128x128xf32, #tpu.memory_space<vmem>>, vector<16xf32>,
        %parallel_loop3A_888 = arith.index_cast %parallel_loop3A_848 : i32 to index
        %parallel_loop3A_889 = arith.constant 80 : index
        %parallel_loop3A_890 = tpu.vector_load %arg9[%parallel_loop3A_888, %parallel_loop3A_889] {strides = array<i32>} : memref<13x128xf32, #tpu.memory_space<vmem>>, vector<16xf32>,
        %parallel_loop3A_891 = arith.index_cast %rem3A_59 : i32 to index
        %parallel_loop3A_892 = arith.index_cast %parallel_loop3A_852 : i32 to index
        %parallel_loop3A_893 = arith.constant 80 : index
        %parallel_loop3A_894 = tpu.vector_load %arg10[%parallel_loop3A_891, %parallel_loop3A_892, %parallel_loop3A_893] {strides = array<i32>} : memref<6x128x128xf32, #tpu.memory_space<vmem>>, vector<16xf32>,
        tpu.vector_store %arg10[%parallel_loop3A_891, %parallel_loop3A_892, %parallel_loop3A_893], %parallel_loop3A_890 {add = true, strides = array<i32>} : memref<6x128x128xf32, #tpu.memory_space<vmem>>, vector<16xf32>,
        %parallel_loop3A_895 = arith.index_cast %parallel_loop3A_848 : i32 to index
        %parallel_loop3A_896 = arith.constant 96 : index
        %parallel_loop3A_897 = tpu.vector_load %arg9[%parallel_loop3A_895, %parallel_loop3A_896] {strides = array<i32>} : memref<13x128xf32, #tpu.memory_space<vmem>>, vector<16xf32>,
        %parallel_loop3A_898 = arith.index_cast %rem3A_59 : i32 to index
        %parallel_loop3A_899 = arith.index_cast %parallel_loop3A_852 : i32 to index
        %parallel_loop3A_900 = arith.constant 96 : index
        %parallel_loop3A_901 = tpu.vector_load %arg10[%parallel_loop3A_898, %parallel_loop3A_899, %parallel_loop3A_900] {strides = array<i32>} : memref<6x128x128xf32, #tpu.memory_space<vmem>>, vector<16xf32>,
        tpu.vector_store %arg10[%parallel_loop3A_898, %parallel_loop3A_899, %parallel_loop3A_900], %parallel_loop3A_897 {add = true, strides = array<i32>} : memref<6x128x128xf32, #tpu.memory_space<vmem>>, vector<16xf32>,
        %parallel_loop3A_902 = arith.index_cast %parallel_loop3A_848 : i32 to index
        %parallel_loop3A_903 = arith.constant 112 : index
        %parallel_loop3A_904 = tpu.vector_load %arg9[%parallel_loop3A_902, %parallel_loop3A_903] {strides = array<i32>} : memref<13x128xf32, #tpu.memory_space<vmem>>, vector<16xf32>,
        %parallel_loop3A_905 = arith.index_cast %rem3A_59 : i32 to index
        %parallel_loop3A_906 = arith.index_cast %parallel_loop3A_852 : i32 to index
        %parallel_loop3A_907 = arith.constant 112 : index
        %parallel_loop3A_908 = tpu.vector_load %arg10[%parallel_loop3A_905, %parallel_loop3A_906, %parallel_loop3A_907] {strides = array<i32>} : memref<6x128x128xf32, #tpu.memory_space<vmem>>, vector<16xf32>,
        tpu.vector_store %arg10[%parallel_loop3A_905, %parallel_loop3A_906, %parallel_loop3A_907], %parallel_loop3A_904 {add = true, strides = array<i32>} : memref<6x128x128xf32, #tpu.memory_space<vmem>>, vector<16xf32>,
        %parallel_loop3A_909 = vector.extract_strided_slice %parallel_loop3A_102 {offsets = [13], sizes = [1], strides = [1]} : vector<16xi32> to vector<1xi32>
        %parallel_loop3A_910 = vector.extract %parallel_loop3A_909[0] : i32 from vector<1xi32>
        %parallel_loop3A_911 = arith.constant 16 : i32
        %parallel_loop3A_912 = arith.muli %parallel_loop3A_97, %parallel_loop3A_911 : i32
        %parallel_loop3A_913 = arith.constant 13 : i32
        %parallel_loop3A_914 = arith.addi %parallel_loop3A_912, %parallel_loop3A_913 : i32
        %parallel_loop3A_915 = arith.index_cast %parallel_loop3A_910 : i32 to index
        %parallel_loop3A_916 = arith.constant 0 : index
        %parallel_loop3A_917 = tpu.vector_load %arg9[%parallel_loop3A_915, %parallel_loop3A_916] {strides = array<i32>} : memref<13x128xf32, #tpu.memory_space<vmem>>, vector<16xf32>,
        %parallel_loop3A_918 = arith.index_cast %rem3A_59 : i32 to index
        %parallel_loop3A_919 = arith.index_cast %parallel_loop3A_914 : i32 to index
        %parallel_loop3A_920 = arith.constant 0 : index
        %parallel_loop3A_921 = tpu.vector_load %arg10[%parallel_loop3A_918, %parallel_loop3A_919, %parallel_loop3A_920] {strides = array<i32>} : memref<6x128x128xf32, #tpu.memory_space<vmem>>, vector<16xf32>,
        tpu.vector_store %arg10[%parallel_loop3A_918, %parallel_loop3A_919, %parallel_loop3A_920], %parallel_loop3A_917 {add = true, strides = array<i32>} : memref<6x128x128xf32, #tpu.memory_space<vmem>>, vector<16xf32>,
        %parallel_loop3A_922 = arith.index_cast %parallel_loop3A_910 : i32 to index
        %parallel_loop3A_923 = arith.constant 16 : index
        %parallel_loop3A_924 = tpu.vector_load %arg9[%parallel_loop3A_922, %parallel_loop3A_923] {strides = array<i32>} : memref<13x128xf32, #tpu.memory_space<vmem>>, vector<16xf32>,
        %parallel_loop3A_925 = arith.index_cast %rem3A_59 : i32 to index
        %parallel_loop3A_926 = arith.index_cast %parallel_loop3A_914 : i32 to index
        %parallel_loop3A_927 = arith.constant 16 : index
        %parallel_loop3A_928 = tpu.vector_load %arg10[%parallel_loop3A_925, %parallel_loop3A_926, %parallel_loop3A_927] {strides = array<i32>} : memref<6x128x128xf32, #tpu.memory_space<vmem>>, vector<16xf32>,
        tpu.vector_store %arg10[%parallel_loop3A_925, %parallel_loop3A_926, %parallel_loop3A_927], %parallel_loop3A_924 {add = true, strides = array<i32>} : memref<6x128x128xf32, #tpu.memory_space<vmem>>, vector<16xf32>,
        %parallel_loop3A_929 = arith.index_cast %parallel_loop3A_910 : i32 to index
        %parallel_loop3A_930 = arith.constant 32 : index
        %parallel_loop3A_931 = tpu.vector_load %arg9[%parallel_loop3A_929, %parallel_loop3A_930] {strides = array<i32>} : memref<13x128xf32, #tpu.memory_space<vmem>>, vector<16xf32>,
        %parallel_loop3A_932 = arith.index_cast %rem3A_59 : i32 to index
        %parallel_loop3A_933 = arith.index_cast %parallel_loop3A_914 : i32 to index
        %parallel_loop3A_934 = arith.constant 32 : index
        %parallel_loop3A_935 = tpu.vector_load %arg10[%parallel_loop3A_932, %parallel_loop3A_933, %parallel_loop3A_934] {strides = array<i32>} : memref<6x128x128xf32, #tpu.memory_space<vmem>>, vector<16xf32>,
        tpu.vector_store %arg10[%parallel_loop3A_932, %parallel_loop3A_933, %parallel_loop3A_934], %parallel_loop3A_931 {add = true, strides = array<i32>} : memref<6x128x128xf32, #tpu.memory_space<vmem>>, vector<16xf32>,
        %parallel_loop3A_936 = arith.index_cast %parallel_loop3A_910 : i32 to index
        %parallel_loop3A_937 = arith.constant 48 : index
        %parallel_loop3A_938 = tpu.vector_load %arg9[%parallel_loop3A_936, %parallel_loop3A_937] {strides = array<i32>} : memref<13x128xf32, #tpu.memory_space<vmem>>, vector<16xf32>,
        %parallel_loop3A_939 = arith.index_cast %rem3A_59 : i32 to index
        %parallel_loop3A_940 = arith.index_cast %parallel_loop3A_914 : i32 to index
        %parallel_loop3A_941 = arith.constant 48 : index
        %parallel_loop3A_942 = tpu.vector_load %arg10[%parallel_loop3A_939, %parallel_loop3A_940, %parallel_loop3A_941] {strides = array<i32>} : memref<6x128x128xf32, #tpu.memory_space<vmem>>, vector<16xf32>,
        tpu.vector_store %arg10[%parallel_loop3A_939, %parallel_loop3A_940, %parallel_loop3A_941], %parallel_loop3A_938 {add = true, strides = array<i32>} : memref<6x128x128xf32, #tpu.memory_space<vmem>>, vector<16xf32>,
        %parallel_loop3A_943 = arith.index_cast %parallel_loop3A_910 : i32 to index
        %parallel_loop3A_944 = arith.constant 64 : index
        %parallel_loop3A_945 = tpu.vector_load %arg9[%parallel_loop3A_943, %parallel_loop3A_944] {strides = array<i32>} : memref<13x128xf32, #tpu.memory_space<vmem>>, vector<16xf32>,
        %parallel_loop3A_946 = arith.index_cast %rem3A_59 : i32 to index
        %parallel_loop3A_947 = arith.index_cast %parallel_loop3A_914 : i32 to index
        %parallel_loop3A_948 = arith.constant 64 : index
        %parallel_loop3A_949 = tpu.vector_load %arg10[%parallel_loop3A_946, %parallel_loop3A_947, %parallel_loop3A_948] {strides = array<i32>} : memref<6x128x128xf32, #tpu.memory_space<vmem>>, vector<16xf32>,
        tpu.vector_store %arg10[%parallel_loop3A_946, %parallel_loop3A_947, %parallel_loop3A_948], %parallel_loop3A_945 {add = true, strides = array<i32>} : memref<6x128x128xf32, #tpu.memory_space<vmem>>, vector<16xf32>,
        %parallel_loop3A_950 = arith.index_cast %parallel_loop3A_910 : i32 to index
        %parallel_loop3A_951 = arith.constant 80 : index
        %parallel_loop3A_952 = tpu.vector_load %arg9[%parallel_loop3A_950, %parallel_loop3A_951] {strides = array<i32>} : memref<13x128xf32, #tpu.memory_space<vmem>>, vector<16xf32>,
        %parallel_loop3A_953 = arith.index_cast %rem3A_59 : i32 to index
        %parallel_loop3A_954 = arith.index_cast %parallel_loop3A_914 : i32 to index
        %parallel_loop3A_955 = arith.constant 80 : index
        %parallel_loop3A_956 = tpu.vector_load %arg10[%parallel_loop3A_953, %parallel_loop3A_954, %parallel_loop3A_955] {strides = array<i32>} : memref<6x128x128xf32, #tpu.memory_space<vmem>>, vector<16xf32>,
        tpu.vector_store %arg10[%parallel_loop3A_953, %parallel_loop3A_954, %parallel_loop3A_955], %parallel_loop3A_952 {add = true, strides = array<i32>} : memref<6x128x128xf32, #tpu.memory_space<vmem>>, vector<16xf32>,
        %parallel_loop3A_957 = arith.index_cast %parallel_loop3A_910 : i32 to index
        %parallel_loop3A_958 = arith.constant 96 : index
        %parallel_loop3A_959 = tpu.vector_load %arg9[%parallel_loop3A_957, %parallel_loop3A_958] {strides = array<i32>} : memref<13x128xf32, #tpu.memory_space<vmem>>, vector<16xf32>,
        %parallel_loop3A_960 = arith.index_cast %rem3A_59 : i32 to index
        %parallel_loop3A_961 = arith.index_cast %parallel_loop3A_914 : i32 to index
        %parallel_loop3A_962 = arith.constant 96 : index
        %parallel_loop3A_963 = tpu.vector_load %arg10[%parallel_loop3A_960, %parallel_loop3A_961, %parallel_loop3A_962] {strides = array<i32>} : memref<6x128x128xf32, #tpu.memory_space<vmem>>, vector<16xf32>,
        tpu.vector_store %arg10[%parallel_loop3A_960, %parallel_loop3A_961, %parallel_loop3A_962], %parallel_loop3A_959 {add = true, strides = array<i32>} : memref<6x128x128xf32, #tpu.memory_space<vmem>>, vector<16xf32>,
        %parallel_loop3A_964 = arith.index_cast %parallel_loop3A_910 : i32 to index
        %parallel_loop3A_965 = arith.constant 112 : index
        %parallel_loop3A_966 = tpu.vector_load %arg9[%parallel_loop3A_964, %parallel_loop3A_965] {strides = array<i32>} : memref<13x128xf32, #tpu.memory_space<vmem>>, vector<16xf32>,
        %parallel_loop3A_967 = arith.index_cast %rem3A_59 : i32 to index
        %parallel_loop3A_968 = arith.index_cast %parallel_loop3A_914 : i32 to index
        %parallel_loop3A_969 = arith.constant 112 : index
        %parallel_loop3A_970 = tpu.vector_load %arg10[%parallel_loop3A_967, %parallel_loop3A_968, %parallel_loop3A_969] {strides = array<i32>} : memref<6x128x128xf32, #tpu.memory_space<vmem>>, vector<16xf32>,
        tpu.vector_store %arg10[%parallel_loop3A_967, %parallel_loop3A_968, %parallel_loop3A_969], %parallel_loop3A_966 {add = true, strides = array<i32>} : memref<6x128x128xf32, #tpu.memory_space<vmem>>, vector<16xf32>,
        %parallel_loop3A_971 = vector.extract_strided_slice %parallel_loop3A_102 {offsets = [14], sizes = [1], strides = [1]} : vector<16xi32> to vector<1xi32>
        %parallel_loop3A_972 = vector.extract %parallel_loop3A_971[0] : i32 from vector<1xi32>
        %parallel_loop3A_973 = arith.constant 16 : i32
        %parallel_loop3A_974 = arith.muli %parallel_loop3A_97, %parallel_loop3A_973 : i32
        %parallel_loop3A_975 = arith.constant 14 : i32
        %parallel_loop3A_976 = arith.addi %parallel_loop3A_974, %parallel_loop3A_975 : i32
        %parallel_loop3A_977 = arith.index_cast %parallel_loop3A_972 : i32 to index
        %parallel_loop3A_978 = arith.constant 0 : index
        %parallel_loop3A_979 = tpu.vector_load %arg9[%parallel_loop3A_977, %parallel_loop3A_978] {strides = array<i32>} : memref<13x128xf32, #tpu.memory_space<vmem>>, vector<16xf32>,
        %parallel_loop3A_980 = arith.index_cast %rem3A_59 : i32 to index
        %parallel_loop3A_981 = arith.index_cast %parallel_loop3A_976 : i32 to index
        %parallel_loop3A_982 = arith.constant 0 : index
        %parallel_loop3A_983 = tpu.vector_load %arg10[%parallel_loop3A_980, %parallel_loop3A_981, %parallel_loop3A_982] {strides = array<i32>} : memref<6x128x128xf32, #tpu.memory_space<vmem>>, vector<16xf32>,
        tpu.vector_store %arg10[%parallel_loop3A_980, %parallel_loop3A_981, %parallel_loop3A_982], %parallel_loop3A_979 {add = true, strides = array<i32>} : memref<6x128x128xf32, #tpu.memory_space<vmem>>, vector<16xf32>,
        %parallel_loop3A_984 = arith.index_cast %parallel_loop3A_972 : i32 to index
        %parallel_loop3A_985 = arith.constant 16 : index
        %parallel_loop3A_986 = tpu.vector_load %arg9[%parallel_loop3A_984, %parallel_loop3A_985] {strides = array<i32>} : memref<13x128xf32, #tpu.memory_space<vmem>>, vector<16xf32>,
        %parallel_loop3A_987 = arith.index_cast %rem3A_59 : i32 to index
        %parallel_loop3A_988 = arith.index_cast %parallel_loop3A_976 : i32 to index
        %parallel_loop3A_989 = arith.constant 16 : index
        %parallel_loop3A_990 = tpu.vector_load %arg10[%parallel_loop3A_987, %parallel_loop3A_988, %parallel_loop3A_989] {strides = array<i32>} : memref<6x128x128xf32, #tpu.memory_space<vmem>>, vector<16xf32>,
        tpu.vector_store %arg10[%parallel_loop3A_987, %parallel_loop3A_988, %parallel_loop3A_989], %parallel_loop3A_986 {add = true, strides = array<i32>} : memref<6x128x128xf32, #tpu.memory_space<vmem>>, vector<16xf32>,
        %parallel_loop3A_991 = arith.index_cast %parallel_loop3A_972 : i32 to index
        %parallel_loop3A_992 = arith.constant 32 : index
        %parallel_loop3A_993 = tpu.vector_load %arg9[%parallel_loop3A_991, %parallel_loop3A_992] {strides = array<i32>} : memref<13x128xf32, #tpu.memory_space<vmem>>, vector<16xf32>,
        %parallel_loop3A_994 = arith.index_cast %rem3A_59 : i32 to index
        %parallel_loop3A_995 = arith.index_cast %parallel_loop3A_976 : i32 to index
        %parallel_loop3A_996 = arith.constant 32 : index
        %parallel_loop3A_997 = tpu.vector_load %arg10[%parallel_loop3A_994, %parallel_loop3A_995, %parallel_loop3A_996] {strides = array<i32>} : memref<6x128x128xf32, #tpu.memory_space<vmem>>, vector<16xf32>,
        tpu.vector_store %arg10[%parallel_loop3A_994, %parallel_loop3A_995, %parallel_loop3A_996], %parallel_loop3A_993 {add = true, strides = array<i32>} : memref<6x128x128xf32, #tpu.memory_space<vmem>>, vector<16xf32>,
        %parallel_loop3A_998 = arith.index_cast %parallel_loop3A_972 : i32 to index
        %parallel_loop3A_999 = arith.constant 48 : index
        %parallel_loop3A_1000 = tpu.vector_load %arg9[%parallel_loop3A_998, %parallel_loop3A_999] {strides = array<i32>} : memref<13x128xf32, #tpu.memory_space<vmem>>, vector<16xf32>,
        %parallel_loop3A_1001 = arith.index_cast %rem3A_59 : i32 to index
        %parallel_loop3A_1002 = arith.index_cast %parallel_loop3A_976 : i32 to index
        %parallel_loop3A_1003 = arith.constant 48 : index
        %parallel_loop3A_1004 = tpu.vector_load %arg10[%parallel_loop3A_1001, %parallel_loop3A_1002, %parallel_loop3A_1003] {strides = array<i32>} : memref<6x128x128xf32, #tpu.memory_space<vmem>>, vector<16xf32>,
        tpu.vector_store %arg10[%parallel_loop3A_1001, %parallel_loop3A_1002, %parallel_loop3A_1003], %parallel_loop3A_1000 {add = true, strides = array<i32>} : memref<6x128x128xf32, #tpu.memory_space<vmem>>, vector<16xf32>,
        %parallel_loop3A_1005 = arith.index_cast %parallel_loop3A_972 : i32 to index
        %parallel_loop3A_1006 = arith.constant 64 : index
        %parallel_loop3A_1007 = tpu.vector_load %arg9[%parallel_loop3A_1005, %parallel_loop3A_1006] {strides = array<i32>} : memref<13x128xf32, #tpu.memory_space<vmem>>, vector<16xf32>,
        %parallel_loop3A_1008 = arith.index_cast %rem3A_59 : i32 to index
        %parallel_loop3A_1009 = arith.index_cast %parallel_loop3A_976 : i32 to index
        %parallel_loop3A_1010 = arith.constant 64 : index
        %parallel_loop3A_1011 = tpu.vector_load %arg10[%parallel_loop3A_1008, %parallel_loop3A_1009, %parallel_loop3A_1010] {strides = array<i32>} : memref<6x128x128xf32, #tpu.memory_space<vmem>>, vector<16xf32>,
        tpu.vector_store %arg10[%parallel_loop3A_1008, %parallel_loop3A_1009, %parallel_loop3A_1010], %parallel_loop3A_1007 {add = true, strides = array<i32>} : memref<6x128x128xf32, #tpu.memory_space<vmem>>, vector<16xf32>,
        %parallel_loop3A_1012 = arith.index_cast %parallel_loop3A_972 : i32 to index
        %parallel_loop3A_1013 = arith.constant 80 : index
        %parallel_loop3A_1014 = tpu.vector_load %arg9[%parallel_loop3A_1012, %parallel_loop3A_1013] {strides = array<i32>} : memref<13x128xf32, #tpu.memory_space<vmem>>, vector<16xf32>,
        %parallel_loop3A_1015 = arith.index_cast %rem3A_59 : i32 to index
        %parallel_loop3A_1016 = arith.index_cast %parallel_loop3A_976 : i32 to index
        %parallel_loop3A_1017 = arith.constant 80 : index
        %parallel_loop3A_1018 = tpu.vector_load %arg10[%parallel_loop3A_1015, %parallel_loop3A_1016, %parallel_loop3A_1017] {strides = array<i32>} : memref<6x128x128xf32, #tpu.memory_space<vmem>>, vector<16xf32>,
        tpu.vector_store %arg10[%parallel_loop3A_1015, %parallel_loop3A_1016, %parallel_loop3A_1017], %parallel_loop3A_1014 {add = true, strides = array<i32>} : memref<6x128x128xf32, #tpu.memory_space<vmem>>, vector<16xf32>,
        %parallel_loop3A_1019 = arith.index_cast %parallel_loop3A_972 : i32 to index
        %parallel_loop3A_1020 = arith.constant 96 : index
        %parallel_loop3A_1021 = tpu.vector_load %arg9[%parallel_loop3A_1019, %parallel_loop3A_1020] {strides = array<i32>} : memref<13x128xf32, #tpu.memory_space<vmem>>, vector<16xf32>,
        %parallel_loop3A_1022 = arith.index_cast %rem3A_59 : i32 to index
        %parallel_loop3A_1023 = arith.index_cast %parallel_loop3A_976 : i32 to index
        %parallel_loop3A_1024 = arith.constant 96 : index
        %parallel_loop3A_1025 = tpu.vector_load %arg10[%parallel_loop3A_1022, %parallel_loop3A_1023, %parallel_loop3A_1024] {strides = array<i32>} : memref<6x128x128xf32, #tpu.memory_space<vmem>>, vector<16xf32>,
        tpu.vector_store %arg10[%parallel_loop3A_1022, %parallel_loop3A_1023, %parallel_loop3A_1024], %parallel_loop3A_1021 {add = true, strides = array<i32>} : memref<6x128x128xf32, #tpu.memory_space<vmem>>, vector<16xf32>,
        %parallel_loop3A_1026 = arith.index_cast %parallel_loop3A_972 : i32 to index
        %parallel_loop3A_1027 = arith.constant 112 : index
        %parallel_loop3A_1028 = tpu.vector_load %arg9[%parallel_loop3A_1026, %parallel_loop3A_1027] {strides = array<i32>} : memref<13x128xf32, #tpu.memory_space<vmem>>, vector<16xf32>,
        %parallel_loop3A_1029 = arith.index_cast %rem3A_59 : i32 to index
        %parallel_loop3A_1030 = arith.index_cast %parallel_loop3A_976 : i32 to index
        %parallel_loop3A_1031 = arith.constant 112 : index
        %parallel_loop3A_1032 = tpu.vector_load %arg10[%parallel_loop3A_1029, %parallel_loop3A_1030, %parallel_loop3A_1031] {strides = array<i32>} : memref<6x128x128xf32, #tpu.memory_space<vmem>>, vector<16xf32>,
        tpu.vector_store %arg10[%parallel_loop3A_1029, %parallel_loop3A_1030, %parallel_loop3A_1031], %parallel_loop3A_1028 {add = true, strides = array<i32>} : memref<6x128x128xf32, #tpu.memory_space<vmem>>, vector<16xf32>,
        %parallel_loop3A_1033 = vector.extract_strided_slice %parallel_loop3A_102 {offsets = [15], sizes = [1], strides = [1]} : vector<16xi32> to vector<1xi32>
        %parallel_loop3A_1034 = vector.extract %parallel_loop3A_1033[0] : i32 from vector<1xi32>
        %parallel_loop3A_1035 = arith.constant 16 : i32
        %parallel_loop3A_1036 = arith.muli %parallel_loop3A_97, %parallel_loop3A_1035 : i32
        %parallel_loop3A_1037 = arith.constant 15 : i32
        %parallel_loop3A_1038 = arith.addi %parallel_loop3A_1036, %parallel_loop3A_1037 : i32
        %parallel_loop3A_1039 = arith.index_cast %parallel_loop3A_1034 : i32 to index
        %parallel_loop3A_1040 = arith.constant 0 : index
        %parallel_loop3A_1041 = tpu.vector_load %arg9[%parallel_loop3A_1039, %parallel_loop3A_1040] {strides = array<i32>} : memref<13x128xf32, #tpu.memory_space<vmem>>, vector<16xf32>,
        %parallel_loop3A_1042 = arith.index_cast %rem3A_59 : i32 to index
        %parallel_loop3A_1043 = arith.index_cast %parallel_loop3A_1038 : i32 to index
        %parallel_loop3A_1044 = arith.constant 0 : index
        %parallel_loop3A_1045 = tpu.vector_load %arg10[%parallel_loop3A_1042, %parallel_loop3A_1043, %parallel_loop3A_1044] {strides = array<i32>} : memref<6x128x128xf32, #tpu.memory_space<vmem>>, vector<16xf32>,
        tpu.vector_store %arg10[%parallel_loop3A_1042, %parallel_loop3A_1043, %parallel_loop3A_1044], %parallel_loop3A_1041 {add = true, strides = array<i32>} : memref<6x128x128xf32, #tpu.memory_space<vmem>>, vector<16xf32>,
        %parallel_loop3A_1046 = arith.index_cast %parallel_loop3A_1034 : i32 to index
        %parallel_loop3A_1047 = arith.constant 16 : index
        %parallel_loop3A_1048 = tpu.vector_load %arg9[%parallel_loop3A_1046, %parallel_loop3A_1047] {strides = array<i32>} : memref<13x128xf32, #tpu.memory_space<vmem>>, vector<16xf32>,
        %parallel_loop3A_1049 = arith.index_cast %rem3A_59 : i32 to index
        %parallel_loop3A_1050 = arith.index_cast %parallel_loop3A_1038 : i32 to index
        %parallel_loop3A_1051 = arith.constant 16 : index
        %parallel_loop3A_1052 = tpu.vector_load %arg10[%parallel_loop3A_1049, %parallel_loop3A_1050, %parallel_loop3A_1051] {strides = array<i32>} : memref<6x128x128xf32, #tpu.memory_space<vmem>>, vector<16xf32>,
        tpu.vector_store %arg10[%parallel_loop3A_1049, %parallel_loop3A_1050, %parallel_loop3A_1051], %parallel_loop3A_1048 {add = true, strides = array<i32>} : memref<6x128x128xf32, #tpu.memory_space<vmem>>, vector<16xf32>,
        %parallel_loop3A_1053 = arith.index_cast %parallel_loop3A_1034 : i32 to index
        %parallel_loop3A_1054 = arith.constant 32 : index
        %parallel_loop3A_1055 = tpu.vector_load %arg9[%parallel_loop3A_1053, %parallel_loop3A_1054] {strides = array<i32>} : memref<13x128xf32, #tpu.memory_space<vmem>>, vector<16xf32>,
        %parallel_loop3A_1056 = arith.index_cast %rem3A_59 : i32 to index
        %parallel_loop3A_1057 = arith.index_cast %parallel_loop3A_1038 : i32 to index
        %parallel_loop3A_1058 = arith.constant 32 : index
        %parallel_loop3A_1059 = tpu.vector_load %arg10[%parallel_loop3A_1056, %parallel_loop3A_1057, %parallel_loop3A_1058] {strides = array<i32>} : memref<6x128x128xf32, #tpu.memory_space<vmem>>, vector<16xf32>,
        tpu.vector_store %arg10[%parallel_loop3A_1056, %parallel_loop3A_1057, %parallel_loop3A_1058], %parallel_loop3A_1055 {add = true, strides = array<i32>} : memref<6x128x128xf32, #tpu.memory_space<vmem>>, vector<16xf32>,
        %parallel_loop3A_1060 = arith.index_cast %parallel_loop3A_1034 : i32 to index
        %parallel_loop3A_1061 = arith.constant 48 : index
        %parallel_loop3A_1062 = tpu.vector_load %arg9[%parallel_loop3A_1060, %parallel_loop3A_1061] {strides = array<i32>} : memref<13x128xf32, #tpu.memory_space<vmem>>, vector<16xf32>,
        %parallel_loop3A_1063 = arith.index_cast %rem3A_59 : i32 to index
        %parallel_loop3A_1064 = arith.index_cast %parallel_loop3A_1038 : i32 to index
        %parallel_loop3A_1065 = arith.constant 48 : index
        %parallel_loop3A_1066 = tpu.vector_load %arg10[%parallel_loop3A_1063, %parallel_loop3A_1064, %parallel_loop3A_1065] {strides = array<i32>} : memref<6x128x128xf32, #tpu.memory_space<vmem>>, vector<16xf32>,
        tpu.vector_store %arg10[%parallel_loop3A_1063, %parallel_loop3A_1064, %parallel_loop3A_1065], %parallel_loop3A_1062 {add = true, strides = array<i32>} : memref<6x128x128xf32, #tpu.memory_space<vmem>>, vector<16xf32>,
        %parallel_loop3A_1067 = arith.index_cast %parallel_loop3A_1034 : i32 to index
        %parallel_loop3A_1068 = arith.constant 64 : index
        %parallel_loop3A_1069 = tpu.vector_load %arg9[%parallel_loop3A_1067, %parallel_loop3A_1068] {strides = array<i32>} : memref<13x128xf32, #tpu.memory_space<vmem>>, vector<16xf32>,
        %parallel_loop3A_1070 = arith.index_cast %rem3A_59 : i32 to index
        %parallel_loop3A_1071 = arith.index_cast %parallel_loop3A_1038 : i32 to index
        %parallel_loop3A_1072 = arith.constant 64 : index
        %parallel_loop3A_1073 = tpu.vector_load %arg10[%parallel_loop3A_1070, %parallel_loop3A_1071, %parallel_loop3A_1072] {strides = array<i32>} : memref<6x128x128xf32, #tpu.memory_space<vmem>>, vector<16xf32>,
        tpu.vector_store %arg10[%parallel_loop3A_1070, %parallel_loop3A_1071, %parallel_loop3A_1072], %parallel_loop3A_1069 {add = true, strides = array<i32>} : memref<6x128x128xf32, #tpu.memory_space<vmem>>, vector<16xf32>,
        %parallel_loop3A_1074 = arith.index_cast %parallel_loop3A_1034 : i32 to index
        %parallel_loop3A_1075 = arith.constant 80 : index
        %parallel_loop3A_1076 = tpu.vector_load %arg9[%parallel_loop3A_1074, %parallel_loop3A_1075] {strides = array<i32>} : memref<13x128xf32, #tpu.memory_space<vmem>>, vector<16xf32>,
        %parallel_loop3A_1077 = arith.index_cast %rem3A_59 : i32 to index
        %parallel_loop3A_1078 = arith.index_cast %parallel_loop3A_1038 : i32 to index
        %parallel_loop3A_1079 = arith.constant 80 : index
        %parallel_loop3A_1080 = tpu.vector_load %arg10[%parallel_loop3A_1077, %parallel_loop3A_1078, %parallel_loop3A_1079] {strides = array<i32>} : memref<6x128x128xf32, #tpu.memory_space<vmem>>, vector<16xf32>,
        tpu.vector_store %arg10[%parallel_loop3A_1077, %parallel_loop3A_1078, %parallel_loop3A_1079], %parallel_loop3A_1076 {add = true, strides = array<i32>} : memref<6x128x128xf32, #tpu.memory_space<vmem>>, vector<16xf32>,
        %parallel_loop3A_1081 = arith.index_cast %parallel_loop3A_1034 : i32 to index
        %parallel_loop3A_1082 = arith.constant 96 : index
        %parallel_loop3A_1083 = tpu.vector_load %arg9[%parallel_loop3A_1081, %parallel_loop3A_1082] {strides = array<i32>} : memref<13x128xf32, #tpu.memory_space<vmem>>, vector<16xf32>,
        %parallel_loop3A_1084 = arith.index_cast %rem3A_59 : i32 to index
        %parallel_loop3A_1085 = arith.index_cast %parallel_loop3A_1038 : i32 to index
        %parallel_loop3A_1086 = arith.constant 96 : index
        %parallel_loop3A_1087 = tpu.vector_load %arg10[%parallel_loop3A_1084, %parallel_loop3A_1085, %parallel_loop3A_1086] {strides = array<i32>} : memref<6x128x128xf32, #tpu.memory_space<vmem>>, vector<16xf32>,
        tpu.vector_store %arg10[%parallel_loop3A_1084, %parallel_loop3A_1085, %parallel_loop3A_1086], %parallel_loop3A_1083 {add = true, strides = array<i32>} : memref<6x128x128xf32, #tpu.memory_space<vmem>>, vector<16xf32>,
        %parallel_loop3A_1088 = arith.index_cast %parallel_loop3A_1034 : i32 to index
        %parallel_loop3A_1089 = arith.constant 112 : index
        %parallel_loop3A_1090 = tpu.vector_load %arg9[%parallel_loop3A_1088, %parallel_loop3A_1089] {strides = array<i32>} : memref<13x128xf32, #tpu.memory_space<vmem>>, vector<16xf32>,
        %parallel_loop3A_1091 = arith.index_cast %rem3A_59 : i32 to index
        %parallel_loop3A_1092 = arith.index_cast %parallel_loop3A_1038 : i32 to index
        %parallel_loop3A_1093 = arith.constant 112 : index
        %parallel_loop3A_1094 = tpu.vector_load %arg10[%parallel_loop3A_1091, %parallel_loop3A_1092, %parallel_loop3A_1093] {strides = array<i32>} : memref<6x128x128xf32, #tpu.memory_space<vmem>>, vector<16xf32>,
        tpu.vector_store %arg10[%parallel_loop3A_1091, %parallel_loop3A_1092, %parallel_loop3A_1093], %parallel_loop3A_1090 {add = true, strides = array<i32>} : memref<6x128x128xf32, #tpu.memory_space<vmem>>, vector<16xf32>,
      } {sc.loop_unroll_factor = 1 : i64, sc.parallel_access}
      %dma_start3A_79 = arith.constant 0 : i32
      %dma_start3A_80 = arith.constant 0 : i32
      %dma_start3A_81 = tpu.memref_slice %arg10[%rem3A_59, %dma_start3A_79, %dma_start3A_80] : memref<6x128x128xf32, #tpu.memory_space<vmem>> -> memref<1x128x128xf32, #tpu.memory_space<vmem>>
      %dma_start3A_82 = tpu.memref_squeeze %dma_start3A_81 : memref<1x128x128xf32, #tpu.memory_space<vmem>> -> memref<128x128xf32, #tpu.memory_space<vmem>>
      %dma_start3A_83 = arith.constant 0 : i32
      %dma_start3A_84 = arith.constant 0 : i32
      %dma_start3A_85 = tpu.memref_slice %arg6[%add3A, %add3A_58, %dma_start3A_83, %dma_start3A_84] : memref<32x50x128x128xf32, #tpu.memory_space<hbm>> -> memref<1x1x128x128xf32, #tpu.memory_space<hbm>>
      %dma_start3A_86 = tpu.memref_squeeze %dma_start3A_85 : memref<1x1x128x128xf32, #tpu.memory_space<hbm>> -> memref<128x128xf32, #tpu.memory_space<hbm>>
      %dma_start3A_87 = tpu.memref_slice %arg12[%rem3A_59] : memref<6x!tpu.dma_semaphore, #tpu.memory_space<semaphore_mem>> -> memref<1x!tpu.dma_semaphore, #tpu.memory_space<semaphore_mem>>
      %dma_start3A_88 = tpu.memref_squeeze %dma_start3A_87 : memref<1x!tpu.dma_semaphore, #tpu.memory_space<semaphore_mem>> -> memref<!tpu.dma_semaphore, #tpu.memory_space<semaphore_mem>>
      %dma_start3A_89 = arith.constant 0 : i32
      %dma_start3A_90 = arith.constant 0 : i32
      %dma_start3A_91 = tpu.memref_slice %arg6[%add3A, %add3A_58, %dma_start3A_89, %dma_start3A_90] : memref<32x50x128x128xf32, #tpu.memory_space<hbm>> -> memref<1x1x128x128xf32, #tpu.memory_space<hbm>>
      %dma_start3A_92 = tpu.memref_squeeze %dma_start3A_91 : memref<1x1x128x128xf32, #tpu.memory_space<hbm>> -> memref<128x128xf32, #tpu.memory_space<hbm>>
      %dma_start3A_93 = arith.constant 0 : i32
      %dma_start3A_94 = arith.constant 0 : i32
      %dma_start3A_95 = tpu.memref_slice %arg10[%rem3A_59, %dma_start3A_93, %dma_start3A_94] : memref<6x128x128xf32, #tpu.memory_space<vmem>> -> memref<1x128x128xf32, #tpu.memory_space<vmem>>
      %dma_start3A_96 = tpu.memref_squeeze %dma_start3A_95 : memref<1x128x128xf32, #tpu.memory_space<vmem>> -> memref<128x128xf32, #tpu.memory_space<vmem>>
      tpu.enqueue_dma source(%dma_start3A_96 : memref<128x128xf32, #tpu.memory_space<vmem>>) target(%dma_start3A_92 : memref<128x128xf32, #tpu.memory_space<hbm>>) target_semaphore(%dma_start3A_88 : memref<!tpu.dma_semaphore, #tpu.memory_space<semaphore_mem>>)
    }
    %scan3A_48 = arith.constant 50 : i32
    %scan3A_49 = arith.constant 0 : i32
    %scan3A_50 = arith.constant 6 : i32
    %scan3A_51 = arith.addi %scan3A_49, %scan3A_50 : i32
    %scan3A_52 = arith.constant 1 : i32
    scf.for %scan3A_54 = %scan3A_49 to %scan3A_51 step %scan3A_52  : i32 {
      %mul3A_55 = arith.constant 1 : i32
      %mul3A_56 = arith.muli %scan3A_54, %mul3A_55 : i32
      %add3A_57 = arith.constant 44 : i32
      %add3A_58 = arith.addi %add3A_57, %mul3A_56 : i32
      %rem3A = arith.constant 6 : i32
      %rem3A_59 = arith.remsi %add3A_58, %rem3A : i32
      %dma_wait3A = arith.constant 0 : i32
      %dma_wait3A_60 = arith.constant 0 : i32
      %dma_wait3A_61 = arith.constant 0 : i32
      %dma_wait3A_62 = tpu.memref_slice %arg10[%rem3A_59, %dma_wait3A_60, %dma_wait3A_61] : memref<6x128x128xf32, #tpu.memory_space<vmem>> -> memref<1x128x128xf32, #tpu.memory_space<vmem>>
      %dma_wait3A_63 = tpu.memref_squeeze %dma_wait3A_62 : memref<1x128x128xf32, #tpu.memory_space<vmem>> -> memref<128x128xf32, #tpu.memory_space<vmem>>
      %dma_wait3A_64 = arith.constant 0 : i32
      %dma_wait3A_65 = arith.constant 0 : i32
      %dma_wait3A_66 = tpu.memref_slice %arg6[%add3A, %dma_wait3A, %dma_wait3A_64, %dma_wait3A_65] : memref<32x50x128x128xf32, #tpu.memory_space<hbm>> -> memref<1x1x128x128xf32, #tpu.memory_space<hbm>>
      %dma_wait3A_67 = tpu.memref_squeeze %dma_wait3A_66 : memref<1x1x128x128xf32, #tpu.memory_space<hbm>> -> memref<128x128xf32, #tpu.memory_space<hbm>>
      %dma_wait3A_68 = tpu.memref_slice %arg12[%rem3A_59] : memref<6x!tpu.dma_semaphore, #tpu.memory_space<semaphore_mem>> -> memref<1x!tpu.dma_semaphore, #tpu.memory_space<semaphore_mem>>
      %dma_wait3A_69 = tpu.memref_squeeze %dma_wait3A_68 : memref<1x!tpu.dma_semaphore, #tpu.memory_space<semaphore_mem>> -> memref<!tpu.dma_semaphore, #tpu.memory_space<semaphore_mem>>
      %dma_wait3A_70 = arith.constant 0 : i32
      %dma_wait3A_71 = arith.constant 0 : i32
      %dma_wait3A_72 = tpu.memref_slice %arg6[%add3A, %dma_wait3A, %dma_wait3A_70, %dma_wait3A_71] : memref<32x50x128x128xf32, #tpu.memory_space<hbm>> -> memref<1x1x128x128xf32, #tpu.memory_space<hbm>>
      %dma_wait3A_73 = tpu.memref_squeeze %dma_wait3A_72 : memref<1x1x128x128xf32, #tpu.memory_space<hbm>> -> memref<128x128xf32, #tpu.memory_space<hbm>>
      %dma_wait3A_74 = arith.constant 0 : i32
      %dma_wait3A_75 = arith.constant 0 : i32
      %dma_wait3A_76 = tpu.memref_slice %arg10[%rem3A_59, %dma_wait3A_74, %dma_wait3A_75] : memref<6x128x128xf32, #tpu.memory_space<vmem>> -> memref<1x128x128xf32, #tpu.memory_space<vmem>>
      %dma_wait3A_77 = tpu.memref_squeeze %dma_wait3A_76 : memref<1x128x128xf32, #tpu.memory_space<vmem>> -> memref<128x128xf32, #tpu.memory_space<vmem>>
      tpu.wait_dma2 semaphore(%dma_wait3A_69 : memref<!tpu.dma_semaphore, #tpu.memory_space<semaphore_mem>>) src(%dma_wait3A_77 : memref<128x128xf32, #tpu.memory_space<vmem>>) dst(%dma_wait3A_73 : memref<128x128xf32, #tpu.memory_space<hbm>>)
    }
    %scan3A_53 = arith.constant 6 : i32
    return
  }
}

</mosaic_0001>

<sc_bundles>
// kernel: _run.3.cloned.1.call-start
scs
__scs_entry_jumppad:
0x0: {  	(pc) =	sbr.rel $0x88, $3  }
0x1: {  	(tag) =	ssettag $0x0;
	lr =	simm.s32 $0x1  }
0x2: {  	[smem:$0x3F9D] =	sst lr;
	_ =	strace $0xD0000000  }
0x3: {  	_ = 	snop  }
0x4: {  	_ = 	snop  }
0x5: {  	_ = 	snop  }
0x6: {  	_ = 	snop  }
0x7: {  	_ = 	snop  }
__scs_overlays_trampoline_lowered:
0x8: {  	[smem:$0x3FAC] =	sst s0  }
0x9: {  	[smem:$0x3FAD] =	sst s1  }
0xa: {  	[smem:$0x3FAE] =	sst s2  }
0xb: {  	[smem:$0x3FAF] =	sst s3  }
0xc: {  	[smem:$0x3FB0] =	sst s4  }
0xd: {  	[smem:$0x3FB1] =	sst s5  }
0xe: {  	[smem:$0x3FB2] =	sst s6  }
0xf: {  	[smem:$0x3FB3] =	sst s7  }
0x10: {  	[smem:$0x3FB4] =	sst s8  }
0x11: {  	[smem:$0x3FB5] =	sst s9;
	s0 =	simm.s32 @!p0 $0x0  }
0x12: {  	s1 =	sld [smem:$0x3F9B];
	s0 =	simm.s32 @p0 $0x1  }
0x13: {  	[smem:$0x3FB6] =	sst s0;
	s0 =	simm.s32 @!p1 $0x0  }
0x14: {  	s2 =	sld [smem:$0x3F9A];
	s0 =	simm.s32 @p1 $0x1  }
0x15: {  	[smem:$0x3FB7] =	sst s0;
	s0 =	simm.s32 @!p2 $0x0  }
0x16: {  	s3 =	sld [smem:$0x3FDB];
	s0 =	simm.s32 @p2 $0x1  }
0x17: {  	s4 =	simm.s32 $0x1BF5;
	[smem:$0x3FB9] =	sst s0  }
0x18: {  	s0 =	sld [smem:$0x3F9C];
	_ =	swait.ge [sflag:s4], $0x0  }
0x19: {  	s7 =	sld [smem:$0x3F9D]  }
0x1a: {  	s8 =	sadd.s32 $0xFFFFE003, lr  }
0x1b: {  	s9 =	sadd.s32 $0xFFFFFEF7, lr;
	s5 =	simm.s32 $0xFFFFFFFF;
	p2 =	slt.u32 s8, $0xFFFFF086  }
0x1c: {  	p1 =	slt.u32 s9, $0xF7A;
	s5 =	simm.s32 @!p2 $0x0  }
0x1d: {  	s5 =	simm.s32 @p1 $0x1;
	p0 =	seq.s32 s7, s2  }
0x1e: {  	s7 =	smul.u32 @!p0 $0xF7A, s2;
	p2 =	seq.s32 @!p0 s5, $0x0  }
0x1f: {  	s9 =	smul.u32 $0xF7A, s1;
	s8 =	simm.s32 @!p0 $0x1BF5;
	p2 =	por !p2, p0  }
0x20: {  	[sflag:s8] =	ssyncset.s32 @!p0 $0xFFFFF086;
	s6 =	sadd.s32 @!p0 s3, s7;
	s7 =	simm.s32 @!p0 $0x108  }
0x21: {  	s3 =	sadd.s32 s3, s9;
	s6 =	sadd.s32 @!p0 $0x88, s6;
	s7 =	simm.s32 @p2 $0x1082  }
0x22: {  	[simem:s7], [sflag:s8] =	dma.local @!p0 [hbm:s6], $0xF7A  }
0x23: {  	s9 =	sor.u32 $0xD0000000, s2;
	s6 =	simm.s32 $0x108;
	_ =	swait.ge @!p0 [sflag:s8], $0x0  }
0x24: {  	s3 =	sadd.s32 $0x88, s3;
	s6 =	simm.s32 @!p1 $0x1082;
	[sflag:s4] =	ssyncset.s32 $0xFFFFF086  }
0x25: {  	[simem:s6], [sflag:s4] =	dma.local [hbm:s3], $0xF7A  }
0x26: {  	[smem:$0x3F9D] =	sst s1;
	(tag) =	ssettag s2;
	_ =	strace s9  }
0x27: {  	s1 =	sld [smem:$0x3FAD]  }
0x28: {  	s2 =	sld [smem:$0x3FAE]  }
0x29: {  	s4 =	sld [smem:$0x3FB0]  }
0x2a: {  	p0 =	seq.s32 s5, $0x0;
	s5 =	sld [smem:$0x3FB1]  }
0x2b: {  	s6 =	sld [smem:$0x3FB2]  }
0x2c: {  	s7 =	sld [smem:$0x3FB3]  }
0x2d: {  	s3 =	simm.s32 $0x108;
	s8 =	sld [smem:$0x3FB4]  }
0x2e: {  	s3 =	simm.s32 @!p0 $0x1082;
	s9 =	sld [smem:$0x3FB5]  }
0x2f: {  	lr =	sadd.s32 s0, s3;
	s0 =	sld [smem:$0x3FAC]  }
0x30: {  	s3 =	sld [smem:$0x3FAF]  }
0x31: {  	[smem:$0x3FB8] =	sst s10  }
0x32: {  	s10 =	sld [smem:$0x3FB6];
	_ =	sdelay $0x3  }
0x33: {  	p0 =	seq.s32 s10, $0x1;
	s10 =	sld [smem:$0x3FB8];
	_ =	sdelay $0x3  }
0x34: {  	[smem:$0x3FB8] =	sst s10  }
0x35: {  	s10 =	sld [smem:$0x3FB7];
	_ =	sdelay $0x3  }
0x36: {  	p1 =	seq.s32 s10, $0x1;
	s10 =	sld [smem:$0x3FB8];
	_ =	sdelay $0x3  }
0x37: {  	[smem:$0x3FB8] =	sst s10  }
0x38: {  	s10 =	sld [smem:$0x3FB9]  }
0x39: {  	_ = 	snop;
	(pc) =	sbr.ind lr, $3  }
0x3a: {  	_ = 	snop  }
0x3b: {  	_ = 	snop  }
0x3c: {  	p2 =	seq.s32 s10, $0x1;
	s10 =	sld [smem:$0x3FB8]  }
0x3d: {  	_ =	shalt  }
0x3e: {  	_ =	shalt  }
0x3f: {  	_ =	shalt  }
0x40: {  	_ =	shalt  }
0x41: {  	_ =	shalt  }
0x42: {  	_ =	shalt  }
0x43: {  	_ =	shalt  }
0x44: {  	_ =	shalt  }
0x45: {  	_ =	shalt  }
0x46: {  	_ =	shalt  }
0x47: {  	_ =	shalt  }
0x48: {  	_ =	shalt  }
0x49: {  	_ =	shalt  }
0x4a: {  	_ =	shalt  }
0x4b: {  	_ =	shalt  }
0x4c: {  	_ =	shalt  }
0x4d: {  	_ =	shalt  }
0x4e: {  	_ =	shalt  }
0x4f: {  	_ =	shalt  }
0x50: {  	_ =	shalt  }
0x51: {  	_ =	shalt  }
0x52: {  	_ =	shalt  }
0x53: {  	_ =	shalt  }
0x54: {  	_ =	shalt  }
0x55: {  	_ =	shalt  }
0x56: {  	_ =	shalt  }
0x57: {  	_ =	shalt  }
0x58: {  	_ =	shalt  }
0x59: {  	_ =	shalt  }
0x5a: {  	_ =	shalt  }
0x5b: {  	_ =	shalt  }
0x5c: {  	_ =	shalt  }
0x5d: {  	_ =	shalt  }
0x5e: {  	_ =	shalt  }
0x5f: {  	_ =	shalt  }
0x60: {  	_ =	shalt  }
0x61: {  	_ =	shalt  }
0x62: {  	_ =	shalt  }
0x63: {  	_ =	shalt  }
0x64: {  	_ =	shalt  }
0x65: {  	_ =	shalt  }
0x66: {  	_ =	shalt  }
0x67: {  	_ =	shalt  }
0x68: {  	_ =	shalt  }
0x69: {  	_ =	shalt  }
0x6a: {  	_ =	shalt  }
0x6b: {  	_ =	shalt  }
0x6c: {  	_ =	shalt  }
0x6d: {  	_ =	shalt  }
0x6e: {  	_ =	shalt  }
0x6f: {  	_ =	shalt  }
0x70: {  	_ =	shalt  }
0x71: {  	_ =	shalt  }
0x72: {  	_ =	shalt  }
0x73: {  	_ =	shalt  }
0x74: {  	_ =	shalt  }
0x75: {  	_ =	shalt  }
0x76: {  	_ =	shalt  }
0x77: {  	_ =	shalt  }
0x78: {  	_ =	shalt  }
0x79: {  	_ =	shalt  }
0x7a: {  	_ =	shalt  }
0x7b: {  	_ =	shalt  }
0x7c: {  	_ =	shalt  }
0x7d: {  	_ =	shalt  }
0x7e: {  	_ =	shalt  }
0x7f: {  	_ =	shalt  }
0x80: {  	_ =	shalt  }
0x81: {  	_ =	shalt  }
0x82: {  	_ =	shalt  }
0x83: {  	_ =	shalt  }
0x84: {  	_ =	shalt  }
0x85: {  	_ =	shalt  }
0x86: {  	_ =	shalt  }
0x87: {  	_ =	shalt  }
.Lfunc_end0:
.L_simem_size_0:
called_computation_lowered:
.L_overlay_start_0:
0x88: {  	s2 =	sld [smem:$0x3FD9]  }
0x89: {  	s3 =	sld [smem:$0x3FFE];
	_ =	sdelay $0x1  }
0x8a: {  	s1 =	srdreg.scid  }
0x8b: {  	s0 =	sand.u32 $0x1, s1  }
0x8c: {  	s17 =	sshll.u32 s0, $0xA;
	s2 =	sadd.s32 s3, s2  }
0x8d: {  	s2 =	sadd.s32 s2, s17  }
0x8e: {  	[smem:$0x3FC4] =	sst s2  }
0x8f: {  	_ = 	snop  }
0x90: {  	s2 =	sld [smem:$0x3FC7]  }
0x91: {  	s18 =	sld [smem:$0x3FC6]  }
0x92: {  	s4 =	sld [smem:$0x3FD0];
	(tm) =	ssettm $0x1  }
0x93: {  	s5 =	sld [smem:$0x3FFB];
	_ =	sdelay $0x3  }
0x94: {  	_ =	strace s5  }
0x95: {  	s5 =	sld [smem:$0x3FFC];
	_ =	sdelay $0x3  }
0x96: {  	_ =	strace s5  }
0x97: {  	s5 =	sld [smem:$0x3FFD];
	_ =	sdelay $0x3  }
0x98: {  	_ =	strace s5  }
0x99: {  	_ =	strace $0x8FFFFFFF  }
0x9a: {  	s19 =	sld [smem:$0x3FDB];
	_ =	sdelay $0x1  }
0x9b: {  	s6 =	simm.s32 $_scs_section_size  }
0x9c: {  	s7 =	simm.s32 $_size__tile_overlayer_lowered;
	s8 =	simm.s32 $_tile_overlayer_lowered  }
0x9d: {  	s22 =	simm.s32 $0x1BFF;
	s21 =	sshll.u32 s8, $0x1;
	s5 =	sadd.s32 s6, s19  }
0x9e: {  	s9 =	simm.s32 $0x0;
	s20 =	sshll.u32 s7, $0x1;
	s7 =	sadd.s32 s21, s5  }
0x9f: {  	[timem:s9], [sflag:s22] =	dma.local [hbm:s7], s20  }
0xa0: {  	_ =	swait.ge [sflag:s22], s20  }
0xa1: {  	s6 =	ssub.s32 $0x0, s20;
	[sflag:s22] =	ssyncset.done $0x0  }
0xa2: {  	[sflag:s22] =	ssyncadd.s32 s6;
	_ =	sdelay $0x1  }
0xa3: {  	s23 =	simm.s32 $0x1B8B  }
0xa4: {  	_ =	swait.ge [sflag:s23], $0x1  }
0xa5: {  	[sflag:s23] =	ssyncset.done $0x0  }
0xa6: {  	s25 =	simm.s32 $0x1B8E;
	s24 =	sld [smem:$0x3FFE];
	[sflag:s23] =	ssyncadd.s32 $0xFFFFFFFF  }
0xa7: {  	s26 =	simm.s32 $execute0_lowered;
	[smem:$0x3FD2] =	sst s25  }
0xa8: {  	s7 =	sshll.u32 s26, $0x1;
	_ =	strace $0x80000046;
	[dreg:$0x1] =	wrdreg $0xFFFFFFFF  }
0xa9: {  	s28 =	simm.s32 $_size_execute0_lowered;
	s5 =	sadd.s32 s5, s7;
	[dreg:$0x0] =	wrdreg $0x0  }
0xaa: {  	s7 =	sshll.u32 s28, $0x1;
	[dreg:$0x2] =	wrdreg s5  }
0xab: {  	[dreg:$0x3] =	wrdreg s7  }
0xac: {  	[dreg:$0x4] =	wrdreg $0xC0  }
0xad: {  	_ =	task [dreg:s9], $0x5FFFF  }
0xae: {  	[dreg:$0x1] =	wrdreg $0xFFFFFFFF  }
0xaf: {  	[dreg:$0x0] =	wrdreg $0x60  }
0xb0: {  	[dreg:$0x2] =	wrdreg s24  }
0xb1: {  	[dreg:$0x3] =	wrdreg s2  }
0xb2: {  	[dreg:$0x4] =	wrdreg s18  }
0xb3: {  	[dreg:$0x5] =	wrdreg s4  }
0xb4: {  	[dreg:$0x6] =	wrdreg $0x9  }
0xb5: {  	_ =	task.clear_ibuf [dreg:s9], $0x7FFFF;
	_ =	strace $0x90000046  }
0xb6: {  	s29 =	simm.s32 $0x9;
	_ =	strace $0x80000048  }
0xb7: {  	_ =	swait.ge [sflag:s29], $0x1  }
0xb8: {  	[sflag:s29] =	ssyncadd.s32 $0xFFFFFFFF  }
0xb9: {  	_ =	strace $0x90000048  }
0xba: {  	_ =	sfence  }
0xbb: {  	s30 =	sld [smem:$0x0];
	_ =	sdelay $0x2  }
0xbc: {  	s31 =	sshll.u32 s1, $0xD;
	s1 =	sshrl.u32 s1, $0x2  }
0xbd: {  	s3 =	sand.u32 $0x4000, s31;
	s1 =	sadd.s32 s1, s30  }
0xbe: {  	s0 =	sor.u32 s3, s0;
	s1 =	sshll.u32 s1, $0x11  }
0xbf: {  	s0 =	sor.u32 s1, s0  }
0xc0: {  	s0 =	sadd.s32 $0x8F2B, s0  }
0xc1: {  	[sflag:s0] =	ssyncadd.remote.s32 $0x1  }
0xc2: {  	_ =	sfence.sel $0xFFFF  }
0xc3: {  	[dreg:$0x0] =	wrdreg $0xFFFFFFFF;
	(pc) =	sbr.abs _section_cstart, $3  }
0xc4: {  	[dreg:$0x1] =	wrdreg $0xFFFFFFFF  }
0xc5: {  	_ =	task.clear_ibuf [dreg:s9], $0x2FFFF;
	_ =	strace $0x9FFFFFFF  }
0xc6: {  	(tm) =	ssettm $0x7FFFFFFF  }
0xc7: {  	_ =	shalt  }
tec
execute0_lowered:
.L_overlay_start_1:
0x0: {  	(tag) =	ssettag $0x1  }
0x1: {  	s0 =	rddreg [dreg:$0x0]  }
0x2: {  	s1 =	rddreg [dreg:$0x1]  }
0x3: {  	s2 =	srdreg.scid;
	s3 =	stileid.u32  }
0x4: {  	s4 =	rddreg [dreg:$0x3];
	s5 =	simm.s32 $0x0;
	s10 =	simm.s32 $0xD  }
0x5: {  	s16 =	simm.s32 $0x9;
	s2 =	sand.u32 $0x1, s2;
	s3 =	sshll.u32 s3, $0x1  }
0x6: {  	s17 =	simm.s32 $0xA;
	s3 =	sor.u32 s2, s3;
	s2 =	ssub.s32 $0x2, s2  }
0x7: {  	s18 =	simm.s32 $0xB;
	s6 =	smul.u32 $0x380, s3;
	s29 =	sshrl.u32 s2, $0x1  }
0x8: {  	s19 =	simm.s32 $0xC;
	s20 =	simm.s32 $0x7;
	s2 =	ssub.s32 s2, s29  }
0x9: {  	[smem:$0x7FF] =	sst s5;
	s0 =	sadd.s32 s6, s0;
	s31 =	smax.u32 s2, $0x1  }
0xa: {  	_ =	strace $0x80000047;
	s30 =	sadd.s32 $0x400, s0;
	[dreg:$0x7] =	wrdreg s31  }
0xb: {  	s21 =	simm.s32 $0x8;
	s0 =	sadd.s32 $0x7400, s0;
	[dreg:$0x5] =	wrdreg s30  }
0xc: {  	s22 =	simm.s32 $0x0;
	s8 =	smul.u32 $0xC8000, s3;
	[dreg:$0x6] =	wrdreg s0  }
.LBB2_1:
0xd: {  	s0 =	rddreg [dreg:$0x5]  }
0xe: {  	[tilespmem:s5], [sflag:$0xD] =	stream.linear.gather [hbm4b:s0+s5], $0x1900, $0x38;
	[tilespmem:$0x1C000] =	vst v63  }
0xf: {  	_ =	swait.ge [sflag:s10], $0x1900  }
0x10: {  	[sflag:s10] =	ssyncset.done $0x0  }
0x11: {  	s23 =	simm.s32 $0x1C00;
	s26 =	rddreg [dreg:$0x6];
	[sflag:s10] =	ssyncadd.s32 $0xFFFFE700  }
0x12: {  	[tilespmem:s23], [sflag:$0xD] =	stream.linear.gather [hbm4b:s26+s5], $0x1900, $0x38;
	[tilespmem:$0x1C000] =	vst v63  }
0x13: {  	_ =	swait.ge [sflag:s10], $0x1900  }
0x14: {  	[sflag:s10] =	ssyncset.done $0x0  }
0x15: {  	[sflag:s10] =	ssyncadd.s32 $0xFFFFE700  }
0x16: {  	s2 =	simm.s32 $0x3800;
	s28 =	rddreg [dreg:$0x2]  }
0x17: {  	[tilespmem:s2], [sflag:$0xD] =	stream.linear.gather [hbm4b:s28+s5], $0x680, $0x38;
	[tilespmem:$0x1C000] =	vst v63  }
0x18: {  	_ =	swait.ge [sflag:s10], $0x680  }
0x19: {  	[sflag:s10] =	ssyncset.done $0x0  }
0x1a: {  	s24 =	simm.s32 $0x4000;
	s29 =	simm.s32 $0x80;
	[sflag:s10] =	ssyncadd.s32 $0xFFFFF980  }
0x1b: {  	[tilespmem:s24], [sflag:$0x1] =	stream.indirect.gather [hbm4b:s1+s29], $0x80, s5, s29, $0xb8;
	[tilespmem:$0x1C000] =	vst v63  }
0x1c: {  	s30 =	simm.s32 $0x8000  }
0x1d: {  	[tilespmem:s30], [sflag:$0x2] =	stream.indirect.gather [hbm4b:s1+s29], $0x80, s29, s29, $0xb8;
	[tilespmem:$0x1C000] =	vst v63  }
0x1e: {  	s31 =	simm.s32 $0x100;
	s3 =	simm.s32 $0xC000;
	s25 =	simm.s32 $0x0  }
0x1f: {  	[tilespmem:s3], [sflag:$0x3] =	stream.indirect.gather [hbm4b:s1+s29], $0x80, s31, s29, $0xb8;
	[tilespmem:$0x1C000] =	vst v63  }
.LBB2_2:
0x20: {  	s0 =	smul.u32 $0xAB, s25;
	_ =	sdelay $0x1  }
0x21: {  	s2 =	sshrl.u32 s0, $0xA  }
0x22: {  	s2 =	sand.u32 $0x3F, s2  }
0x23: {  	s0 =	sadd.s32 $0x201, s0;
	s2 =	smul.u32 $0x6, s2  }
0x24: {  	s0 =	sshrl.u32 s0, $0xA  }
0x25: {  	s0 =	sand.u32 $0x3F, s0;
	s2 =	ssub.s32 s25, s2  }
0x26: {  	s0 =	smul.u32 $0x6, s0;
	s26 =	sand.u32 $0xFF, s2  }
0x27: {  	s3 =	sadd.s32 $0x3, s25;
	p0 =	sgt.u32 s25, $0x2E;
	s2 =	sadd.s32 $0x1, s26  }
0x28: {  	p1 =	slt.u32 @!p0 s25, $0x3;
	s0 =	ssub.s32 s3, s0;
	_ =	swait.ge [sflag:s2], $0x4000  }
0x29: {  	p1 =	por p1, p0;
	s0 =	sand.u32 $0xFF, s0;
	[sflag:s2] =	ssyncset.done $0x0  }
0x2a: {  	s3 =	sshll.u32 @!p0 s3, $0x7;
	[sflag:s2] =	ssyncadd.s32 $0xFFFFC000;
	s2 =	sadd.s32 @!p1 $0x7, s0  }
0x2b: {  	s3 =	sand.u32 @!p0 $0x3FFFFF80, s3;
	_ =	swait.ge @!p1 [sflag:s2], $0x4000  }
0x2c: {  	s6 =	sshll.u32 @!p0 s0, $0xE;
	s0 =	sadd.s32 @!p0 $0x1, s0;
	[sflag:s2] =	ssyncset.done @!p1 $0x0  }
0x2d: {  	[sflag:s2] =	ssyncadd.s32 @!p1 $0xFFFFC000;
	s2 =	sadd.s32 @!p0 $0x4000, s6;
	s6 =	simm.s32 @!p0 $0x80  }
0x2e: {  	[tilespmem:s2], [sflag:s0] =	stream.indirect.gather @!p0 [hbm4b:s1+s6], $0x80, s3, s6, $0xb8;
	[tilespmem:$0x1C000] =	vst v63  }
0x2f: {  	v0 =	vld [tilespmem:s23+$0x0];
	_ =	sdelay $0x4  }
0x30: {  	v0 =	vshll.u32 v0, $0x9  }
0x31: {  	v3 =	vshra.s32 v0, $0x2  }
0x32: {  	(v2sf) =	vpush v3, $0x0;
	_ =	sdelay $0xc  }
0x33: {  	s14 =	smulhi.u32 $0xAAAAAAAB, s25;
	_ =	sdelay $0x1  }
0x34: {  	s0 =	sshrl.u32 s14, $0x2;
	s15 =	spop (v2sf)  }
0x35: {  	s0 =	smul.u32 $0xFFFA0000, s0;
	v0 =	vld [tilespmem:s15+$0x3800];
	_ =	sdelay $0x1  }
0x36: {  	s0 =	sshra.s32 s0, $0x2  }
0x37: {  	s31 =	sadd.s32 s0, s24  }
0x38: {  	s2 =	sadd.s32 $0x0, s31  }
0x39: {  	[tilespmem:s2+$0x0] =	vst.add.f32.msk $0xffff, v0  }
0x3a: {  	v0 =	vld [tilespmem:s15+$0x3810];
	_ =	sdelay $0x4  }
0x3b: {  	[tilespmem:s2+$0x10] =	vst.add.f32.msk $0xffff, v0  }
0x3c: {  	v0 =	vld [tilespmem:s15+$0x3820];
	_ =	sdelay $0x4  }
0x3d: {  	[tilespmem:s2+$0x20] =	vst.add.f32.msk $0xffff, v0  }
0x3e: {  	v0 =	vld [tilespmem:s15+$0x3830];
	_ =	sdelay $0x4  }
0x3f: {  	[tilespmem:s2+$0x30] =	vst.add.f32.msk $0xffff, v0  }
0x40: {  	v0 =	vld [tilespmem:s15+$0x3840];
	_ =	sdelay $0x4  }
0x41: {  	[tilespmem:s2+$0x40] =	vst.add.f32.msk $0xffff, v0  }
0x42: {  	v0 =	vld [tilespmem:s15+$0x3850];
	_ =	sdelay $0x1  }
0x43: {  	(v2sf) =	vpush v3, $0x1;
	_ =	sdelay $0x2  }
0x44: {  	[tilespmem:s2+$0x50] =	vst.add.f32.msk $0xffff, v0  }
0x45: {  	v0 =	vld [tilespmem:s15+$0x3860];
	_ =	sdelay $0x4  }
0x46: {  	[tilespmem:s2+$0x60] =	vst.add.f32.msk $0xffff, v0  }
0x47: {  	v0 =	vld [tilespmem:s15+$0x3870];
	_ =	sdelay $0x4  }
0x48: {  	s3 =	spop (v2sf);
	[tilespmem:s2+$0x70] =	vst.add.f32.msk $0xffff, v0  }
0x49: {  	v0 =	vld [tilespmem:s3+$0x3800];
	_ =	sdelay $0x4  }
0x4a: {  	[tilespmem:s2+$0x80] =	vst.add.f32.msk $0xffff, v0  }
0x4b: {  	v0 =	vld [tilespmem:s3+$0x3810];
	_ =	sdelay $0x4  }
0x4c: {  	[tilespmem:s2+$0x90] =	vst.add.f32.msk $0xffff, v0  }
0x4d: {  	v0 =	vld [tilespmem:s3+$0x3820];
	_ =	sdelay $0x4  }
0x4e: {  	[tilespmem:s2+$0xA0] =	vst.add.f32.msk $0xffff, v0  }
0x4f: {  	v0 =	vld [tilespmem:s3+$0x3830];
	_ =	sdelay $0x4  }
0x50: {  	[tilespmem:s2+$0xB0] =	vst.add.f32.msk $0xffff, v0  }
0x51: {  	v0 =	vld [tilespmem:s3+$0x3840];
	_ =	sdelay $0x4  }
0x52: {  	[tilespmem:s2+$0xC0] =	vst.add.f32.msk $0xffff, v0  }
0x53: {  	v0 =	vld [tilespmem:s3+$0x3850];
	_ =	sdelay $0x1  }
0x54: {  	(v2sf) =	vpush v3, $0x2;
	_ =	sdelay $0x2  }
0x55: {  	[tilespmem:s2+$0xD0] =	vst.add.f32.msk $0xffff, v0  }
0x56: {  	v0 =	vld [tilespmem:s3+$0x3860];
	_ =	sdelay $0x4  }
0x57: {  	[tilespmem:s2+$0xE0] =	vst.add.f32.msk $0xffff, v0  }
0x58: {  	v0 =	vld [tilespmem:s3+$0x3870];
	_ =	sdelay $0x4  }
0x59: {  	s6 =	spop (v2sf);
	[tilespmem:s2+$0xF0] =	vst.add.f32.msk $0xffff, v0  }
0x5a: {  	v0 =	vld [tilespmem:s6+$0x3800];
	_ =	sdelay $0x4  }
0x5b: {  	[tilespmem:s2+$0x100] =	vst.add.f32.msk $0xffff, v0  }
0x5c: {  	v0 =	vld [tilespmem:s6+$0x3810];
	_ =	sdelay $0x4  }
0x5d: {  	[tilespmem:s2+$0x110] =	vst.add.f32.msk $0xffff, v0  }
0x5e: {  	v0 =	vld [tilespmem:s6+$0x3820];
	_ =	sdelay $0x4  }
0x5f: {  	[tilespmem:s2+$0x120] =	vst.add.f32.msk $0xffff, v0  }
0x60: {  	v0 =	vld [tilespmem:s6+$0x3830];
	_ =	sdelay $0x4  }
0x61: {  	[tilespmem:s2+$0x130] =	vst.add.f32.msk $0xffff, v0  }
0x62: {  	v0 =	vld [tilespmem:s6+$0x3840];
	_ =	sdelay $0x4  }
0x63: {  	[tilespmem:s2+$0x140] =	vst.add.f32.msk $0xffff, v0  }
0x64: {  	v0 =	vld [tilespmem:s6+$0x3850];
	_ =	sdelay $0x1  }
0x65: {  	(v2sf) =	vpush v3, $0x3;
	_ =	sdelay $0x2  }
0x66: {  	[tilespmem:s2+$0x150] =	vst.add.f32.msk $0xffff, v0  }
0x67: {  	v0 =	vld [tilespmem:s6+$0x3860];
	_ =	sdelay $0x4  }
0x68: {  	[tilespmem:s2+$0x160] =	vst.add.f32.msk $0xffff, v0  }
0x69: {  	v0 =	vld [tilespmem:s6+$0x3870];
	_ =	sdelay $0x4  }
0x6a: {  	s7 =	spop (v2sf);
	[tilespmem:s2+$0x170] =	vst.add.f32.msk $0xffff, v0  }
0x6b: {  	v0 =	vld [tilespmem:s7+$0x3800];
	_ =	sdelay $0x4  }
0x6c: {  	[tilespmem:s2+$0x180] =	vst.add.f32.msk $0xffff, v0  }
0x6d: {  	v0 =	vld [tilespmem:s7+$0x3810];
	_ =	sdelay $0x2  }
0x6e: {  	s0 =	sadd.s32 $0x10, s23  }
0x6f: {  	v1 =	vld [tilespmem:s0+$0x0]  }
0x70: {  	[tilespmem:s2+$0x190] =	vst.add.f32.msk $0xffff, v0  }
0x71: {  	v0 =	vld [tilespmem:s7+$0x3820];
	_ =	sdelay $0x4  }
0x72: {  	[tilespmem:s2+$0x1A0] =	vst.add.f32.msk $0xffff, v0  }
0x73: {  	v0 =	vld [tilespmem:s7+$0x3830];
	_ =	sdelay $0x4  }
0x74: {  	[tilespmem:s2+$0x1B0] =	vst.add.f32.msk $0xffff, v0  }
0x75: {  	v0 =	vld [tilespmem:s7+$0x3840];
	_ =	sdelay $0x4  }
0x76: {  	[tilespmem:s2+$0x1C0] =	vst.add.f32.msk $0xffff, v0  }
0x77: {  	v0 =	vld [tilespmem:s7+$0x3850];
	_ =	sdelay $0x1  }
0x78: {  	(v2sf) =	vpush v3, $0x4;
	_ =	sdelay $0x2  }
0x79: {  	[tilespmem:s2+$0x1D0] =	vst.add.f32.msk $0xffff, v0  }
0x7a: {  	v0 =	vld [tilespmem:s7+$0x3860];
	_ =	sdelay $0x4  }
0x7b: {  	[tilespmem:s2+$0x1E0] =	vst.add.f32.msk $0xffff, v0  }
0x7c: {  	v0 =	vld [tilespmem:s7+$0x3870];
	_ =	sdelay $0x4  }
0x7d: {  	s9 =	spop (v2sf);
	[tilespmem:s2+$0x1F0] =	vst.add.f32.msk $0xffff, v0  }
0x7e: {  	v0 =	vld [tilespmem:s9+$0x3800];
	_ =	sdelay $0x4  }
0x7f: {  	[tilespmem:s2+$0x200] =	vst.add.f32.msk $0xffff, v0  }
0x80: {  	v0 =	vld [tilespmem:s9+$0x3810];
	_ =	sdelay $0x4  }
0x81: {  	[tilespmem:s2+$0x210] =	vst.add.f32.msk $0xffff, v0  }
0x82: {  	v0 =	vld [tilespmem:s9+$0x3820];
	_ =	sdelay $0x4  }
0x83: {  	[tilespmem:s2+$0x220] =	vst.add.f32.msk $0xffff, v0  }
0x84: {  	v0 =	vld [tilespmem:s9+$0x3830];
	_ =	sdelay $0x4  }
0x85: {  	[tilespmem:s2+$0x230] =	vst.add.f32.msk $0xffff, v0  }
0x86: {  	v0 =	vld [tilespmem:s9+$0x3840];
	_ =	sdelay $0x4  }
0x87: {  	[tilespmem:s2+$0x240] =	vst.add.f32.msk $0xffff, v0  }
0x88: {  	v0 =	vld [tilespmem:s9+$0x3850];
	_ =	sdelay $0x1  }
0x89: {  	(v2sf) =	vpush v3, $0x5;
	_ =	sdelay $0x2  }
0x8a: {  	[tilespmem:s2+$0x250] =	vst.add.f32.msk $0xffff, v0  }
0x8b: {  	v0 =	vld [tilespmem:s9+$0x3860];
	_ =	sdelay $0x4  }
0x8c: {  	[tilespmem:s2+$0x260] =	vst.add.f32.msk $0xffff, v0  }
0x8d: {  	v0 =	vld [tilespmem:s9+$0x3870];
	_ =	sdelay $0x3  }
0x8e: {  	v1 =	vshll.u32 v1, $0x9  }
0x8f: {  	s11 =	spop (v2sf);
	[tilespmem:s2+$0x270] =	vst.add.f32.msk $0xffff, v0;
	v0 =	vshra.s32 v1, $0x2  }
0x90: {  	v1 =	vld [tilespmem:s11+$0x3800];
	(v2sf) =	vpush v0, $0x0;
	_ =	sdelay $0x4  }
0x91: {  	[tilespmem:s2+$0x280] =	vst.add.f32.msk $0xffff, v1  }
0x92: {  	v1 =	vld [tilespmem:s11+$0x3810];
	_ =	sdelay $0x4  }
0x93: {  	[tilespmem:s2+$0x290] =	vst.add.f32.msk $0xffff, v1  }
0x94: {  	v1 =	vld [tilespmem:s11+$0x3820];
	_ =	sdelay $0x2  }
0x95: {  	s12 =	spop (v2sf)  }
0x96: {  	v2 =	vld [tilespmem:s12+$0x3800]  }
0x97: {  	[tilespmem:s2+$0x2A0] =	vst.add.f32.msk $0xffff, v1  }
0x98: {  	v1 =	vld [tilespmem:s11+$0x3830];
	_ =	sdelay $0x1  }
0x99: {  	s28 =	sadd.s32 $0x800, s31  }
0x9a: {  	[tilespmem:s28+$0x0] =	vst.add.f32.msk $0xffff, v2  }
0x9b: {  	v2 =	vld [tilespmem:s12+$0x3810]  }
0x9c: {  	[tilespmem:s2+$0x2B0] =	vst.add.f32.msk $0xffff, v1  }
0x9d: {  	v1 =	vld [tilespmem:s11+$0x3840];
	_ =	sdelay $0x2  }
0x9e: {  	[tilespmem:s28+$0x10] =	vst.add.f32.msk $0xffff, v2  }
0x9f: {  	v2 =	vld [tilespmem:s12+$0x3820]  }
0xa0: {  	[tilespmem:s2+$0x2C0] =	vst.add.f32.msk $0xffff, v1  }
0xa1: {  	v1 =	vld [tilespmem:s11+$0x3850];
	_ =	sdelay $0x1  }
0xa2: {  	(v2sf) =	vpush v3, $0x6  }
0xa3: {  	[tilespmem:s28+$0x20] =	vst.add.f32.msk $0xffff, v2  }
0xa4: {  	v2 =	vld [tilespmem:s12+$0x3830]  }
0xa5: {  	[tilespmem:s2+$0x2D0] =	vst.add.f32.msk $0xffff, v1  }
0xa6: {  	v1 =	vld [tilespmem:s11+$0x3860];
	_ =	sdelay $0x2  }
0xa7: {  	[tilespmem:s28+$0x30] =	vst.add.f32.msk $0xffff, v2  }
0xa8: {  	v2 =	vld [tilespmem:s12+$0x3840]  }
0xa9: {  	[tilespmem:s2+$0x2E0] =	vst.add.f32.msk $0xffff, v1  }
0xaa: {  	v1 =	vld [tilespmem:s11+$0x3870];
	_ =	sdelay $0x2  }
0xab: {  	[tilespmem:s28+$0x40] =	vst.add.f32.msk $0xffff, v2  }
0xac: {  	v2 =	vld [tilespmem:s12+$0x3850]  }
0xad: {  	s13 =	spop (v2sf);
	[tilespmem:s2+$0x2F0] =	vst.add.f32.msk $0xffff, v1  }
0xae: {  	(v2sf) =	vpush v0, $0x1;
	v1 =	vld [tilespmem:s13+$0x3800];
	_ =	sdelay $0x2  }
0xaf: {  	[tilespmem:s28+$0x50] =	vst.add.f32.msk $0xffff, v2  }
0xb0: {  	v2 =	vld [tilespmem:s12+$0x3860]  }
0xb1: {  	[tilespmem:s2+$0x300] =	vst.add.f32.msk $0xffff, v1  }
0xb2: {  	v1 =	vld [tilespmem:s13+$0x3810];
	_ =	sdelay $0x2  }
0xb3: {  	[tilespmem:s28+$0x60] =	vst.add.f32.msk $0xffff, v2  }
0xb4: {  	v2 =	vld [tilespmem:s12+$0x3870]  }
0xb5: {  	[tilespmem:s2+$0x310] =	vst.add.f32.msk $0xffff, v1  }
0xb6: {  	v1 =	vld [tilespmem:s13+$0x3820];
	_ =	sdelay $0x2  }
0xb7: {  	s14 =	spop (v2sf);
	[tilespmem:s28+$0x70] =	vst.add.f32.msk $0xffff, v2  }
0xb8: {  	v2 =	vld [tilespmem:s14+$0x3800]  }
0xb9: {  	[tilespmem:s2+$0x320] =	vst.add.f32.msk $0xffff, v1  }
0xba: {  	v1 =	vld [tilespmem:s13+$0x3830];
	_ =	sdelay $0x2  }
0xbb: {  	[tilespmem:s28+$0x80] =	vst.add.f32.msk $0xffff, v2  }
0xbc: {  	v2 =	vld [tilespmem:s14+$0x3810]  }
0xbd: {  	[tilespmem:s2+$0x330] =	vst.add.f32.msk $0xffff, v1  }
0xbe: {  	v1 =	vld [tilespmem:s13+$0x3840];
	_ =	sdelay $0x2  }
0xbf: {  	[tilespmem:s28+$0x90] =	vst.add.f32.msk $0xffff, v2  }
0xc0: {  	v2 =	vld [tilespmem:s14+$0x3820]  }
0xc1: {  	[tilespmem:s2+$0x340] =	vst.add.f32.msk $0xffff, v1  }
0xc2: {  	v1 =	vld [tilespmem:s13+$0x3850];
	_ =	sdelay $0x1  }
0xc3: {  	(v2sf) =	vpush v3, $0x7  }
0xc4: {  	[tilespmem:s28+$0xA0] =	vst.add.f32.msk $0xffff, v2  }
0xc5: {  	v2 =	vld [tilespmem:s14+$0x3830]  }
0xc6: {  	[tilespmem:s2+$0x350] =	vst.add.f32.msk $0xffff, v1  }
0xc7: {  	v1 =	vld [tilespmem:s13+$0x3860];
	_ =	sdelay $0x2  }
0xc8: {  	[tilespmem:s28+$0xB0] =	vst.add.f32.msk $0xffff, v2  }
0xc9: {  	v2 =	vld [tilespmem:s14+$0x3840]  }
0xca: {  	[tilespmem:s2+$0x360] =	vst.add.f32.msk $0xffff, v1  }
0xcb: {  	v1 =	vld [tilespmem:s13+$0x3870];
	_ =	sdelay $0x2  }
0xcc: {  	[tilespmem:s28+$0xC0] =	vst.add.f32.msk $0xffff, v2  }
0xcd: {  	v2 =	vld [tilespmem:s14+$0x3850]  }
0xce: {  	s15 =	spop (v2sf);
	[tilespmem:s2+$0x370] =	vst.add.f32.msk $0xffff, v1  }
0xcf: {  	(v2sf) =	vpush v0, $0x2;
	v1 =	vld [tilespmem:s15+$0x3800];
	_ =	sdelay $0x2  }
0xd0: {  	[tilespmem:s28+$0xD0] =	vst.add.f32.msk $0xffff, v2  }
0xd1: {  	v2 =	vld [tilespmem:s14+$0x3860]  }
0xd2: {  	[tilespmem:s2+$0x380] =	vst.add.f32.msk $0xffff, v1  }
0xd3: {  	v1 =	vld [tilespmem:s15+$0x3810];
	_ =	sdelay $0x2  }
0xd4: {  	[tilespmem:s28+$0xE0] =	vst.add.f32.msk $0xffff, v2  }
0xd5: {  	v2 =	vld [tilespmem:s14+$0x3870]  }
0xd6: {  	[tilespmem:s2+$0x390] =	vst.add.f32.msk $0xffff, v1  }
0xd7: {  	v1 =	vld [tilespmem:s15+$0x3820];
	_ =	sdelay $0x2  }
0xd8: {  	s7 =	spop (v2sf);
	[tilespmem:s28+$0xF0] =	vst.add.f32.msk $0xffff, v2  }
0xd9: {  	v2 =	vld [tilespmem:s7+$0x3800]  }
0xda: {  	[tilespmem:s2+$0x3A0] =	vst.add.f32.msk $0xffff, v1  }
0xdb: {  	v1 =	vld [tilespmem:s15+$0x3830];
	_ =	sdelay $0x2  }
0xdc: {  	[tilespmem:s28+$0x100] =	vst.add.f32.msk $0xffff, v2  }
0xdd: {  	v2 =	vld [tilespmem:s7+$0x3810]  }
0xde: {  	[tilespmem:s2+$0x3B0] =	vst.add.f32.msk $0xffff, v1  }
0xdf: {  	v1 =	vld [tilespmem:s15+$0x3840];
	_ =	sdelay $0x2  }
0xe0: {  	[tilespmem:s28+$0x110] =	vst.add.f32.msk $0xffff, v2  }
0xe1: {  	v2 =	vld [tilespmem:s7+$0x3820]  }
0xe2: {  	[tilespmem:s2+$0x3C0] =	vst.add.f32.msk $0xffff, v1  }
0xe3: {  	v1 =	vld [tilespmem:s15+$0x3850];
	_ =	sdelay $0x1  }
0xe4: {  	(v2sf) =	vpush v3, $0x8  }
0xe5: {  	[tilespmem:s28+$0x120] =	vst.add.f32.msk $0xffff, v2  }
0xe6: {  	v2 =	vld [tilespmem:s7+$0x3830]  }
0xe7: {  	[tilespmem:s2+$0x3D0] =	vst.add.f32.msk $0xffff, v1  }
0xe8: {  	v1 =	vld [tilespmem:s15+$0x3860];
	_ =	sdelay $0x2  }
0xe9: {  	[tilespmem:s28+$0x130] =	vst.add.f32.msk $0xffff, v2  }
0xea: {  	v2 =	vld [tilespmem:s7+$0x3840]  }
0xeb: {  	[tilespmem:s2+$0x3E0] =	vst.add.f32.msk $0xffff, v1  }
0xec: {  	v1 =	vld [tilespmem:s15+$0x3870];
	_ =	sdelay $0x2  }
0xed: {  	[tilespmem:s28+$0x140] =	vst.add.f32.msk $0xffff, v2  }
0xee: {  	v2 =	vld [tilespmem:s7+$0x3850]  }
0xef: {  	s9 =	spop (v2sf);
	[tilespmem:s2+$0x3F0] =	vst.add.f32.msk $0xffff, v1  }
0xf0: {  	(v2sf) =	vpush v0, $0x3;
	v1 =	vld [tilespmem:s9+$0x3800];
	_ =	sdelay $0x2  }
0xf1: {  	[tilespmem:s28+$0x150] =	vst.add.f32.msk $0xffff, v2  }
0xf2: {  	v2 =	vld [tilespmem:s7+$0x3860]  }
0xf3: {  	[tilespmem:s2+$0x400] =	vst.add.f32.msk $0xffff, v1  }
0xf4: {  	v1 =	vld [tilespmem:s9+$0x3810];
	_ =	sdelay $0x2  }
0xf5: {  	[tilespmem:s28+$0x160] =	vst.add.f32.msk $0xffff, v2  }
0xf6: {  	v2 =	vld [tilespmem:s7+$0x3870]  }
0xf7: {  	[tilespmem:s2+$0x410] =	vst.add.f32.msk $0xffff, v1  }
0xf8: {  	v1 =	vld [tilespmem:s9+$0x3820];
	_ =	sdelay $0x2  }
0xf9: {  	s11 =	spop (v2sf);
	[tilespmem:s28+$0x170] =	vst.add.f32.msk $0xffff, v2  }
0xfa: {  	v2 =	vld [tilespmem:s11+$0x3800]  }
0xfb: {  	[tilespmem:s2+$0x420] =	vst.add.f32.msk $0xffff, v1  }
0xfc: {  	v1 =	vld [tilespmem:s9+$0x3830];
	_ =	sdelay $0x2  }
0xfd: {  	[tilespmem:s28+$0x180] =	vst.add.f32.msk $0xffff, v2  }
0xfe: {  	v2 =	vld [tilespmem:s11+$0x3810]  }
0xff: {  	[tilespmem:s2+$0x430] =	vst.add.f32.msk $0xffff, v1  }
0x100: {  	v1 =	vld [tilespmem:s9+$0x3840];
	_ =	sdelay $0x2  }
0x101: {  	[tilespmem:s28+$0x190] =	vst.add.f32.msk $0xffff, v2  }
0x102: {  	v2 =	vld [tilespmem:s11+$0x3820]  }
0x103: {  	[tilespmem:s2+$0x440] =	vst.add.f32.msk $0xffff, v1  }
0x104: {  	v1 =	vld [tilespmem:s9+$0x3850];
	_ =	sdelay $0x1  }
0x105: {  	(v2sf) =	vpush v3, $0x9  }
0x106: {  	[tilespmem:s28+$0x1A0] =	vst.add.f32.msk $0xffff, v2  }
0x107: {  	v2 =	vld [tilespmem:s11+$0x3830]  }
0x108: {  	[tilespmem:s2+$0x450] =	vst.add.f32.msk $0xffff, v1  }
0x109: {  	v1 =	vld [tilespmem:s9+$0x3860];
	_ =	sdelay $0x2  }
0x10a: {  	[tilespmem:s28+$0x1B0] =	vst.add.f32.msk $0xffff, v2  }
0x10b: {  	v2 =	vld [tilespmem:s11+$0x3840]  }
0x10c: {  	[tilespmem:s2+$0x460] =	vst.add.f32.msk $0xffff, v1  }
0x10d: {  	v1 =	vld [tilespmem:s9+$0x3870];
	_ =	sdelay $0x2  }
0x10e: {  	[tilespmem:s28+$0x1C0] =	vst.add.f32.msk $0xffff, v2  }
0x10f: {  	v2 =	vld [tilespmem:s11+$0x3850]  }
0x110: {  	s12 =	spop (v2sf);
	[tilespmem:s2+$0x470] =	vst.add.f32.msk $0xffff, v1  }
0x111: {  	(v2sf) =	vpush v0, $0x4;
	v1 =	vld [tilespmem:s12+$0x3800];
	_ =	sdelay $0x2  }
0x112: {  	[tilespmem:s28+$0x1D0] =	vst.add.f32.msk $0xffff, v2  }
0x113: {  	v2 =	vld [tilespmem:s11+$0x3860]  }
0x114: {  	[tilespmem:s2+$0x480] =	vst.add.f32.msk $0xffff, v1  }
0x115: {  	v1 =	vld [tilespmem:s12+$0x3810];
	_ =	sdelay $0x2  }
0x116: {  	[tilespmem:s28+$0x1E0] =	vst.add.f32.msk $0xffff, v2  }
0x117: {  	v2 =	vld [tilespmem:s11+$0x3870]  }
0x118: {  	[tilespmem:s2+$0x490] =	vst.add.f32.msk $0xffff, v1  }
0x119: {  	v1 =	vld [tilespmem:s12+$0x3820];
	_ =	sdelay $0x2  }
0x11a: {  	s13 =	spop (v2sf);
	[tilespmem:s28+$0x1F0] =	vst.add.f32.msk $0xffff, v2  }
0x11b: {  	v2 =	vld [tilespmem:s13+$0x3800]  }
0x11c: {  	[tilespmem:s2+$0x4A0] =	vst.add.f32.msk $0xffff, v1  }
0x11d: {  	v1 =	vld [tilespmem:s12+$0x3830];
	_ =	sdelay $0x2  }
0x11e: {  	[tilespmem:s28+$0x200] =	vst.add.f32.msk $0xffff, v2  }
0x11f: {  	v2 =	vld [tilespmem:s13+$0x3810]  }
0x120: {  	[tilespmem:s2+$0x4B0] =	vst.add.f32.msk $0xffff, v1  }
0x121: {  	v1 =	vld [tilespmem:s12+$0x3840];
	_ =	sdelay $0x2  }
0x122: {  	[tilespmem:s28+$0x210] =	vst.add.f32.msk $0xffff, v2  }
0x123: {  	v2 =	vld [tilespmem:s13+$0x3820]  }
0x124: {  	[tilespmem:s2+$0x4C0] =	vst.add.f32.msk $0xffff, v1  }
0x125: {  	v1 =	vld [tilespmem:s12+$0x3850];
	_ =	sdelay $0x1  }
0x126: {  	(v2sf) =	vpush v3, $0xA  }
0x127: {  	[tilespmem:s28+$0x220] =	vst.add.f32.msk $0xffff, v2  }
0x128: {  	v2 =	vld [tilespmem:s13+$0x3830]  }
0x129: {  	[tilespmem:s2+$0x4D0] =	vst.add.f32.msk $0xffff, v1  }
0x12a: {  	v1 =	vld [tilespmem:s12+$0x3860];
	_ =	sdelay $0x2  }
0x12b: {  	[tilespmem:s28+$0x230] =	vst.add.f32.msk $0xffff, v2  }
0x12c: {  	v2 =	vld [tilespmem:s13+$0x3840]  }
0x12d: {  	[tilespmem:s2+$0x4E0] =	vst.add.f32.msk $0xffff, v1  }
0x12e: {  	v1 =	vld [tilespmem:s12+$0x3870];
	_ =	sdelay $0x2  }
0x12f: {  	[tilespmem:s28+$0x240] =	vst.add.f32.msk $0xffff, v2  }
0x130: {  	v2 =	vld [tilespmem:s13+$0x3850]  }
0x131: {  	s14 =	spop (v2sf);
	[tilespmem:s2+$0x4F0] =	vst.add.f32.msk $0xffff, v1  }
0x132: {  	(v2sf) =	vpush v0, $0x5;
	v1 =	vld [tilespmem:s14+$0x3800];
	_ =	sdelay $0x2  }
0x133: {  	[tilespmem:s28+$0x250] =	vst.add.f32.msk $0xffff, v2  }
0x134: {  	v2 =	vld [tilespmem:s13+$0x3860]  }
0x135: {  	[tilespmem:s2+$0x500] =	vst.add.f32.msk $0xffff, v1  }
0x136: {  	v1 =	vld [tilespmem:s14+$0x3810]  }
0x137: {  	s0 =	sadd.s32 $0x10, s0  }
0x138: {  	v4 =	vld [tilespmem:s0+$0x0]  }
0x139: {  	[tilespmem:s28+$0x260] =	vst.add.f32.msk $0xffff, v2  }
0x13a: {  	v2 =	vld [tilespmem:s13+$0x3870]  }
0x13b: {  	[tilespmem:s2+$0x510] =	vst.add.f32.msk $0xffff, v1  }
0x13c: {  	v5 =	vld [tilespmem:s14+$0x3820];
	_ =	sdelay $0x1  }
0x13d: {  	v1 =	vshll.u32 v4, $0x9  }
0x13e: {  	s15 =	spop (v2sf);
	v1 =	vshra.s32 v1, $0x2;
	[tilespmem:s28+$0x270] =	vst.add.f32.msk $0xffff, v2  }
0x13f: {  	(v2sf) =	vpush v1, $0x0;
	v2 =	vld [tilespmem:s15+$0x3800]  }
0x140: {  	[tilespmem:s2+$0x520] =	vst.add.f32.msk $0xffff, v5  }
0x141: {  	v4 =	vld [tilespmem:s14+$0x3830];
	_ =	sdelay $0x2  }
0x142: {  	[tilespmem:s28+$0x280] =	vst.add.f32.msk $0xffff, v2  }
0x143: {  	v2 =	vld [tilespmem:s15+$0x3810]  }
0x144: {  	[tilespmem:s2+$0x530] =	vst.add.f32.msk $0xffff, v4  }
0x145: {  	v4 =	vld [tilespmem:s14+$0x3840];
	_ =	sdelay $0x2  }
0x146: {  	[tilespmem:s28+$0x290] =	vst.add.f32.msk $0xffff, v2  }
0x147: {  	v5 =	vld [tilespmem:s15+$0x3820]  }
0x148: {  	[tilespmem:s2+$0x540] =	vst.add.f32.msk $0xffff, v4  }
0x149: {  	s0 =	sadd.s32 $0x10, s0;
	v4 =	vld [tilespmem:s14+$0x3850]  }
0x14a: {  	v2 =	vld [tilespmem:s0+$0x0];
	s7 =	spop (v2sf)  }
0x14b: {  	(v2sf) =	vpush v3, $0xB;
	v6 =	vld [tilespmem:s7+$0x3800]  }
0x14c: {  	[tilespmem:s28+$0x2A0] =	vst.add.f32.msk $0xffff, v5  }
0x14d: {  	v5 =	vld [tilespmem:s15+$0x3830]  }
0x14e: {  	[tilespmem:s2+$0x550] =	vst.add.f32.msk $0xffff, v4  }
0x14f: {  	s29 =	sadd.s32 $0x1000, s31;
	v4 =	vld [tilespmem:s14+$0x3860]  }
0x150: {  	[tilespmem:s29+$0x0] =	vst.add.f32.msk $0xffff, v6  }
0x151: {  	v6 =	vld [tilespmem:s7+$0x3810]  }
0x152: {  	[tilespmem:s28+$0x2B0] =	vst.add.f32.msk $0xffff, v5  }
0x153: {  	v5 =	vld [tilespmem:s15+$0x3840]  }
0x154: {  	[tilespmem:s2+$0x560] =	vst.add.f32.msk $0xffff, v4  }
0x155: {  	v4 =	vld [tilespmem:s14+$0x3870]  }
0x156: {  	[tilespmem:s29+$0x10] =	vst.add.f32.msk $0xffff, v6  }
0x157: {  	v6 =	vld [tilespmem:s7+$0x3820]  }
0x158: {  	[tilespmem:s28+$0x2C0] =	vst.add.f32.msk $0xffff, v5  }
0x159: {  	v5 =	vld [tilespmem:s15+$0x3850]  }
0x15a: {  	s9 =	spop (v2sf);
	[tilespmem:s2+$0x570] =	vst.add.f32.msk $0xffff, v4  }
0x15b: {  	(v2sf) =	vpush v0, $0x6;
	v4 =	vld [tilespmem:s9+$0x3800]  }
0x15c: {  	[tilespmem:s29+$0x20] =	vst.add.f32.msk $0xffff, v6  }
0x15d: {  	v6 =	vld [tilespmem:s7+$0x3830]  }
0x15e: {  	[tilespmem:s28+$0x2D0] =	vst.add.f32.msk $0xffff, v5  }
0x15f: {  	v5 =	vld [tilespmem:s15+$0x3860]  }
0x160: {  	[tilespmem:s2+$0x580] =	vst.add.f32.msk $0xffff, v4  }
0x161: {  	v4 =	vld [tilespmem:s9+$0x3810]  }
0x162: {  	[tilespmem:s29+$0x30] =	vst.add.f32.msk $0xffff, v6  }
0x163: {  	v6 =	vld [tilespmem:s7+$0x3840]  }
0x164: {  	[tilespmem:s28+$0x2E0] =	vst.add.f32.msk $0xffff, v5  }
0x165: {  	v5 =	vld [tilespmem:s15+$0x3870]  }
0x166: {  	[tilespmem:s2+$0x590] =	vst.add.f32.msk $0xffff, v4  }
0x167: {  	v4 =	vld [tilespmem:s9+$0x3820]  }
0x168: {  	[tilespmem:s29+$0x40] =	vst.add.f32.msk $0xffff, v6  }
0x169: {  	v6 =	vld [tilespmem:s7+$0x3850]  }
0x16a: {  	s11 =	spop (v2sf);
	[tilespmem:s28+$0x2F0] =	vst.add.f32.msk $0xffff, v5  }
0x16b: {  	(v2sf) =	vpush v1, $0x1;
	v5 =	vld [tilespmem:s11+$0x3800]  }
0x16c: {  	[tilespmem:s2+$0x5A0] =	vst.add.f32.msk $0xffff, v4  }
0x16d: {  	v4 =	vld [tilespmem:s9+$0x3830]  }
0x16e: {  	[tilespmem:s29+$0x50] =	vst.add.f32.msk $0xffff, v6  }
0x16f: {  	v6 =	vld [tilespmem:s7+$0x3860]  }
0x170: {  	[tilespmem:s28+$0x300] =	vst.add.f32.msk $0xffff, v5  }
0x171: {  	v5 =	vld [tilespmem:s11+$0x3810]  }
0x172: {  	[tilespmem:s2+$0x5B0] =	vst.add.f32.msk $0xffff, v4  }
0x173: {  	v4 =	vld [tilespmem:s9+$0x3840]  }
0x174: {  	[tilespmem:s29+$0x60] =	vst.add.f32.msk $0xffff, v6  }
0x175: {  	v6 =	vld [tilespmem:s7+$0x3870]  }
0x176: {  	[tilespmem:s28+$0x310] =	vst.add.f32.msk $0xffff, v5  }
0x177: {  	v5 =	vld [tilespmem:s11+$0x3820]  }
0x178: {  	[tilespmem:s2+$0x5C0] =	vst.add.f32.msk $0xffff, v4  }
0x179: {  	v4 =	vld [tilespmem:s9+$0x3850]  }
0x17a: {  	s12 =	spop (v2sf);
	[tilespmem:s29+$0x70] =	vst.add.f32.msk $0xffff, v6  }
0x17b: {  	(v2sf) =	vpush v3, $0xC;
	v6 =	vld [tilespmem:s12+$0x3800]  }
0x17c: {  	[tilespmem:s28+$0x320] =	vst.add.f32.msk $0xffff, v5  }
0x17d: {  	v5 =	vld [tilespmem:s11+$0x3830]  }
0x17e: {  	[tilespmem:s2+$0x5D0] =	vst.add.f32.msk $0xffff, v4  }
0x17f: {  	v4 =	vld [tilespmem:s9+$0x3860]  }
0x180: {  	[tilespmem:s29+$0x80] =	vst.add.f32.msk $0xffff, v6  }
0x181: {  	v6 =	vld [tilespmem:s12+$0x3810]  }
0x182: {  	[tilespmem:s28+$0x330] =	vst.add.f32.msk $0xffff, v5  }
0x183: {  	v5 =	vld [tilespmem:s11+$0x3840]  }
0x184: {  	[tilespmem:s2+$0x5E0] =	vst.add.f32.msk $0xffff, v4  }
0x185: {  	v4 =	vld [tilespmem:s9+$0x3870]  }
0x186: {  	[tilespmem:s29+$0x90] =	vst.add.f32.msk $0xffff, v6  }
0x187: {  	v6 =	vld [tilespmem:s12+$0x3820]  }
0x188: {  	[tilespmem:s28+$0x340] =	vst.add.f32.msk $0xffff, v5  }
0x189: {  	v5 =	vld [tilespmem:s11+$0x3850]  }
0x18a: {  	s13 =	spop (v2sf);
	[tilespmem:s2+$0x5F0] =	vst.add.f32.msk $0xffff, v4  }
0x18b: {  	(v2sf) =	vpush v0, $0x7;
	v4 =	vld [tilespmem:s13+$0x3800]  }
0x18c: {  	[tilespmem:s29+$0xA0] =	vst.add.f32.msk $0xffff, v6  }
0x18d: {  	v6 =	vld [tilespmem:s12+$0x3830]  }
0x18e: {  	[tilespmem:s28+$0x350] =	vst.add.f32.msk $0xffff, v5  }
0x18f: {  	v5 =	vld [tilespmem:s11+$0x3860]  }
0x190: {  	[tilespmem:s2+$0x600] =	vst.add.f32.msk $0xffff, v4  }
0x191: {  	v4 =	vld [tilespmem:s13+$0x3810]  }
0x192: {  	[tilespmem:s29+$0xB0] =	vst.add.f32.msk $0xffff, v6  }
0x193: {  	v6 =	vld [tilespmem:s12+$0x3840]  }
0x194: {  	[tilespmem:s28+$0x360] =	vst.add.f32.msk $0xffff, v5  }
0x195: {  	v5 =	vld [tilespmem:s11+$0x3870]  }
0x196: {  	[tilespmem:s2+$0x610] =	vst.add.f32.msk $0xffff, v4  }
0x197: {  	v4 =	vld [tilespmem:s13+$0x3820]  }
0x198: {  	[tilespmem:s29+$0xC0] =	vst.add.f32.msk $0xffff, v6  }
0x199: {  	v6 =	vld [tilespmem:s12+$0x3850]  }
0x19a: {  	s14 =	spop (v2sf);
	[tilespmem:s28+$0x370] =	vst.add.f32.msk $0xffff, v5  }
0x19b: {  	(v2sf) =	vpush v1, $0x2;
	v5 =	vld [tilespmem:s14+$0x3800]  }
0x19c: {  	[tilespmem:s2+$0x620] =	vst.add.f32.msk $0xffff, v4  }
0x19d: {  	v4 =	vld [tilespmem:s13+$0x3830]  }
0x19e: {  	[tilespmem:s29+$0xD0] =	vst.add.f32.msk $0xffff, v6  }
0x19f: {  	v6 =	vld [tilespmem:s12+$0x3860]  }
0x1a0: {  	[tilespmem:s28+$0x380] =	vst.add.f32.msk $0xffff, v5  }
0x1a1: {  	v5 =	vld [tilespmem:s14+$0x3810]  }
0x1a2: {  	[tilespmem:s2+$0x630] =	vst.add.f32.msk $0xffff, v4  }
0x1a3: {  	v4 =	vld [tilespmem:s13+$0x3840]  }
0x1a4: {  	[tilespmem:s29+$0xE0] =	vst.add.f32.msk $0xffff, v6  }
0x1a5: {  	v6 =	vld [tilespmem:s12+$0x3870]  }
0x1a6: {  	[tilespmem:s28+$0x390] =	vst.add.f32.msk $0xffff, v5  }
0x1a7: {  	v5 =	vld [tilespmem:s14+$0x3820]  }
0x1a8: {  	[tilespmem:s2+$0x640] =	vst.add.f32.msk $0xffff, v4  }
0x1a9: {  	v4 =	vld [tilespmem:s13+$0x3850]  }
0x1aa: {  	s15 =	spop (v2sf);
	[tilespmem:s29+$0xF0] =	vst.add.f32.msk $0xffff, v6  }
0x1ab: {  	(v2sf) =	vpush v3, $0xD;
	v6 =	vld [tilespmem:s15+$0x3800]  }
0x1ac: {  	[tilespmem:s28+$0x3A0] =	vst.add.f32.msk $0xffff, v5  }
0x1ad: {  	v5 =	vld [tilespmem:s14+$0x3830]  }
0x1ae: {  	[tilespmem:s2+$0x650] =	vst.add.f32.msk $0xffff, v4  }
0x1af: {  	v4 =	vld [tilespmem:s13+$0x3860]  }
0x1b0: {  	[tilespmem:s29+$0x100] =	vst.add.f32.msk $0xffff, v6  }
0x1b1: {  	v6 =	vld [tilespmem:s15+$0x3810]  }
0x1b2: {  	[tilespmem:s28+$0x3B0] =	vst.add.f32.msk $0xffff, v5  }
0x1b3: {  	v5 =	vld [tilespmem:s14+$0x3840]  }
0x1b4: {  	[tilespmem:s2+$0x660] =	vst.add.f32.msk $0xffff, v4  }
0x1b5: {  	v4 =	vld [tilespmem:s13+$0x3870]  }
0x1b6: {  	[tilespmem:s29+$0x110] =	vst.add.f32.msk $0xffff, v6  }
0x1b7: {  	v6 =	vld [tilespmem:s15+$0x3820]  }
0x1b8: {  	[tilespmem:s28+$0x3C0] =	vst.add.f32.msk $0xffff, v5  }
0x1b9: {  	v5 =	vld [tilespmem:s14+$0x3850]  }
0x1ba: {  	s9 =	spop (v2sf);
	[tilespmem:s2+$0x670] =	vst.add.f32.msk $0xffff, v4  }
0x1bb: {  	(v2sf) =	vpush v0, $0x8;
	v4 =	vld [tilespmem:s9+$0x3800]  }
0x1bc: {  	[tilespmem:s29+$0x120] =	vst.add.f32.msk $0xffff, v6  }
0x1bd: {  	v6 =	vld [tilespmem:s15+$0x3830]  }
0x1be: {  	[tilespmem:s28+$0x3D0] =	vst.add.f32.msk $0xffff, v5  }
0x1bf: {  	v5 =	vld [tilespmem:s14+$0x3860]  }
0x1c0: {  	[tilespmem:s2+$0x680] =	vst.add.f32.msk $0xffff, v4  }
0x1c1: {  	v4 =	vld [tilespmem:s9+$0x3810]  }
0x1c2: {  	[tilespmem:s29+$0x130] =	vst.add.f32.msk $0xffff, v6  }
0x1c3: {  	v6 =	vld [tilespmem:s15+$0x3840]  }
0x1c4: {  	[tilespmem:s28+$0x3E0] =	vst.add.f32.msk $0xffff, v5  }
0x1c5: {  	v5 =	vld [tilespmem:s14+$0x3870]  }
0x1c6: {  	[tilespmem:s2+$0x690] =	vst.add.f32.msk $0xffff, v4  }
0x1c7: {  	v4 =	vld [tilespmem:s9+$0x3820]  }
0x1c8: {  	[tilespmem:s29+$0x140] =	vst.add.f32.msk $0xffff, v6  }
0x1c9: {  	v6 =	vld [tilespmem:s15+$0x3850]  }
0x1ca: {  	s11 =	spop (v2sf);
	[tilespmem:s28+$0x3F0] =	vst.add.f32.msk $0xffff, v5  }
0x1cb: {  	(v2sf) =	vpush v1, $0x3;
	v5 =	vld [tilespmem:s11+$0x3800]  }
0x1cc: {  	[tilespmem:s2+$0x6A0] =	vst.add.f32.msk $0xffff, v4  }
0x1cd: {  	v4 =	vld [tilespmem:s9+$0x3830]  }
0x1ce: {  	[tilespmem:s29+$0x150] =	vst.add.f32.msk $0xffff, v6  }
0x1cf: {  	v6 =	vld [tilespmem:s15+$0x3860]  }
0x1d0: {  	[tilespmem:s28+$0x400] =	vst.add.f32.msk $0xffff, v5  }
0x1d1: {  	v5 =	vld [tilespmem:s11+$0x3810]  }
0x1d2: {  	[tilespmem:s2+$0x6B0] =	vst.add.f32.msk $0xffff, v4  }
0x1d3: {  	v4 =	vld [tilespmem:s9+$0x3840]  }
0x1d4: {  	[tilespmem:s29+$0x160] =	vst.add.f32.msk $0xffff, v6  }
0x1d5: {  	v6 =	vld [tilespmem:s15+$0x3870]  }
0x1d6: {  	[tilespmem:s28+$0x410] =	vst.add.f32.msk $0xffff, v5  }
0x1d7: {  	v5 =	vld [tilespmem:s11+$0x3820]  }
0x1d8: {  	[tilespmem:s2+$0x6C0] =	vst.add.f32.msk $0xffff, v4  }
0x1d9: {  	v4 =	vld [tilespmem:s9+$0x3850]  }
0x1da: {  	s12 =	spop (v2sf);
	[tilespmem:s29+$0x170] =	vst.add.f32.msk $0xffff, v6  }
0x1db: {  	(v2sf) =	vpush v3, $0xE;
	v6 =	vld [tilespmem:s12+$0x3800]  }
0x1dc: {  	[tilespmem:s28+$0x420] =	vst.add.f32.msk $0xffff, v5  }
0x1dd: {  	v5 =	vld [tilespmem:s11+$0x3830]  }
0x1de: {  	[tilespmem:s2+$0x6D0] =	vst.add.f32.msk $0xffff, v4  }
0x1df: {  	v4 =	vld [tilespmem:s9+$0x3860]  }
0x1e0: {  	[tilespmem:s29+$0x180] =	vst.add.f32.msk $0xffff, v6  }
0x1e1: {  	v6 =	vld [tilespmem:s12+$0x3810]  }
0x1e2: {  	[tilespmem:s28+$0x430] =	vst.add.f32.msk $0xffff, v5  }
0x1e3: {  	v5 =	vld [tilespmem:s11+$0x3840]  }
0x1e4: {  	[tilespmem:s2+$0x6E0] =	vst.add.f32.msk $0xffff, v4  }
0x1e5: {  	v4 =	vld [tilespmem:s9+$0x3870]  }
0x1e6: {  	[tilespmem:s29+$0x190] =	vst.add.f32.msk $0xffff, v6  }
0x1e7: {  	v6 =	vld [tilespmem:s12+$0x3820]  }
0x1e8: {  	[tilespmem:s28+$0x440] =	vst.add.f32.msk $0xffff, v5  }
0x1e9: {  	v5 =	vld [tilespmem:s11+$0x3850]  }
0x1ea: {  	s13 =	spop (v2sf);
	[tilespmem:s2+$0x6F0] =	vst.add.f32.msk $0xffff, v4  }
0x1eb: {  	(v2sf) =	vpush v0, $0x9;
	v4 =	vld [tilespmem:s13+$0x3800]  }
0x1ec: {  	[tilespmem:s29+$0x1A0] =	vst.add.f32.msk $0xffff, v6  }
0x1ed: {  	v6 =	vld [tilespmem:s12+$0x3830]  }
0x1ee: {  	[tilespmem:s28+$0x450] =	vst.add.f32.msk $0xffff, v5  }
0x1ef: {  	v5 =	vld [tilespmem:s11+$0x3860]  }
0x1f0: {  	[tilespmem:s2+$0x700] =	vst.add.f32.msk $0xffff, v4  }
0x1f1: {  	v4 =	vld [tilespmem:s13+$0x3810]  }
0x1f2: {  	[tilespmem:s29+$0x1B0] =	vst.add.f32.msk $0xffff, v6  }
0x1f3: {  	v6 =	vld [tilespmem:s12+$0x3840]  }
0x1f4: {  	[tilespmem:s28+$0x460] =	vst.add.f32.msk $0xffff, v5  }
0x1f5: {  	v5 =	vld [tilespmem:s11+$0x3870]  }
0x1f6: {  	[tilespmem:s2+$0x710] =	vst.add.f32.msk $0xffff, v4  }
0x1f7: {  	v4 =	vld [tilespmem:s13+$0x3820]  }
0x1f8: {  	[tilespmem:s29+$0x1C0] =	vst.add.f32.msk $0xffff, v6  }
0x1f9: {  	v6 =	vld [tilespmem:s12+$0x3850]  }
0x1fa: {  	s14 =	spop (v2sf);
	[tilespmem:s28+$0x470] =	vst.add.f32.msk $0xffff, v5  }
0x1fb: {  	(v2sf) =	vpush v1, $0x4;
	v5 =	vld [tilespmem:s14+$0x3800]  }
0x1fc: {  	[tilespmem:s2+$0x720] =	vst.add.f32.msk $0xffff, v4  }
0x1fd: {  	v4 =	vld [tilespmem:s13+$0x3830]  }
0x1fe: {  	[tilespmem:s29+$0x1D0] =	vst.add.f32.msk $0xffff, v6  }
0x1ff: {  	v6 =	vld [tilespmem:s12+$0x3860]  }
0x200: {  	[tilespmem:s28+$0x480] =	vst.add.f32.msk $0xffff, v5  }
0x201: {  	v5 =	vld [tilespmem:s14+$0x3810]  }
0x202: {  	[tilespmem:s2+$0x730] =	vst.add.f32.msk $0xffff, v4  }
0x203: {  	v4 =	vld [tilespmem:s13+$0x3840]  }
0x204: {  	[tilespmem:s29+$0x1E0] =	vst.add.f32.msk $0xffff, v6  }
0x205: {  	v6 =	vld [tilespmem:s12+$0x3870]  }
0x206: {  	[tilespmem:s28+$0x490] =	vst.add.f32.msk $0xffff, v5  }
0x207: {  	v5 =	vld [tilespmem:s14+$0x3820]  }
0x208: {  	[tilespmem:s2+$0x740] =	vst.add.f32.msk $0xffff, v4  }
0x209: {  	v4 =	vld [tilespmem:s13+$0x3850]  }
0x20a: {  	s9 =	spop (v2sf);
	[tilespmem:s29+$0x1F0] =	vst.add.f32.msk $0xffff, v6  }
0x20b: {  	(v2sf) =	vpush v3, $0xF;
	v6 =	vld [tilespmem:s9+$0x3800]  }
0x20c: {  	[tilespmem:s28+$0x4A0] =	vst.add.f32.msk $0xffff, v5  }
0x20d: {  	v3 =	vld [tilespmem:s14+$0x3830]  }
0x20e: {  	[tilespmem:s2+$0x750] =	vst.add.f32.msk $0xffff, v4  }
0x20f: {  	v4 =	vld [tilespmem:s13+$0x3860]  }
0x210: {  	[tilespmem:s29+$0x200] =	vst.add.f32.msk $0xffff, v6  }
0x211: {  	v5 =	vld [tilespmem:s9+$0x3810]  }
0x212: {  	[tilespmem:s28+$0x4B0] =	vst.add.f32.msk $0xffff, v3  }
0x213: {  	v3 =	vld [tilespmem:s14+$0x3840]  }
0x214: {  	[tilespmem:s2+$0x760] =	vst.add.f32.msk $0xffff, v4  }
0x215: {  	v4 =	vld [tilespmem:s13+$0x3870]  }
0x216: {  	[tilespmem:s29+$0x210] =	vst.add.f32.msk $0xffff, v5  }
0x217: {  	v5 =	vld [tilespmem:s9+$0x3820]  }
0x218: {  	[tilespmem:s28+$0x4C0] =	vst.add.f32.msk $0xffff, v3  }
0x219: {  	v3 =	vld [tilespmem:s14+$0x3850]  }
0x21a: {  	s7 =	spop (v2sf);
	[tilespmem:s2+$0x770] =	vst.add.f32.msk $0xffff, v4  }
0x21b: {  	(v2sf) =	vpush v0, $0xA;
	v4 =	vld [tilespmem:s7+$0x3800]  }
0x21c: {  	[tilespmem:s29+$0x220] =	vst.add.f32.msk $0xffff, v5  }
0x21d: {  	v5 =	vld [tilespmem:s9+$0x3830]  }
0x21e: {  	[tilespmem:s28+$0x4D0] =	vst.add.f32.msk $0xffff, v3  }
0x21f: {  	v3 =	vld [tilespmem:s14+$0x3860]  }
0x220: {  	[tilespmem:s2+$0x780] =	vst.add.f32.msk $0xffff, v4  }
0x221: {  	v4 =	vld [tilespmem:s7+$0x3810]  }
0x222: {  	[tilespmem:s29+$0x230] =	vst.add.f32.msk $0xffff, v5  }
0x223: {  	v5 =	vld [tilespmem:s9+$0x3840]  }
0x224: {  	[tilespmem:s28+$0x4E0] =	vst.add.f32.msk $0xffff, v3  }
0x225: {  	v3 =	vld [tilespmem:s14+$0x3870]  }
0x226: {  	[tilespmem:s2+$0x790] =	vst.add.f32.msk $0xffff, v4  }
0x227: {  	v4 =	vld [tilespmem:s7+$0x3820]  }
0x228: {  	[tilespmem:s29+$0x240] =	vst.add.f32.msk $0xffff, v5  }
0x229: {  	v5 =	vld [tilespmem:s9+$0x3850]  }
0x22a: {  	s6 =	spop (v2sf);
	[tilespmem:s28+$0x4F0] =	vst.add.f32.msk $0xffff, v3  }
0x22b: {  	(v2sf) =	vpush v1, $0x5;
	v3 =	vld [tilespmem:s6+$0x3800]  }
0x22c: {  	[tilespmem:s2+$0x7A0] =	vst.add.f32.msk $0xffff, v4  }
0x22d: {  	v4 =	vld [tilespmem:s7+$0x3830]  }
0x22e: {  	[tilespmem:s29+$0x250] =	vst.add.f32.msk $0xffff, v5  }
0x22f: {  	v6 =	vld [tilespmem:s9+$0x3860]  }
0x230: {  	[tilespmem:s28+$0x500] =	vst.add.f32.msk $0xffff, v3  }
0x231: {  	v7 =	vld [tilespmem:s6+$0x3810]  }
0x232: {  	[tilespmem:s2+$0x7B0] =	vst.add.f32.msk $0xffff, v4  }
0x233: {  	v5 =	vld [tilespmem:s7+$0x3840]  }
0x234: {  	[tilespmem:s29+$0x260] =	vst.add.f32.msk $0xffff, v6  }
0x235: {  	v3 =	vld [tilespmem:s9+$0x3870]  }
0x236: {  	s15 =	sshll.u32 s26, $0xE;
	[tilespmem:s28+$0x510] =	vst.add.f32.msk $0xffff, v7  }
0x237: {  	s3 =	simm.s32 $0x6000;
	s30 =	sadd.s32 $0x4000, s15;
	s11 =	simm.s32 $0x8000;
	v4 =	vld [tilespmem:s6+$0x3820]  }
.LBB2_3:
0x238: {  	p0 =	sne.s32 s11, $0xE000;
	[tilespmem:s2+$0x7C0] =	vst.add.f32.msk $0xffff, v5  }
0x239: {  	v5 =	vld [tilespmem:s7+$0x3850]  }
0x23a: {  	v2 =	vshll.u32 v2, $0x9;
	[tilespmem:s29+$0x270] =	vst.add.f32.msk $0xffff, v3;
	s9 =	spop (v2sf)  }
0x23b: {  	v3 =	vshra.s32 v2, $0x2;
	v2 =	vld [tilespmem:s9+$0x3800]  }
0x23c: {  	(v2sf) =	vpush v3, $0x0;
	[tilespmem:s28+$0x520] =	vst.add.f32.msk $0xffff, v4  }
0x23d: {  	v4 =	vld [tilespmem:s6+$0x3830]  }
0x23e: {  	[tilespmem:s2+$0x7D0] =	vst.add.f32.msk $0xffff, v5  }
0x23f: {  	v5 =	vld [tilespmem:s7+$0x3860]  }
0x240: {  	[tilespmem:s29+$0x280] =	vst.add.f32.msk $0xffff, v2  }
0x241: {  	v2 =	vld [tilespmem:s9+$0x3810]  }
0x242: {  	[tilespmem:s28+$0x530] =	vst.add.f32.msk $0xffff, v4  }
0x243: {  	v4 =	vld [tilespmem:s6+$0x3840]  }
0x244: {  	[tilespmem:s2+$0x7E0] =	vst.add.f32.msk $0xffff, v5  }
0x245: {  	v5 =	vld [tilespmem:s7+$0x3870]  }
0x246: {  	[tilespmem:s29+$0x290] =	vst.add.f32.msk $0xffff, v2  }
0x247: {  	v6 =	vld [tilespmem:s9+$0x3820]  }
0x248: {  	[tilespmem:s28+$0x540] =	vst.add.f32.msk $0xffff, v4  }
0x249: {  	v4 =	vld [tilespmem:s6+$0x3850]  }
0x24a: {  	s0 =	sadd.s32 $0x10, s0;
	[tilespmem:s2+$0x7F0] =	vst.add.f32.msk $0xffff, v5;
	s2 =	smov.u32 s28;
	s28 =	smov.u32 s29  }
0x24b: {  	v2 =	vld [tilespmem:s0+$0x0];
	s7 =	spop (v2sf)  }
0x24c: {  	v5 =	vld [tilespmem:s7+$0x3800];
	(v2sf) =	vpush v0, $0xB  }
0x24d: {  	[tilespmem:s28+$0x2A0] =	vst.add.f32.msk $0xffff, v6  }
0x24e: {  	v6 =	vld [tilespmem:s9+$0x3830]  }
0x24f: {  	s13 =	sshra.s32 s3, $0x2;
	s3 =	smov.u32 s11;
	[tilespmem:s2+$0x550] =	vst.add.f32.msk $0xffff, v4  }
0x250: {  	s29 =	sadd.s32 s13, s31;
	v4 =	vld [tilespmem:s6+$0x3860]  }
0x251: {  	[tilespmem:s29+$0x0] =	vst.add.f32.msk $0xffff, v5  }
0x252: {  	v5 =	vld [tilespmem:s7+$0x3810]  }
0x253: {  	[tilespmem:s28+$0x2B0] =	vst.add.f32.msk $0xffff, v6  }
0x254: {  	v6 =	vld [tilespmem:s9+$0x3840]  }
0x255: {  	[tilespmem:s2+$0x560] =	vst.add.f32.msk $0xffff, v4  }
0x256: {  	v4 =	vld [tilespmem:s6+$0x3870]  }
0x257: {  	[tilespmem:s29+$0x10] =	vst.add.f32.msk $0xffff, v5  }
0x258: {  	v5 =	vld [tilespmem:s7+$0x3820]  }
0x259: {  	[tilespmem:s28+$0x2C0] =	vst.add.f32.msk $0xffff, v6  }
0x25a: {  	v6 =	vld [tilespmem:s9+$0x3850]  }
0x25b: {  	[tilespmem:s2+$0x570] =	vst.add.f32.msk $0xffff, v4;
	s13 =	spop (v2sf)  }
0x25c: {  	(v2sf) =	vpush v1, $0x6;
	v4 =	vld [tilespmem:s13+$0x3800]  }
0x25d: {  	[tilespmem:s29+$0x20] =	vst.add.f32.msk $0xffff, v5  }
0x25e: {  	v5 =	vld [tilespmem:s7+$0x3830]  }
0x25f: {  	[tilespmem:s28+$0x2D0] =	vst.add.f32.msk $0xffff, v6  }
0x260: {  	v6 =	vld [tilespmem:s9+$0x3860]  }
0x261: {  	[tilespmem:s2+$0x580] =	vst.add.f32.msk $0xffff, v4  }
0x262: {  	v4 =	vld [tilespmem:s13+$0x3810]  }
0x263: {  	[tilespmem:s29+$0x30] =	vst.add.f32.msk $0xffff, v5  }
0x264: {  	v5 =	vld [tilespmem:s7+$0x3840]  }
0x265: {  	[tilespmem:s28+$0x2E0] =	vst.add.f32.msk $0xffff, v6  }
0x266: {  	v6 =	vld [tilespmem:s9+$0x3870]  }
0x267: {  	[tilespmem:s2+$0x590] =	vst.add.f32.msk $0xffff, v4  }
0x268: {  	v4 =	vld [tilespmem:s13+$0x3820]  }
0x269: {  	[tilespmem:s29+$0x40] =	vst.add.f32.msk $0xffff, v5  }
0x26a: {  	v5 =	vld [tilespmem:s7+$0x3850]  }
0x26b: {  	[tilespmem:s28+$0x2F0] =	vst.add.f32.msk $0xffff, v6;
	s9 =	spop (v2sf)  }
0x26c: {  	(v2sf) =	vpush v3, $0x1;
	v6 =	vld [tilespmem:s9+$0x3800]  }
0x26d: {  	[tilespmem:s2+$0x5A0] =	vst.add.f32.msk $0xffff, v4  }
0x26e: {  	v4 =	vld [tilespmem:s13+$0x3830]  }
0x26f: {  	[tilespmem:s29+$0x50] =	vst.add.f32.msk $0xffff, v5  }
0x270: {  	v5 =	vld [tilespmem:s7+$0x3860]  }
0x271: {  	[tilespmem:s28+$0x300] =	vst.add.f32.msk $0xffff, v6  }
0x272: {  	v6 =	vld [tilespmem:s9+$0x3810]  }
0x273: {  	[tilespmem:s2+$0x5B0] =	vst.add.f32.msk $0xffff, v4  }
0x274: {  	v4 =	vld [tilespmem:s13+$0x3840]  }
0x275: {  	[tilespmem:s29+$0x60] =	vst.add.f32.msk $0xffff, v5  }
0x276: {  	v5 =	vld [tilespmem:s7+$0x3870]  }
0x277: {  	[tilespmem:s28+$0x310] =	vst.add.f32.msk $0xffff, v6  }
0x278: {  	v6 =	vld [tilespmem:s9+$0x3820]  }
0x279: {  	[tilespmem:s2+$0x5C0] =	vst.add.f32.msk $0xffff, v4  }
0x27a: {  	v4 =	vld [tilespmem:s13+$0x3850]  }
0x27b: {  	[tilespmem:s29+$0x70] =	vst.add.f32.msk $0xffff, v5;
	s6 =	spop (v2sf)  }
0x27c: {  	v5 =	vld [tilespmem:s6+$0x3800];
	(v2sf) =	vpush v0, $0xC  }
0x27d: {  	[tilespmem:s28+$0x320] =	vst.add.f32.msk $0xffff, v6  }
0x27e: {  	v6 =	vld [tilespmem:s9+$0x3830]  }
0x27f: {  	[tilespmem:s2+$0x5D0] =	vst.add.f32.msk $0xffff, v4  }
0x280: {  	v4 =	vld [tilespmem:s13+$0x3860]  }
0x281: {  	[tilespmem:s29+$0x80] =	vst.add.f32.msk $0xffff, v5  }
0x282: {  	v5 =	vld [tilespmem:s6+$0x3810]  }
0x283: {  	[tilespmem:s28+$0x330] =	vst.add.f32.msk $0xffff, v6  }
0x284: {  	v6 =	vld [tilespmem:s9+$0x3840]  }
0x285: {  	[tilespmem:s2+$0x5E0] =	vst.add.f32.msk $0xffff, v4  }
0x286: {  	v4 =	vld [tilespmem:s13+$0x3870]  }
0x287: {  	[tilespmem:s29+$0x90] =	vst.add.f32.msk $0xffff, v5  }
0x288: {  	v5 =	vld [tilespmem:s6+$0x3820]  }
0x289: {  	[tilespmem:s28+$0x340] =	vst.add.f32.msk $0xffff, v6  }
0x28a: {  	v6 =	vld [tilespmem:s9+$0x3850]  }
0x28b: {  	[tilespmem:s2+$0x5F0] =	vst.add.f32.msk $0xffff, v4;
	s13 =	spop (v2sf)  }
0x28c: {  	(v2sf) =	vpush v1, $0x7;
	v4 =	vld [tilespmem:s13+$0x3800]  }
0x28d: {  	[tilespmem:s29+$0xA0] =	vst.add.f32.msk $0xffff, v5  }
0x28e: {  	v5 =	vld [tilespmem:s6+$0x3830]  }
0x28f: {  	[tilespmem:s28+$0x350] =	vst.add.f32.msk $0xffff, v6  }
0x290: {  	v6 =	vld [tilespmem:s9+$0x3860]  }
0x291: {  	[tilespmem:s2+$0x600] =	vst.add.f32.msk $0xffff, v4  }
0x292: {  	v4 =	vld [tilespmem:s13+$0x3810]  }
0x293: {  	[tilespmem:s29+$0xB0] =	vst.add.f32.msk $0xffff, v5  }
0x294: {  	v5 =	vld [tilespmem:s6+$0x3840]  }
0x295: {  	[tilespmem:s28+$0x360] =	vst.add.f32.msk $0xffff, v6  }
0x296: {  	v6 =	vld [tilespmem:s9+$0x3870]  }
0x297: {  	[tilespmem:s2+$0x610] =	vst.add.f32.msk $0xffff, v4  }
0x298: {  	v4 =	vld [tilespmem:s13+$0x3820]  }
0x299: {  	[tilespmem:s29+$0xC0] =	vst.add.f32.msk $0xffff, v5  }
0x29a: {  	v5 =	vld [tilespmem:s6+$0x3850]  }
0x29b: {  	[tilespmem:s28+$0x370] =	vst.add.f32.msk $0xffff, v6;
	s7 =	spop (v2sf)  }
0x29c: {  	(v2sf) =	vpush v3, $0x2;
	v6 =	vld [tilespmem:s7+$0x3800]  }
0x29d: {  	[tilespmem:s2+$0x620] =	vst.add.f32.msk $0xffff, v4  }
0x29e: {  	v4 =	vld [tilespmem:s13+$0x3830]  }
0x29f: {  	[tilespmem:s29+$0xD0] =	vst.add.f32.msk $0xffff, v5  }
0x2a0: {  	v5 =	vld [tilespmem:s6+$0x3860]  }
0x2a1: {  	[tilespmem:s28+$0x380] =	vst.add.f32.msk $0xffff, v6  }
0x2a2: {  	v6 =	vld [tilespmem:s7+$0x3810]  }
0x2a3: {  	[tilespmem:s2+$0x630] =	vst.add.f32.msk $0xffff, v4  }
0x2a4: {  	v4 =	vld [tilespmem:s13+$0x3840]  }
0x2a5: {  	[tilespmem:s29+$0xE0] =	vst.add.f32.msk $0xffff, v5  }
0x2a6: {  	v5 =	vld [tilespmem:s6+$0x3870]  }
0x2a7: {  	[tilespmem:s28+$0x390] =	vst.add.f32.msk $0xffff, v6  }
0x2a8: {  	v6 =	vld [tilespmem:s7+$0x3820]  }
0x2a9: {  	[tilespmem:s2+$0x640] =	vst.add.f32.msk $0xffff, v4  }
0x2aa: {  	v4 =	vld [tilespmem:s13+$0x3850]  }
0x2ab: {  	[tilespmem:s29+$0xF0] =	vst.add.f32.msk $0xffff, v5;
	s6 =	spop (v2sf)  }
0x2ac: {  	v5 =	vld [tilespmem:s6+$0x3800];
	(v2sf) =	vpush v0, $0xD  }
0x2ad: {  	[tilespmem:s28+$0x3A0] =	vst.add.f32.msk $0xffff, v6  }
0x2ae: {  	v6 =	vld [tilespmem:s7+$0x3830]  }
0x2af: {  	[tilespmem:s2+$0x650] =	vst.add.f32.msk $0xffff, v4  }
0x2b0: {  	v4 =	vld [tilespmem:s13+$0x3860]  }
0x2b1: {  	[tilespmem:s29+$0x100] =	vst.add.f32.msk $0xffff, v5  }
0x2b2: {  	v5 =	vld [tilespmem:s6+$0x3810]  }
0x2b3: {  	[tilespmem:s28+$0x3B0] =	vst.add.f32.msk $0xffff, v6  }
0x2b4: {  	v6 =	vld [tilespmem:s7+$0x3840]  }
0x2b5: {  	[tilespmem:s2+$0x660] =	vst.add.f32.msk $0xffff, v4  }
0x2b6: {  	v4 =	vld [tilespmem:s13+$0x3870]  }
0x2b7: {  	[tilespmem:s29+$0x110] =	vst.add.f32.msk $0xffff, v5  }
0x2b8: {  	v5 =	vld [tilespmem:s6+$0x3820]  }
0x2b9: {  	[tilespmem:s28+$0x3C0] =	vst.add.f32.msk $0xffff, v6  }
0x2ba: {  	v6 =	vld [tilespmem:s7+$0x3850]  }
0x2bb: {  	[tilespmem:s2+$0x670] =	vst.add.f32.msk $0xffff, v4;
	s14 =	spop (v2sf)  }
0x2bc: {  	(v2sf) =	vpush v1, $0x8;
	v4 =	vld [tilespmem:s14+$0x3800]  }
0x2bd: {  	[tilespmem:s29+$0x120] =	vst.add.f32.msk $0xffff, v5  }
0x2be: {  	v5 =	vld [tilespmem:s6+$0x3830]  }
0x2bf: {  	[tilespmem:s28+$0x3D0] =	vst.add.f32.msk $0xffff, v6  }
0x2c0: {  	v6 =	vld [tilespmem:s7+$0x3860]  }
0x2c1: {  	[tilespmem:s2+$0x680] =	vst.add.f32.msk $0xffff, v4  }
0x2c2: {  	v4 =	vld [tilespmem:s14+$0x3810]  }
0x2c3: {  	[tilespmem:s29+$0x130] =	vst.add.f32.msk $0xffff, v5  }
0x2c4: {  	v5 =	vld [tilespmem:s6+$0x3840]  }
0x2c5: {  	[tilespmem:s28+$0x3E0] =	vst.add.f32.msk $0xffff, v6  }
0x2c6: {  	v6 =	vld [tilespmem:s7+$0x3870]  }
0x2c7: {  	[tilespmem:s2+$0x690] =	vst.add.f32.msk $0xffff, v4  }
0x2c8: {  	v4 =	vld [tilespmem:s14+$0x3820]  }
0x2c9: {  	[tilespmem:s29+$0x140] =	vst.add.f32.msk $0xffff, v5  }
0x2ca: {  	v5 =	vld [tilespmem:s6+$0x3850]  }
0x2cb: {  	[tilespmem:s28+$0x3F0] =	vst.add.f32.msk $0xffff, v6;
	s13 =	spop (v2sf)  }
0x2cc: {  	(v2sf) =	vpush v3, $0x3;
	v6 =	vld [tilespmem:s13+$0x3800]  }
0x2cd: {  	[tilespmem:s2+$0x6A0] =	vst.add.f32.msk $0xffff, v4  }
0x2ce: {  	v4 =	vld [tilespmem:s14+$0x3830]  }
0x2cf: {  	[tilespmem:s29+$0x150] =	vst.add.f32.msk $0xffff, v5  }
0x2d0: {  	v5 =	vld [tilespmem:s6+$0x3860]  }
0x2d1: {  	[tilespmem:s28+$0x400] =	vst.add.f32.msk $0xffff, v6  }
0x2d2: {  	v6 =	vld [tilespmem:s13+$0x3810]  }
0x2d3: {  	[tilespmem:s2+$0x6B0] =	vst.add.f32.msk $0xffff, v4  }
0x2d4: {  	v4 =	vld [tilespmem:s14+$0x3840]  }
0x2d5: {  	[tilespmem:s29+$0x160] =	vst.add.f32.msk $0xffff, v5  }
0x2d6: {  	v5 =	vld [tilespmem:s6+$0x3870]  }
0x2d7: {  	[tilespmem:s28+$0x410] =	vst.add.f32.msk $0xffff, v6  }
0x2d8: {  	v6 =	vld [tilespmem:s13+$0x3820]  }
0x2d9: {  	[tilespmem:s2+$0x6C0] =	vst.add.f32.msk $0xffff, v4  }
0x2da: {  	v4 =	vld [tilespmem:s14+$0x3850]  }
0x2db: {  	[tilespmem:s29+$0x170] =	vst.add.f32.msk $0xffff, v5;
	s9 =	spop (v2sf)  }
0x2dc: {  	v5 =	vld [tilespmem:s9+$0x3800];
	(v2sf) =	vpush v0, $0xE  }
0x2dd: {  	[tilespmem:s28+$0x420] =	vst.add.f32.msk $0xffff, v6  }
0x2de: {  	v6 =	vld [tilespmem:s13+$0x3830]  }
0x2df: {  	[tilespmem:s2+$0x6D0] =	vst.add.f32.msk $0xffff, v4  }
0x2e0: {  	v4 =	vld [tilespmem:s14+$0x3860]  }
0x2e1: {  	[tilespmem:s29+$0x180] =	vst.add.f32.msk $0xffff, v5  }
0x2e2: {  	v5 =	vld [tilespmem:s9+$0x3810]  }
0x2e3: {  	[tilespmem:s28+$0x430] =	vst.add.f32.msk $0xffff, v6  }
0x2e4: {  	v6 =	vld [tilespmem:s13+$0x3840]  }
0x2e5: {  	[tilespmem:s2+$0x6E0] =	vst.add.f32.msk $0xffff, v4  }
0x2e6: {  	v4 =	vld [tilespmem:s14+$0x3870]  }
0x2e7: {  	[tilespmem:s29+$0x190] =	vst.add.f32.msk $0xffff, v5  }
0x2e8: {  	v5 =	vld [tilespmem:s9+$0x3820]  }
0x2e9: {  	[tilespmem:s28+$0x440] =	vst.add.f32.msk $0xffff, v6  }
0x2ea: {  	v6 =	vld [tilespmem:s13+$0x3850]  }
0x2eb: {  	[tilespmem:s2+$0x6F0] =	vst.add.f32.msk $0xffff, v4;
	s7 =	spop (v2sf)  }
0x2ec: {  	(v2sf) =	vpush v1, $0x9;
	v4 =	vld [tilespmem:s7+$0x3800]  }
0x2ed: {  	[tilespmem:s29+$0x1A0] =	vst.add.f32.msk $0xffff, v5  }
0x2ee: {  	v5 =	vld [tilespmem:s9+$0x3830]  }
0x2ef: {  	[tilespmem:s28+$0x450] =	vst.add.f32.msk $0xffff, v6  }
0x2f0: {  	v6 =	vld [tilespmem:s13+$0x3860]  }
0x2f1: {  	[tilespmem:s2+$0x700] =	vst.add.f32.msk $0xffff, v4  }
0x2f2: {  	v4 =	vld [tilespmem:s7+$0x3810]  }
0x2f3: {  	[tilespmem:s29+$0x1B0] =	vst.add.f32.msk $0xffff, v5  }
0x2f4: {  	v5 =	vld [tilespmem:s9+$0x3840]  }
0x2f5: {  	[tilespmem:s28+$0x460] =	vst.add.f32.msk $0xffff, v6  }
0x2f6: {  	v6 =	vld [tilespmem:s13+$0x3870]  }
0x2f7: {  	[tilespmem:s2+$0x710] =	vst.add.f32.msk $0xffff, v4  }
0x2f8: {  	v4 =	vld [tilespmem:s7+$0x3820]  }
0x2f9: {  	[tilespmem:s29+$0x1C0] =	vst.add.f32.msk $0xffff, v5  }
0x2fa: {  	v5 =	vld [tilespmem:s9+$0x3850]  }
0x2fb: {  	[tilespmem:s28+$0x470] =	vst.add.f32.msk $0xffff, v6;
	s6 =	spop (v2sf)  }
0x2fc: {  	(v2sf) =	vpush v3, $0x4;
	v6 =	vld [tilespmem:s6+$0x3800]  }
0x2fd: {  	[tilespmem:s2+$0x720] =	vst.add.f32.msk $0xffff, v4  }
0x2fe: {  	v4 =	vld [tilespmem:s7+$0x3830]  }
0x2ff: {  	[tilespmem:s29+$0x1D0] =	vst.add.f32.msk $0xffff, v5  }
0x300: {  	v5 =	vld [tilespmem:s9+$0x3860]  }
0x301: {  	[tilespmem:s28+$0x480] =	vst.add.f32.msk $0xffff, v6  }
0x302: {  	v6 =	vld [tilespmem:s6+$0x3810]  }
0x303: {  	[tilespmem:s2+$0x730] =	vst.add.f32.msk $0xffff, v4  }
0x304: {  	v4 =	vld [tilespmem:s7+$0x3840]  }
0x305: {  	[tilespmem:s29+$0x1E0] =	vst.add.f32.msk $0xffff, v5  }
0x306: {  	v5 =	vld [tilespmem:s9+$0x3870]  }
0x307: {  	[tilespmem:s28+$0x490] =	vst.add.f32.msk $0xffff, v6  }
0x308: {  	v6 =	vld [tilespmem:s6+$0x3820]  }
0x309: {  	[tilespmem:s2+$0x740] =	vst.add.f32.msk $0xffff, v4  }
0x30a: {  	v4 =	vld [tilespmem:s7+$0x3850]  }
0x30b: {  	[tilespmem:s29+$0x1F0] =	vst.add.f32.msk $0xffff, v5;
	s9 =	spop (v2sf)  }
0x30c: {  	v5 =	vld [tilespmem:s9+$0x3800];
	(v2sf) =	vpush v0, $0xF;
	v0 =	vmov v1;
	v1 =	vmov v3  }
0x30d: {  	[tilespmem:s28+$0x4A0] =	vst.add.f32.msk $0xffff, v6  }
0x30e: {  	v3 =	vld [tilespmem:s6+$0x3830]  }
0x30f: {  	[tilespmem:s2+$0x750] =	vst.add.f32.msk $0xffff, v4  }
0x310: {  	v4 =	vld [tilespmem:s7+$0x3860]  }
0x311: {  	[tilespmem:s29+$0x200] =	vst.add.f32.msk $0xffff, v5  }
0x312: {  	v5 =	vld [tilespmem:s9+$0x3810]  }
0x313: {  	[tilespmem:s28+$0x4B0] =	vst.add.f32.msk $0xffff, v3  }
0x314: {  	v3 =	vld [tilespmem:s6+$0x3840]  }
0x315: {  	[tilespmem:s2+$0x760] =	vst.add.f32.msk $0xffff, v4  }
0x316: {  	v4 =	vld [tilespmem:s7+$0x3870]  }
0x317: {  	[tilespmem:s29+$0x210] =	vst.add.f32.msk $0xffff, v5  }
0x318: {  	v5 =	vld [tilespmem:s9+$0x3820]  }
0x319: {  	[tilespmem:s28+$0x4C0] =	vst.add.f32.msk $0xffff, v3  }
0x31a: {  	v3 =	vld [tilespmem:s6+$0x3850]  }
0x31b: {  	[tilespmem:s2+$0x770] =	vst.add.f32.msk $0xffff, v4;
	s7 =	spop (v2sf)  }
0x31c: {  	(v2sf) =	vpush v0, $0xA;
	v4 =	vld [tilespmem:s7+$0x3800]  }
0x31d: {  	[tilespmem:s29+$0x220] =	vst.add.f32.msk $0xffff, v5  }
0x31e: {  	v5 =	vld [tilespmem:s9+$0x3830]  }
0x31f: {  	[tilespmem:s28+$0x4D0] =	vst.add.f32.msk $0xffff, v3  }
0x320: {  	v3 =	vld [tilespmem:s6+$0x3860]  }
0x321: {  	[tilespmem:s2+$0x780] =	vst.add.f32.msk $0xffff, v4  }
0x322: {  	v4 =	vld [tilespmem:s7+$0x3810]  }
0x323: {  	[tilespmem:s29+$0x230] =	vst.add.f32.msk $0xffff, v5  }
0x324: {  	v5 =	vld [tilespmem:s9+$0x3840]  }
0x325: {  	[tilespmem:s28+$0x4E0] =	vst.add.f32.msk $0xffff, v3  }
0x326: {  	v3 =	vld [tilespmem:s6+$0x3870]  }
0x327: {  	[tilespmem:s2+$0x790] =	vst.add.f32.msk $0xffff, v4  }
0x328: {  	v4 =	vld [tilespmem:s7+$0x3820]  }
0x329: {  	[tilespmem:s29+$0x240] =	vst.add.f32.msk $0xffff, v5  }
0x32a: {  	v5 =	vld [tilespmem:s9+$0x3850]  }
0x32b: {  	[tilespmem:s28+$0x4F0] =	vst.add.f32.msk $0xffff, v3;
	s6 =	spop (v2sf)  }
0x32c: {  	(v2sf) =	vpush v1, $0x5;
	v3 =	vld [tilespmem:s6+$0x3800]  }
0x32d: {  	[tilespmem:s2+$0x7A0] =	vst.add.f32.msk $0xffff, v4  }
0x32e: {  	v4 =	vld [tilespmem:s7+$0x3830]  }
0x32f: {  	[tilespmem:s29+$0x250] =	vst.add.f32.msk $0xffff, v5  }
0x330: {  	v6 =	vld [tilespmem:s9+$0x3860]  }
0x331: {  	[tilespmem:s28+$0x500] =	vst.add.f32.msk $0xffff, v3  }
0x332: {  	v7 =	vld [tilespmem:s6+$0x3810]  }
0x333: {  	[tilespmem:s2+$0x7B0] =	vst.add.f32.msk $0xffff, v4  }
.Ltmp0:
0x334: {  	v5 =	vld [tilespmem:s7+$0x3840];
	(pc) =	sbr.rel @p0 .LBB2_3-.Ltmp0, $4  }
0x335: {  	[tilespmem:s29+$0x260] =	vst.add.f32.msk $0xffff, v6  }
0x336: {  	v3 =	vld [tilespmem:s9+$0x3870]  }
0x337: {  	[tilespmem:s28+$0x510] =	vst.add.f32.msk $0xffff, v7  }
0x338: {  	s11 =	sadd.s32 $0x2000, s11;
	v4 =	vld [tilespmem:s6+$0x3820]  }
0x339: {  	[tilespmem:s2+$0x7C0] =	vst.add.f32.msk $0xffff, v5  }
0x33a: {  	v2 =	vshll.u32 v2, $0x9;
	v5 =	vld [tilespmem:s7+$0x3850]  }
0x33b: {  	v2 =	vshra.s32 v2, $0x2;
	[tilespmem:s29+$0x270] =	vst.add.f32.msk $0xffff, v3;
	s9 =	spop (v2sf)  }
0x33c: {  	(v2sf) =	vpush v2, $0x0;
	v3 =	vld [tilespmem:s9+$0x3800]  }
0x33d: {  	[tilespmem:s28+$0x520] =	vst.add.f32.msk $0xffff, v4  }
0x33e: {  	v4 =	vld [tilespmem:s6+$0x3830]  }
0x33f: {  	[tilespmem:s2+$0x7D0] =	vst.add.f32.msk $0xffff, v5  }
0x340: {  	v5 =	vld [tilespmem:s7+$0x3860]  }
0x341: {  	[tilespmem:s29+$0x280] =	vst.add.f32.msk $0xffff, v3  }
0x342: {  	v3 =	vld [tilespmem:s9+$0x3810]  }
0x343: {  	[tilespmem:s28+$0x530] =	vst.add.f32.msk $0xffff, v4  }
0x344: {  	v4 =	vld [tilespmem:s6+$0x3840]  }
0x345: {  	[tilespmem:s2+$0x7E0] =	vst.add.f32.msk $0xffff, v5  }
0x346: {  	v5 =	vld [tilespmem:s7+$0x3870]  }
0x347: {  	[tilespmem:s29+$0x290] =	vst.add.f32.msk $0xffff, v3  }
0x348: {  	v3 =	vld [tilespmem:s9+$0x3820]  }
0x349: {  	[tilespmem:s28+$0x540] =	vst.add.f32.msk $0xffff, v4  }
0x34a: {  	v4 =	vld [tilespmem:s6+$0x3850]  }
0x34b: {  	s13 =	spop (v2sf);
	[tilespmem:s2+$0x7F0] =	vst.add.f32.msk $0xffff, v5  }
0x34c: {  	(v2sf) =	vpush v0, $0xB;
	v58 =	vld [tilespmem:s13+$0x3800]  }
0x34d: {  	[tilespmem:s29+$0x2A0] =	vst.add.f32.msk $0xffff, v3  }
0x34e: {  	v3 =	vld [tilespmem:s9+$0x3830]  }
0x34f: {  	s0 =	sshra.s32 s3, $0x2;
	[tilespmem:s28+$0x550] =	vst.add.f32.msk $0xffff, v4  }
0x350: {  	s0 =	sadd.s32 s0, s31;
	v4 =	vld [tilespmem:s6+$0x3860]  }
0x351: {  	[tilespmem:s0+$0x0] =	vst.add.f32.msk $0xffff, v58  }
0x352: {  	v5 =	vld [tilespmem:s13+$0x3810]  }
0x353: {  	[tilespmem:s29+$0x2B0] =	vst.add.f32.msk $0xffff, v3  }
0x354: {  	v3 =	vld [tilespmem:s9+$0x3840]  }
0x355: {  	[tilespmem:s28+$0x560] =	vst.add.f32.msk $0xffff, v4  }
0x356: {  	v4 =	vld [tilespmem:s6+$0x3870]  }
0x357: {  	[tilespmem:s0+$0x10] =	vst.add.f32.msk $0xffff, v5  }
0x358: {  	v5 =	vld [tilespmem:s13+$0x3820]  }
0x359: {  	[tilespmem:s29+$0x2C0] =	vst.add.f32.msk $0xffff, v3  }
0x35a: {  	v3 =	vld [tilespmem:s9+$0x3850]  }
0x35b: {  	s14 =	spop (v2sf);
	[tilespmem:s28+$0x570] =	vst.add.f32.msk $0xffff, v4  }
0x35c: {  	(v2sf) =	vpush v1, $0x6;
	v4 =	vld [tilespmem:s14+$0x3800]  }
0x35d: {  	[tilespmem:s0+$0x20] =	vst.add.f32.msk $0xffff, v5  }
0x35e: {  	v5 =	vld [tilespmem:s13+$0x3830]  }
0x35f: {  	[tilespmem:s29+$0x2D0] =	vst.add.f32.msk $0xffff, v3  }
0x360: {  	v3 =	vld [tilespmem:s9+$0x3860]  }
0x361: {  	[tilespmem:s28+$0x580] =	vst.add.f32.msk $0xffff, v4  }
0x362: {  	v4 =	vld [tilespmem:s14+$0x3810]  }
0x363: {  	[tilespmem:s0+$0x30] =	vst.add.f32.msk $0xffff, v5  }
0x364: {  	v5 =	vld [tilespmem:s13+$0x3840]  }
0x365: {  	[tilespmem:s29+$0x2E0] =	vst.add.f32.msk $0xffff, v3  }
0x366: {  	v3 =	vld [tilespmem:s9+$0x3870]  }
0x367: {  	[tilespmem:s28+$0x590] =	vst.add.f32.msk $0xffff, v4  }
0x368: {  	v4 =	vld [tilespmem:s14+$0x3820]  }
0x369: {  	[tilespmem:s0+$0x40] =	vst.add.f32.msk $0xffff, v5  }
0x36a: {  	v5 =	vld [tilespmem:s13+$0x3850]  }
0x36b: {  	s6 =	spop (v2sf);
	[tilespmem:s29+$0x2F0] =	vst.add.f32.msk $0xffff, v3  }
0x36c: {  	(v2sf) =	vpush v2, $0x1;
	v3 =	vld [tilespmem:s6+$0x3800]  }
0x36d: {  	[tilespmem:s28+$0x5A0] =	vst.add.f32.msk $0xffff, v4  }
0x36e: {  	v4 =	vld [tilespmem:s14+$0x3830]  }
0x36f: {  	[tilespmem:s0+$0x50] =	vst.add.f32.msk $0xffff, v5  }
0x370: {  	v5 =	vld [tilespmem:s13+$0x3860]  }
0x371: {  	[tilespmem:s29+$0x300] =	vst.add.f32.msk $0xffff, v3  }
0x372: {  	v3 =	vld [tilespmem:s6+$0x3810]  }
0x373: {  	[tilespmem:s28+$0x5B0] =	vst.add.f32.msk $0xffff, v4  }
0x374: {  	v4 =	vld [tilespmem:s14+$0x3840]  }
0x375: {  	[tilespmem:s0+$0x60] =	vst.add.f32.msk $0xffff, v5  }
0x376: {  	v5 =	vld [tilespmem:s13+$0x3870]  }
0x377: {  	[tilespmem:s29+$0x310] =	vst.add.f32.msk $0xffff, v3  }
0x378: {  	v3 =	vld [tilespmem:s6+$0x3820]  }
0x379: {  	[tilespmem:s28+$0x5C0] =	vst.add.f32.msk $0xffff, v4  }
0x37a: {  	v4 =	vld [tilespmem:s14+$0x3850]  }
0x37b: {  	s15 =	spop (v2sf);
	[tilespmem:s0+$0x70] =	vst.add.f32.msk $0xffff, v5  }
0x37c: {  	(v2sf) =	vpush v0, $0xC;
	v5 =	vld [tilespmem:s15+$0x3800]  }
0x37d: {  	[tilespmem:s29+$0x320] =	vst.add.f32.msk $0xffff, v3  }
0x37e: {  	v3 =	vld [tilespmem:s6+$0x3830]  }
0x37f: {  	[tilespmem:s28+$0x5D0] =	vst.add.f32.msk $0xffff, v4  }
0x380: {  	v4 =	vld [tilespmem:s14+$0x3860]  }
0x381: {  	[tilespmem:s0+$0x80] =	vst.add.f32.msk $0xffff, v5  }
0x382: {  	v5 =	vld [tilespmem:s15+$0x3810]  }
0x383: {  	[tilespmem:s29+$0x330] =	vst.add.f32.msk $0xffff, v3  }
0x384: {  	v3 =	vld [tilespmem:s6+$0x3840]  }
0x385: {  	[tilespmem:s28+$0x5E0] =	vst.add.f32.msk $0xffff, v4  }
0x386: {  	v4 =	vld [tilespmem:s14+$0x3870]  }
0x387: {  	[tilespmem:s0+$0x90] =	vst.add.f32.msk $0xffff, v5  }
0x388: {  	v5 =	vld [tilespmem:s15+$0x3820]  }
0x389: {  	[tilespmem:s29+$0x340] =	vst.add.f32.msk $0xffff, v3  }
0x38a: {  	v6 =	vld [tilespmem:s6+$0x3850]  }
0x38b: {  	(v2sf) =	vpush v1, $0x7;
	s31 =	spop (v2sf);
	[tilespmem:s28+$0x5F0] =	vst.add.f32.msk $0xffff, v4  }
0x38c: {  	v3 =	vld [tilespmem:s31+$0x3800]  }
0x38d: {  	[tilespmem:s0+$0xA0] =	vst.add.f32.msk $0xffff, v5  }
0x38e: {  	v59 =	vld [tilespmem:s15+$0x3830];
	_ =	sdelay $0x4  }
0x38f: {  	[tilespmem:s0+$0xB0] =	vst.add.f32.msk $0xffff, v59  }
0x390: {  	v4 =	vld [tilespmem:s15+$0x3840];
	_ =	sdelay $0x4  }
0x391: {  	[tilespmem:s0+$0xC0] =	vst.add.f32.msk $0xffff, v4  }
0x392: {  	v4 =	vld [tilespmem:s15+$0x3850];
	_ =	sdelay $0x1  }
0x393: {  	(v2sf) =	vpush v2, $0x2;
	_ =	sdelay $0x2  }
0x394: {  	[tilespmem:s0+$0xD0] =	vst.add.f32.msk $0xffff, v4  }
0x395: {  	v4 =	vld [tilespmem:s15+$0x3860];
	_ =	sdelay $0x4  }
0x396: {  	[tilespmem:s0+$0xE0] =	vst.add.f32.msk $0xffff, v4  }
0x397: {  	v4 =	vld [tilespmem:s15+$0x3870];
	_ =	sdelay $0x3  }
0x398: {  	s15 =	spop (v2sf)  }
0x399: {  	s3 =	spop (v2sf);
	[tilespmem:s0+$0xF0] =	vst.add.f32.msk $0xffff, v4  }
0x39a: {  	v4 =	vld [tilespmem:s3+$0x3800];
	_ =	sdelay $0x4  }
0x39b: {  	[tilespmem:s0+$0x100] =	vst.add.f32.msk $0xffff, v4  }
0x39c: {  	v4 =	vld [tilespmem:s3+$0x3810];
	_ =	sdelay $0x4  }
0x39d: {  	[tilespmem:s0+$0x110] =	vst.add.f32.msk $0xffff, v4  }
0x39e: {  	v4 =	vld [tilespmem:s3+$0x3820];
	_ =	sdelay $0x4  }
0x39f: {  	[tilespmem:s0+$0x120] =	vst.add.f32.msk $0xffff, v4  }
0x3a0: {  	v4 =	vld [tilespmem:s3+$0x3830];
	_ =	sdelay $0x4  }
0x3a1: {  	[tilespmem:s0+$0x130] =	vst.add.f32.msk $0xffff, v4  }
0x3a2: {  	v4 =	vld [tilespmem:s3+$0x3840];
	_ =	sdelay $0x4  }
0x3a3: {  	[tilespmem:s0+$0x140] =	vst.add.f32.msk $0xffff, v4  }
0x3a4: {  	(v2sf) =	vpush v0, $0xD;
	v4 =	vld [tilespmem:s3+$0x3850]  }
0x3a5: {  	(v2sf) =	vpush v1, $0x8  }
0x3a6: {  	(v2sf) =	vpush v2, $0x3;
	_ =	sdelay $0x2  }
0x3a7: {  	[tilespmem:s0+$0x150] =	vst.add.f32.msk $0xffff, v4  }
0x3a8: {  	v4 =	vld [tilespmem:s3+$0x3860];
	_ =	sdelay $0x4  }
0x3a9: {  	[tilespmem:s0+$0x160] =	vst.add.f32.msk $0xffff, v4  }
0x3aa: {  	v4 =	vld [tilespmem:s3+$0x3870];
	_ =	sdelay $0x2  }
0x3ab: {  	s11 =	spop (v2sf)  }
0x3ac: {  	s14 =	spop (v2sf)  }
0x3ad: {  	s7 =	spop (v2sf);
	[tilespmem:s0+$0x170] =	vst.add.f32.msk $0xffff, v4  }
0x3ae: {  	v4 =	vld [tilespmem:s7+$0x3800];
	_ =	sdelay $0x4  }
0x3af: {  	[tilespmem:s0+$0x180] =	vst.add.f32.msk $0xffff, v4  }
0x3b0: {  	v4 =	vld [tilespmem:s7+$0x3810];
	_ =	sdelay $0x4  }
0x3b1: {  	[tilespmem:s0+$0x190] =	vst.add.f32.msk $0xffff, v4  }
0x3b2: {  	v4 =	vld [tilespmem:s7+$0x3820];
	_ =	sdelay $0x4  }
0x3b3: {  	[tilespmem:s0+$0x1A0] =	vst.add.f32.msk $0xffff, v4  }
0x3b4: {  	v4 =	vld [tilespmem:s7+$0x3830];
	_ =	sdelay $0x4  }
0x3b5: {  	[tilespmem:s0+$0x1B0] =	vst.add.f32.msk $0xffff, v4  }
0x3b6: {  	v4 =	vld [tilespmem:s7+$0x3840];
	_ =	sdelay $0x4  }
0x3b7: {  	[tilespmem:s0+$0x1C0] =	vst.add.f32.msk $0xffff, v4  }
0x3b8: {  	(v2sf) =	vpush v0, $0xE;
	v4 =	vld [tilespmem:s7+$0x3850]  }
0x3b9: {  	(v2sf) =	vpush v1, $0x9  }
0x3ba: {  	(v2sf) =	vpush v2, $0x4;
	_ =	sdelay $0x2  }
0x3bb: {  	[tilespmem:s0+$0x1D0] =	vst.add.f32.msk $0xffff, v4  }
0x3bc: {  	v4 =	vld [tilespmem:s7+$0x3860];
	_ =	sdelay $0x4  }
0x3bd: {  	[tilespmem:s0+$0x1E0] =	vst.add.f32.msk $0xffff, v4  }
0x3be: {  	v4 =	vld [tilespmem:s7+$0x3870];
	_ =	sdelay $0x2  }
0x3bf: {  	s3 =	spop (v2sf)  }
0x3c0: {  	s13 =	spop (v2sf)  }
0x3c1: {  	s9 =	spop (v2sf);
	[tilespmem:s0+$0x1F0] =	vst.add.f32.msk $0xffff, v4  }
0x3c2: {  	v4 =	vld [tilespmem:s9+$0x3800];
	_ =	sdelay $0x4  }
0x3c3: {  	[tilespmem:s0+$0x200] =	vst.add.f32.msk $0xffff, v4  }
0x3c4: {  	v4 =	vld [tilespmem:s9+$0x3810];
	_ =	sdelay $0x4  }
0x3c5: {  	[tilespmem:s0+$0x210] =	vst.add.f32.msk $0xffff, v4  }
0x3c6: {  	v4 =	vld [tilespmem:s9+$0x3820];
	_ =	sdelay $0x4  }
0x3c7: {  	[tilespmem:s0+$0x220] =	vst.add.f32.msk $0xffff, v4  }
0x3c8: {  	v4 =	vld [tilespmem:s9+$0x3830];
	_ =	sdelay $0x4  }
0x3c9: {  	[tilespmem:s0+$0x230] =	vst.add.f32.msk $0xffff, v4  }
0x3ca: {  	v4 =	vld [tilespmem:s9+$0x3840];
	_ =	sdelay $0x4  }
0x3cb: {  	[tilespmem:s0+$0x240] =	vst.add.f32.msk $0xffff, v4  }
0x3cc: {  	(v2sf) =	vpush v0, $0xF;
	v60 =	vld [tilespmem:s9+$0x3850]  }
0x3cd: {  	(v2sf) =	vpush v1, $0xA  }
0x3ce: {  	(v2sf) =	vpush v2, $0x5;
	_ =	sdelay $0x2  }
0x3cf: {  	[tilespmem:s0+$0x250] =	vst.add.f32.msk $0xffff, v60  }
0x3d0: {  	v0 =	vld [tilespmem:s9+$0x3860];
	_ =	sdelay $0x4  }
0x3d1: {  	[tilespmem:s0+$0x260] =	vst.add.f32.msk $0xffff, v0  }
0x3d2: {  	v0 =	vld [tilespmem:s9+$0x3870];
	_ =	sdelay $0x2  }
0x3d3: {  	s2 =	spop (v2sf)  }
0x3d4: {  	s9 =	spop (v2sf)  }
0x3d5: {  	s12 =	spop (v2sf);
	[tilespmem:s0+$0x270] =	vst.add.f32.msk $0xffff, v0  }
0x3d6: {  	v0 =	vld [tilespmem:s12+$0x3800];
	_ =	sdelay $0x4  }
0x3d7: {  	[tilespmem:s0+$0x280] =	vst.add.f32.msk $0xffff, v0  }
0x3d8: {  	v0 =	vld [tilespmem:s12+$0x3810];
	_ =	sdelay $0x4  }
0x3d9: {  	[tilespmem:s0+$0x290] =	vst.add.f32.msk $0xffff, v0  }
0x3da: {  	v0 =	vld [tilespmem:s12+$0x3820];
	_ =	sdelay $0x4  }
0x3db: {  	[tilespmem:s0+$0x2A0] =	vst.add.f32.msk $0xffff, v0  }
0x3dc: {  	v0 =	vld [tilespmem:s12+$0x3830];
	_ =	sdelay $0x4  }
0x3dd: {  	[tilespmem:s0+$0x2B0] =	vst.add.f32.msk $0xffff, v0  }
0x3de: {  	v0 =	vld [tilespmem:s12+$0x3840];
	_ =	sdelay $0x4  }
0x3df: {  	[tilespmem:s0+$0x2C0] =	vst.add.f32.msk $0xffff, v0  }
0x3e0: {  	v0 =	vld [tilespmem:s12+$0x3850]  }
0x3e1: {  	(v2sf) =	vpush v1, $0xB  }
0x3e2: {  	(v2sf) =	vpush v2, $0x6;
	_ =	sdelay $0x2  }
0x3e3: {  	[tilespmem:s0+$0x2D0] =	vst.add.f32.msk $0xffff, v0  }
0x3e4: {  	v0 =	vld [tilespmem:s12+$0x3860];
	_ =	sdelay $0x4  }
0x3e5: {  	[tilespmem:s0+$0x2E0] =	vst.add.f32.msk $0xffff, v0  }
0x3e6: {  	v0 =	vld [tilespmem:s12+$0x3870];
	_ =	sdelay $0x3  }
0x3e7: {  	s7 =	spop (v2sf)  }
0x3e8: {  	s12 =	spop (v2sf);
	[tilespmem:s0+$0x2F0] =	vst.add.f32.msk $0xffff, v0  }
0x3e9: {  	v0 =	vld [tilespmem:s12+$0x3800];
	_ =	sdelay $0x4  }
0x3ea: {  	[tilespmem:s0+$0x300] =	vst.add.f32.msk $0xffff, v0  }
0x3eb: {  	v0 =	vld [tilespmem:s12+$0x3810];
	_ =	sdelay $0x4  }
0x3ec: {  	[tilespmem:s0+$0x310] =	vst.add.f32.msk $0xffff, v0  }
0x3ed: {  	v0 =	vld [tilespmem:s12+$0x3820];
	_ =	sdelay $0x4  }
0x3ee: {  	[tilespmem:s0+$0x320] =	vst.add.f32.msk $0xffff, v0  }
0x3ef: {  	v0 =	vld [tilespmem:s12+$0x3830];
	_ =	sdelay $0x4  }
0x3f0: {  	[tilespmem:s0+$0x330] =	vst.add.f32.msk $0xffff, v0  }
0x3f1: {  	v0 =	vld [tilespmem:s12+$0x3840];
	_ =	sdelay $0x4  }
0x3f2: {  	[tilespmem:s0+$0x340] =	vst.add.f32.msk $0xffff, v0  }
0x3f3: {  	v0 =	vld [tilespmem:s12+$0x3850]  }
0x3f4: {  	(v2sf) =	vpush v1, $0xC  }
0x3f5: {  	(v2sf) =	vpush v2, $0x7  }
0x3f6: {  	[tilespmem:s29+$0x350] =	vst.add.f32.msk $0xffff, v6  }
0x3f7: {  	v61 =	vld [tilespmem:s6+$0x3860]  }
0x3f8: {  	[tilespmem:s0+$0x350] =	vst.add.f32.msk $0xffff, v0  }
0x3f9: {  	v0 =	vld [tilespmem:s12+$0x3860];
	_ =	sdelay $0x2  }
0x3fa: {  	[tilespmem:s29+$0x360] =	vst.add.f32.msk $0xffff, v61  }
0x3fb: {  	v4 =	vld [tilespmem:s6+$0x3870]  }
0x3fc: {  	[tilespmem:s0+$0x360] =	vst.add.f32.msk $0xffff, v0  }
0x3fd: {  	v0 =	vld [tilespmem:s12+$0x3870];
	_ =	sdelay $0x2  }
0x3fe: {  	[tilespmem:s29+$0x370] =	vst.add.f32.msk $0xffff, v4  }
0x3ff: {  	v4 =	vld [tilespmem:s15+$0x3800];
	s6 =	spop (v2sf)  }
0x400: {  	s12 =	spop (v2sf);
	[tilespmem:s0+$0x370] =	vst.add.f32.msk $0xffff, v0  }
0x401: {  	v0 =	vld [tilespmem:s12+$0x3800];
	_ =	sdelay $0x2  }
0x402: {  	[tilespmem:s29+$0x380] =	vst.add.f32.msk $0xffff, v4  }
0x403: {  	v4 =	vld [tilespmem:s15+$0x3810]  }
0x404: {  	[tilespmem:s0+$0x380] =	vst.add.f32.msk $0xffff, v0  }
0x405: {  	v0 =	vld [tilespmem:s12+$0x3810];
	_ =	sdelay $0x2  }
0x406: {  	[tilespmem:s29+$0x390] =	vst.add.f32.msk $0xffff, v4  }
0x407: {  	v4 =	vld [tilespmem:s15+$0x3820]  }
0x408: {  	[tilespmem:s0+$0x390] =	vst.add.f32.msk $0xffff, v0  }
0x409: {  	v0 =	vld [tilespmem:s12+$0x3820];
	_ =	sdelay $0x2  }
0x40a: {  	[tilespmem:s29+$0x3A0] =	vst.add.f32.msk $0xffff, v4  }
0x40b: {  	v4 =	vld [tilespmem:s15+$0x3830]  }
0x40c: {  	[tilespmem:s0+$0x3A0] =	vst.add.f32.msk $0xffff, v0  }
0x40d: {  	v0 =	vld [tilespmem:s12+$0x3830];
	_ =	sdelay $0x2  }
0x40e: {  	[tilespmem:s29+$0x3B0] =	vst.add.f32.msk $0xffff, v4  }
0x40f: {  	v4 =	vld [tilespmem:s15+$0x3840]  }
0x410: {  	[tilespmem:s0+$0x3B0] =	vst.add.f32.msk $0xffff, v0  }
0x411: {  	v0 =	vld [tilespmem:s12+$0x3840];
	_ =	sdelay $0x2  }
0x412: {  	[tilespmem:s29+$0x3C0] =	vst.add.f32.msk $0xffff, v4  }
0x413: {  	v4 =	vld [tilespmem:s15+$0x3850]  }
0x414: {  	[tilespmem:s0+$0x3C0] =	vst.add.f32.msk $0xffff, v0  }
0x415: {  	v0 =	vld [tilespmem:s12+$0x3850]  }
0x416: {  	(v2sf) =	vpush v1, $0xD  }
0x417: {  	(v2sf) =	vpush v2, $0x8  }
0x418: {  	[tilespmem:s29+$0x3D0] =	vst.add.f32.msk $0xffff, v4  }
0x419: {  	v4 =	vld [tilespmem:s15+$0x3860]  }
0x41a: {  	[tilespmem:s0+$0x3D0] =	vst.add.f32.msk $0xffff, v0  }
0x41b: {  	v0 =	vld [tilespmem:s12+$0x3860];
	_ =	sdelay $0x2  }
0x41c: {  	[tilespmem:s29+$0x3E0] =	vst.add.f32.msk $0xffff, v4  }
0x41d: {  	v4 =	vld [tilespmem:s15+$0x3870]  }
0x41e: {  	[tilespmem:s0+$0x3E0] =	vst.add.f32.msk $0xffff, v0  }
0x41f: {  	v0 =	vld [tilespmem:s12+$0x3870];
	_ =	sdelay $0x2  }
0x420: {  	[tilespmem:s29+$0x3F0] =	vst.add.f32.msk $0xffff, v4  }
0x421: {  	v4 =	vld [tilespmem:s14+$0x3800];
	s15 =	spop (v2sf)  }
0x422: {  	s12 =	spop (v2sf);
	[tilespmem:s0+$0x3F0] =	vst.add.f32.msk $0xffff, v0  }
0x423: {  	v0 =	vld [tilespmem:s12+$0x3800];
	_ =	sdelay $0x2  }
0x424: {  	[tilespmem:s29+$0x400] =	vst.add.f32.msk $0xffff, v4  }
0x425: {  	v4 =	vld [tilespmem:s14+$0x3810]  }
0x426: {  	[tilespmem:s0+$0x400] =	vst.add.f32.msk $0xffff, v0  }
0x427: {  	v0 =	vld [tilespmem:s12+$0x3810];
	_ =	sdelay $0x2  }
0x428: {  	[tilespmem:s29+$0x410] =	vst.add.f32.msk $0xffff, v4  }
0x429: {  	v4 =	vld [tilespmem:s14+$0x3820]  }
0x42a: {  	[tilespmem:s0+$0x410] =	vst.add.f32.msk $0xffff, v0  }
0x42b: {  	v0 =	vld [tilespmem:s12+$0x3820];
	_ =	sdelay $0x2  }
0x42c: {  	[tilespmem:s29+$0x420] =	vst.add.f32.msk $0xffff, v4  }
0x42d: {  	v4 =	vld [tilespmem:s14+$0x3830]  }
0x42e: {  	[tilespmem:s0+$0x420] =	vst.add.f32.msk $0xffff, v0  }
0x42f: {  	v0 =	vld [tilespmem:s12+$0x3830];
	_ =	sdelay $0x2  }
0x430: {  	[tilespmem:s29+$0x430] =	vst.add.f32.msk $0xffff, v4  }
0x431: {  	v4 =	vld [tilespmem:s14+$0x3840]  }
0x432: {  	[tilespmem:s0+$0x430] =	vst.add.f32.msk $0xffff, v0  }
0x433: {  	v0 =	vld [tilespmem:s12+$0x3840];
	_ =	sdelay $0x2  }
0x434: {  	[tilespmem:s29+$0x440] =	vst.add.f32.msk $0xffff, v4  }
0x435: {  	v4 =	vld [tilespmem:s14+$0x3850]  }
0x436: {  	[tilespmem:s0+$0x440] =	vst.add.f32.msk $0xffff, v0  }
0x437: {  	v0 =	vld [tilespmem:s12+$0x3850]  }
0x438: {  	(v2sf) =	vpush v1, $0xE  }
0x439: {  	(v2sf) =	vpush v2, $0x9  }
0x43a: {  	[tilespmem:s29+$0x450] =	vst.add.f32.msk $0xffff, v4  }
0x43b: {  	v4 =	vld [tilespmem:s14+$0x3860]  }
0x43c: {  	[tilespmem:s0+$0x450] =	vst.add.f32.msk $0xffff, v0  }
0x43d: {  	v0 =	vld [tilespmem:s12+$0x3860];
	_ =	sdelay $0x2  }
0x43e: {  	[tilespmem:s29+$0x460] =	vst.add.f32.msk $0xffff, v4  }
0x43f: {  	v4 =	vld [tilespmem:s14+$0x3870]  }
0x440: {  	[tilespmem:s0+$0x460] =	vst.add.f32.msk $0xffff, v0  }
0x441: {  	v0 =	vld [tilespmem:s12+$0x3870];
	_ =	sdelay $0x2  }
0x442: {  	[tilespmem:s29+$0x470] =	vst.add.f32.msk $0xffff, v4  }
0x443: {  	v4 =	vld [tilespmem:s13+$0x3800];
	s14 =	spop (v2sf)  }
0x444: {  	s12 =	spop (v2sf);
	[tilespmem:s0+$0x470] =	vst.add.f32.msk $0xffff, v0  }
0x445: {  	v0 =	vld [tilespmem:s12+$0x3800];
	_ =	sdelay $0x2  }
0x446: {  	[tilespmem:s29+$0x480] =	vst.add.f32.msk $0xffff, v4  }
0x447: {  	v4 =	vld [tilespmem:s13+$0x3810]  }
0x448: {  	[tilespmem:s0+$0x480] =	vst.add.f32.msk $0xffff, v0  }
0x449: {  	v0 =	vld [tilespmem:s12+$0x3810];
	_ =	sdelay $0x2  }
0x44a: {  	[tilespmem:s29+$0x490] =	vst.add.f32.msk $0xffff, v4  }
0x44b: {  	v4 =	vld [tilespmem:s13+$0x3820]  }
0x44c: {  	[tilespmem:s0+$0x490] =	vst.add.f32.msk $0xffff, v0  }
0x44d: {  	v0 =	vld [tilespmem:s12+$0x3820];
	_ =	sdelay $0x2  }
0x44e: {  	[tilespmem:s29+$0x4A0] =	vst.add.f32.msk $0xffff, v4  }
0x44f: {  	v4 =	vld [tilespmem:s13+$0x3830]  }
0x450: {  	[tilespmem:s0+$0x4A0] =	vst.add.f32.msk $0xffff, v0  }
0x451: {  	v0 =	vld [tilespmem:s12+$0x3830];
	_ =	sdelay $0x2  }
0x452: {  	[tilespmem:s29+$0x4B0] =	vst.add.f32.msk $0xffff, v4  }
0x453: {  	v4 =	vld [tilespmem:s13+$0x3840]  }
0x454: {  	[tilespmem:s0+$0x4B0] =	vst.add.f32.msk $0xffff, v0  }
0x455: {  	v0 =	vld [tilespmem:s12+$0x3840];
	_ =	sdelay $0x2  }
0x456: {  	[tilespmem:s29+$0x4C0] =	vst.add.f32.msk $0xffff, v4  }
0x457: {  	v4 =	vld [tilespmem:s13+$0x3850]  }
0x458: {  	[tilespmem:s0+$0x4C0] =	vst.add.f32.msk $0xffff, v0  }
0x459: {  	v0 =	vld [tilespmem:s12+$0x3850]  }
0x45a: {  	(v2sf) =	vpush v1, $0xF  }
0x45b: {  	(v2sf) =	vpush v2, $0xA  }
0x45c: {  	[tilespmem:s29+$0x4D0] =	vst.add.f32.msk $0xffff, v4  }
0x45d: {  	v62 =	vld [tilespmem:s13+$0x3860]  }
0x45e: {  	[tilespmem:s0+$0x4D0] =	vst.add.f32.msk $0xffff, v0  }
0x45f: {  	v0 =	vld [tilespmem:s12+$0x3860];
	_ =	sdelay $0x2  }
0x460: {  	[tilespmem:s29+$0x4E0] =	vst.add.f32.msk $0xffff, v62  }
0x461: {  	v1 =	vld [tilespmem:s13+$0x3870]  }
0x462: {  	[tilespmem:s0+$0x4E0] =	vst.add.f32.msk $0xffff, v0  }
0x463: {  	v0 =	vld [tilespmem:s12+$0x3870];
	_ =	sdelay $0x2  }
0x464: {  	[tilespmem:s29+$0x4F0] =	vst.add.f32.msk $0xffff, v1  }
0x465: {  	v1 =	vld [tilespmem:s9+$0x3800];
	s13 =	spop (v2sf)  }
0x466: {  	s12 =	spop (v2sf);
	[tilespmem:s0+$0x4F0] =	vst.add.f32.msk $0xffff, v0  }
0x467: {  	v0 =	vld [tilespmem:s12+$0x3800];
	_ =	sdelay $0x2  }
0x468: {  	[tilespmem:s29+$0x500] =	vst.add.f32.msk $0xffff, v1  }
0x469: {  	v1 =	vld [tilespmem:s9+$0x3810]  }
0x46a: {  	[tilespmem:s0+$0x500] =	vst.add.f32.msk $0xffff, v0  }
0x46b: {  	v0 =	vld [tilespmem:s12+$0x3810];
	_ =	sdelay $0x2  }
0x46c: {  	[tilespmem:s29+$0x510] =	vst.add.f32.msk $0xffff, v1  }
0x46d: {  	v1 =	vld [tilespmem:s9+$0x3820]  }
0x46e: {  	[tilespmem:s0+$0x510] =	vst.add.f32.msk $0xffff, v0  }
0x46f: {  	v0 =	vld [tilespmem:s12+$0x3820];
	_ =	sdelay $0x2  }
0x470: {  	[tilespmem:s29+$0x520] =	vst.add.f32.msk $0xffff, v1  }
0x471: {  	v1 =	vld [tilespmem:s9+$0x3830]  }
0x472: {  	[tilespmem:s0+$0x520] =	vst.add.f32.msk $0xffff, v0  }
0x473: {  	v0 =	vld [tilespmem:s12+$0x3830];
	_ =	sdelay $0x2  }
0x474: {  	[tilespmem:s29+$0x530] =	vst.add.f32.msk $0xffff, v1  }
0x475: {  	v1 =	vld [tilespmem:s9+$0x3840]  }
0x476: {  	[tilespmem:s0+$0x530] =	vst.add.f32.msk $0xffff, v0  }
0x477: {  	v0 =	vld [tilespmem:s12+$0x3840];
	_ =	sdelay $0x2  }
0x478: {  	[tilespmem:s29+$0x540] =	vst.add.f32.msk $0xffff, v1  }
0x479: {  	v1 =	vld [tilespmem:s9+$0x3850]  }
0x47a: {  	[tilespmem:s0+$0x540] =	vst.add.f32.msk $0xffff, v0  }
0x47b: {  	v0 =	vld [tilespmem:s12+$0x3850];
	_ =	sdelay $0x1  }
0x47c: {  	(v2sf) =	vpush v2, $0xB  }
0x47d: {  	[tilespmem:s29+$0x550] =	vst.add.f32.msk $0xffff, v1  }
0x47e: {  	v1 =	vld [tilespmem:s9+$0x3860]  }
0x47f: {  	[tilespmem:s0+$0x550] =	vst.add.f32.msk $0xffff, v0  }
0x480: {  	v0 =	vld [tilespmem:s12+$0x3860];
	_ =	sdelay $0x2  }
0x481: {  	[tilespmem:s29+$0x560] =	vst.add.f32.msk $0xffff, v1  }
0x482: {  	v1 =	vld [tilespmem:s9+$0x3870]  }
0x483: {  	[tilespmem:s0+$0x560] =	vst.add.f32.msk $0xffff, v0  }
0x484: {  	v0 =	vld [tilespmem:s12+$0x3870];
	_ =	sdelay $0x2  }
0x485: {  	[tilespmem:s29+$0x570] =	vst.add.f32.msk $0xffff, v1  }
0x486: {  	v1 =	vld [tilespmem:s7+$0x3800]  }
0x487: {  	s12 =	spop (v2sf);
	[tilespmem:s0+$0x570] =	vst.add.f32.msk $0xffff, v0  }
0x488: {  	v0 =	vld [tilespmem:s12+$0x3800];
	_ =	sdelay $0x2  }
0x489: {  	[tilespmem:s29+$0x580] =	vst.add.f32.msk $0xffff, v1  }
0x48a: {  	v1 =	vld [tilespmem:s7+$0x3810]  }
0x48b: {  	[tilespmem:s0+$0x580] =	vst.add.f32.msk $0xffff, v0  }
0x48c: {  	v0 =	vld [tilespmem:s12+$0x3810];
	_ =	sdelay $0x2  }
0x48d: {  	[tilespmem:s29+$0x590] =	vst.add.f32.msk $0xffff, v1  }
0x48e: {  	v1 =	vld [tilespmem:s7+$0x3820]  }
0x48f: {  	[tilespmem:s0+$0x590] =	vst.add.f32.msk $0xffff, v0  }
0x490: {  	v0 =	vld [tilespmem:s12+$0x3820];
	_ =	sdelay $0x2  }
0x491: {  	[tilespmem:s29+$0x5A0] =	vst.add.f32.msk $0xffff, v1  }
0x492: {  	v1 =	vld [tilespmem:s7+$0x3830]  }
0x493: {  	[tilespmem:s0+$0x5A0] =	vst.add.f32.msk $0xffff, v0  }
0x494: {  	v0 =	vld [tilespmem:s12+$0x3830];
	_ =	sdelay $0x2  }
0x495: {  	[tilespmem:s29+$0x5B0] =	vst.add.f32.msk $0xffff, v1  }
0x496: {  	v1 =	vld [tilespmem:s7+$0x3840]  }
0x497: {  	[tilespmem:s0+$0x5B0] =	vst.add.f32.msk $0xffff, v0  }
0x498: {  	v0 =	vld [tilespmem:s12+$0x3840];
	_ =	sdelay $0x2  }
0x499: {  	[tilespmem:s29+$0x5C0] =	vst.add.f32.msk $0xffff, v1  }
0x49a: {  	v1 =	vld [tilespmem:s7+$0x3850]  }
0x49b: {  	[tilespmem:s0+$0x5C0] =	vst.add.f32.msk $0xffff, v0  }
0x49c: {  	v0 =	vld [tilespmem:s12+$0x3850];
	_ =	sdelay $0x1  }
0x49d: {  	(v2sf) =	vpush v2, $0xC  }
0x49e: {  	[tilespmem:s29+$0x5D0] =	vst.add.f32.msk $0xffff, v1  }
0x49f: {  	v1 =	vld [tilespmem:s7+$0x3860]  }
0x4a0: {  	[tilespmem:s0+$0x5D0] =	vst.add.f32.msk $0xffff, v0  }
0x4a1: {  	v0 =	vld [tilespmem:s12+$0x3860];
	_ =	sdelay $0x2  }
0x4a2: {  	[tilespmem:s29+$0x5E0] =	vst.add.f32.msk $0xffff, v1  }
0x4a3: {  	v1 =	vld [tilespmem:s7+$0x3870]  }
0x4a4: {  	[tilespmem:s0+$0x5E0] =	vst.add.f32.msk $0xffff, v0  }
0x4a5: {  	v0 =	vld [tilespmem:s12+$0x3870];
	_ =	sdelay $0x2  }
0x4a6: {  	[tilespmem:s29+$0x5F0] =	vst.add.f32.msk $0xffff, v1  }
0x4a7: {  	v1 =	vld [tilespmem:s6+$0x3800]  }
0x4a8: {  	s12 =	spop (v2sf);
	[tilespmem:s0+$0x5F0] =	vst.add.f32.msk $0xffff, v0  }
0x4a9: {  	v0 =	vld [tilespmem:s12+$0x3800]  }
0x4aa: {  	[tilespmem:s28+$0x600] =	vst.add.f32.msk $0xffff, v3  }
0x4ab: {  	v3 =	vld [tilespmem:s31+$0x3810]  }
0x4ac: {  	[tilespmem:s29+$0x600] =	vst.add.f32.msk $0xffff, v1  }
0x4ad: {  	v1 =	vld [tilespmem:s6+$0x3810]  }
0x4ae: {  	[tilespmem:s0+$0x600] =	vst.add.f32.msk $0xffff, v0  }
0x4af: {  	v0 =	vld [tilespmem:s12+$0x3810]  }
0x4b0: {  	[tilespmem:s28+$0x610] =	vst.add.f32.msk $0xffff, v3  }
0x4b1: {  	v3 =	vld [tilespmem:s31+$0x3820]  }
0x4b2: {  	[tilespmem:s29+$0x610] =	vst.add.f32.msk $0xffff, v1  }
0x4b3: {  	v1 =	vld [tilespmem:s6+$0x3820]  }
0x4b4: {  	[tilespmem:s0+$0x610] =	vst.add.f32.msk $0xffff, v0  }
0x4b5: {  	v0 =	vld [tilespmem:s12+$0x3820]  }
0x4b6: {  	[tilespmem:s28+$0x620] =	vst.add.f32.msk $0xffff, v3  }
0x4b7: {  	v3 =	vld [tilespmem:s31+$0x3830]  }
0x4b8: {  	[tilespmem:s29+$0x620] =	vst.add.f32.msk $0xffff, v1  }
0x4b9: {  	v1 =	vld [tilespmem:s6+$0x3830]  }
0x4ba: {  	[tilespmem:s0+$0x620] =	vst.add.f32.msk $0xffff, v0  }
0x4bb: {  	v0 =	vld [tilespmem:s12+$0x3830]  }
0x4bc: {  	[tilespmem:s28+$0x630] =	vst.add.f32.msk $0xffff, v3  }
0x4bd: {  	v3 =	vld [tilespmem:s31+$0x3840]  }
0x4be: {  	[tilespmem:s29+$0x630] =	vst.add.f32.msk $0xffff, v1  }
0x4bf: {  	v1 =	vld [tilespmem:s6+$0x3840]  }
0x4c0: {  	[tilespmem:s0+$0x630] =	vst.add.f32.msk $0xffff, v0  }
0x4c1: {  	v0 =	vld [tilespmem:s12+$0x3840]  }
0x4c2: {  	[tilespmem:s28+$0x640] =	vst.add.f32.msk $0xffff, v3  }
0x4c3: {  	v3 =	vld [tilespmem:s31+$0x3850]  }
0x4c4: {  	[tilespmem:s29+$0x640] =	vst.add.f32.msk $0xffff, v1  }
0x4c5: {  	v1 =	vld [tilespmem:s6+$0x3850]  }
0x4c6: {  	[tilespmem:s0+$0x640] =	vst.add.f32.msk $0xffff, v0  }
0x4c7: {  	v0 =	vld [tilespmem:s12+$0x3850]  }
0x4c8: {  	[tilespmem:s28+$0x650] =	vst.add.f32.msk $0xffff, v3  }
0x4c9: {  	v3 =	vld [tilespmem:s31+$0x3860];
	(v2sf) =	vpush v2, $0xD  }
0x4ca: {  	[tilespmem:s29+$0x650] =	vst.add.f32.msk $0xffff, v1  }
0x4cb: {  	v1 =	vld [tilespmem:s6+$0x3860]  }
0x4cc: {  	[tilespmem:s0+$0x650] =	vst.add.f32.msk $0xffff, v0  }
0x4cd: {  	v0 =	vld [tilespmem:s12+$0x3860]  }
0x4ce: {  	[tilespmem:s28+$0x660] =	vst.add.f32.msk $0xffff, v3  }
0x4cf: {  	v3 =	vld [tilespmem:s31+$0x3870]  }
0x4d0: {  	[tilespmem:s29+$0x660] =	vst.add.f32.msk $0xffff, v1  }
0x4d1: {  	v1 =	vld [tilespmem:s6+$0x3870]  }
0x4d2: {  	[tilespmem:s0+$0x660] =	vst.add.f32.msk $0xffff, v0  }
0x4d3: {  	v0 =	vld [tilespmem:s12+$0x3870]  }
0x4d4: {  	[tilespmem:s28+$0x670] =	vst.add.f32.msk $0xffff, v3  }
0x4d5: {  	v3 =	vld [tilespmem:s11+$0x3800]  }
0x4d6: {  	[tilespmem:s29+$0x670] =	vst.add.f32.msk $0xffff, v1  }
0x4d7: {  	v1 =	vld [tilespmem:s15+$0x3800]  }
0x4d8: {  	s9 =	spop (v2sf);
	[tilespmem:s0+$0x670] =	vst.add.f32.msk $0xffff, v0  }
0x4d9: {  	v0 =	vld [tilespmem:s9+$0x3800]  }
0x4da: {  	[tilespmem:s28+$0x680] =	vst.add.f32.msk $0xffff, v3  }
0x4db: {  	v3 =	vld [tilespmem:s11+$0x3810]  }
0x4dc: {  	[tilespmem:s29+$0x680] =	vst.add.f32.msk $0xffff, v1  }
0x4dd: {  	v1 =	vld [tilespmem:s15+$0x3810]  }
0x4de: {  	[tilespmem:s0+$0x680] =	vst.add.f32.msk $0xffff, v0  }
0x4df: {  	v0 =	vld [tilespmem:s9+$0x3810]  }
0x4e0: {  	[tilespmem:s28+$0x690] =	vst.add.f32.msk $0xffff, v3  }
0x4e1: {  	v3 =	vld [tilespmem:s11+$0x3820]  }
0x4e2: {  	[tilespmem:s29+$0x690] =	vst.add.f32.msk $0xffff, v1  }
0x4e3: {  	v1 =	vld [tilespmem:s15+$0x3820]  }
0x4e4: {  	[tilespmem:s0+$0x690] =	vst.add.f32.msk $0xffff, v0  }
0x4e5: {  	v0 =	vld [tilespmem:s9+$0x3820]  }
0x4e6: {  	[tilespmem:s28+$0x6A0] =	vst.add.f32.msk $0xffff, v3  }
0x4e7: {  	v3 =	vld [tilespmem:s11+$0x3830]  }
0x4e8: {  	[tilespmem:s29+$0x6A0] =	vst.add.f32.msk $0xffff, v1  }
0x4e9: {  	v1 =	vld [tilespmem:s15+$0x3830]  }
0x4ea: {  	[tilespmem:s0+$0x6A0] =	vst.add.f32.msk $0xffff, v0  }
0x4eb: {  	v0 =	vld [tilespmem:s9+$0x3830]  }
0x4ec: {  	[tilespmem:s28+$0x6B0] =	vst.add.f32.msk $0xffff, v3  }
0x4ed: {  	v3 =	vld [tilespmem:s11+$0x3840]  }
0x4ee: {  	[tilespmem:s29+$0x6B0] =	vst.add.f32.msk $0xffff, v1  }
0x4ef: {  	v1 =	vld [tilespmem:s15+$0x3840]  }
0x4f0: {  	[tilespmem:s0+$0x6B0] =	vst.add.f32.msk $0xffff, v0  }
0x4f1: {  	v0 =	vld [tilespmem:s9+$0x3840]  }
0x4f2: {  	[tilespmem:s28+$0x6C0] =	vst.add.f32.msk $0xffff, v3  }
0x4f3: {  	v3 =	vld [tilespmem:s11+$0x3850]  }
0x4f4: {  	[tilespmem:s29+$0x6C0] =	vst.add.f32.msk $0xffff, v1  }
0x4f5: {  	v1 =	vld [tilespmem:s15+$0x3850]  }
0x4f6: {  	[tilespmem:s0+$0x6C0] =	vst.add.f32.msk $0xffff, v0  }
0x4f7: {  	v0 =	vld [tilespmem:s9+$0x3850]  }
0x4f8: {  	[tilespmem:s28+$0x6D0] =	vst.add.f32.msk $0xffff, v3  }
0x4f9: {  	v3 =	vld [tilespmem:s11+$0x3860];
	(v2sf) =	vpush v2, $0xE  }
0x4fa: {  	[tilespmem:s29+$0x6D0] =	vst.add.f32.msk $0xffff, v1  }
0x4fb: {  	v1 =	vld [tilespmem:s15+$0x3860]  }
0x4fc: {  	[tilespmem:s0+$0x6D0] =	vst.add.f32.msk $0xffff, v0  }
0x4fd: {  	v0 =	vld [tilespmem:s9+$0x3860]  }
0x4fe: {  	[tilespmem:s28+$0x6E0] =	vst.add.f32.msk $0xffff, v3  }
0x4ff: {  	v3 =	vld [tilespmem:s11+$0x3870]  }
0x500: {  	[tilespmem:s29+$0x6E0] =	vst.add.f32.msk $0xffff, v1  }
0x501: {  	v1 =	vld [tilespmem:s15+$0x3870]  }
0x502: {  	[tilespmem:s0+$0x6E0] =	vst.add.f32.msk $0xffff, v0  }
0x503: {  	v0 =	vld [tilespmem:s9+$0x3870]  }
0x504: {  	[tilespmem:s28+$0x6F0] =	vst.add.f32.msk $0xffff, v3  }
0x505: {  	v3 =	vld [tilespmem:s3+$0x3800]  }
0x506: {  	[tilespmem:s29+$0x6F0] =	vst.add.f32.msk $0xffff, v1  }
0x507: {  	v1 =	vld [tilespmem:s14+$0x3800]  }
0x508: {  	s12 =	spop (v2sf);
	[tilespmem:s0+$0x6F0] =	vst.add.f32.msk $0xffff, v0  }
0x509: {  	v0 =	vld [tilespmem:s12+$0x3800]  }
0x50a: {  	[tilespmem:s28+$0x700] =	vst.add.f32.msk $0xffff, v3  }
0x50b: {  	v3 =	vld [tilespmem:s3+$0x3810]  }
0x50c: {  	[tilespmem:s29+$0x700] =	vst.add.f32.msk $0xffff, v1  }
0x50d: {  	v1 =	vld [tilespmem:s14+$0x3810]  }
0x50e: {  	[tilespmem:s0+$0x700] =	vst.add.f32.msk $0xffff, v0  }
0x50f: {  	v0 =	vld [tilespmem:s12+$0x3810]  }
0x510: {  	[tilespmem:s28+$0x710] =	vst.add.f32.msk $0xffff, v3  }
0x511: {  	v3 =	vld [tilespmem:s3+$0x3820]  }
0x512: {  	[tilespmem:s29+$0x710] =	vst.add.f32.msk $0xffff, v1  }
0x513: {  	v1 =	vld [tilespmem:s14+$0x3820]  }
0x514: {  	[tilespmem:s0+$0x710] =	vst.add.f32.msk $0xffff, v0  }
0x515: {  	v0 =	vld [tilespmem:s12+$0x3820]  }
0x516: {  	[tilespmem:s28+$0x720] =	vst.add.f32.msk $0xffff, v3  }
0x517: {  	v3 =	vld [tilespmem:s3+$0x3830]  }
0x518: {  	[tilespmem:s29+$0x720] =	vst.add.f32.msk $0xffff, v1  }
0x519: {  	v1 =	vld [tilespmem:s14+$0x3830]  }
0x51a: {  	[tilespmem:s0+$0x720] =	vst.add.f32.msk $0xffff, v0  }
0x51b: {  	v0 =	vld [tilespmem:s12+$0x3830]  }
0x51c: {  	[tilespmem:s28+$0x730] =	vst.add.f32.msk $0xffff, v3  }
0x51d: {  	v3 =	vld [tilespmem:s3+$0x3840]  }
0x51e: {  	[tilespmem:s29+$0x730] =	vst.add.f32.msk $0xffff, v1  }
0x51f: {  	v1 =	vld [tilespmem:s14+$0x3840]  }
0x520: {  	[tilespmem:s0+$0x730] =	vst.add.f32.msk $0xffff, v0  }
0x521: {  	v0 =	vld [tilespmem:s12+$0x3840]  }
0x522: {  	[tilespmem:s28+$0x740] =	vst.add.f32.msk $0xffff, v3  }
0x523: {  	v3 =	vld [tilespmem:s3+$0x3850]  }
0x524: {  	[tilespmem:s29+$0x740] =	vst.add.f32.msk $0xffff, v1  }
0x525: {  	v1 =	vld [tilespmem:s14+$0x3850]  }
0x526: {  	[tilespmem:s0+$0x740] =	vst.add.f32.msk $0xffff, v0  }
0x527: {  	v0 =	vld [tilespmem:s12+$0x3850]  }
0x528: {  	[tilespmem:s28+$0x750] =	vst.add.f32.msk $0xffff, v3  }
0x529: {  	v3 =	vld [tilespmem:s3+$0x3860];
	(v2sf) =	vpush v2, $0xF  }
0x52a: {  	[tilespmem:s29+$0x750] =	vst.add.f32.msk $0xffff, v1  }
0x52b: {  	v1 =	vld [tilespmem:s14+$0x3860]  }
0x52c: {  	[tilespmem:s0+$0x750] =	vst.add.f32.msk $0xffff, v0  }
0x52d: {  	v0 =	vld [tilespmem:s12+$0x3860]  }
0x52e: {  	[tilespmem:s28+$0x760] =	vst.add.f32.msk $0xffff, v3  }
0x52f: {  	v63 =	vld [tilespmem:s3+$0x3870]  }
0x530: {  	[tilespmem:s29+$0x760] =	vst.add.f32.msk $0xffff, v1  }
0x531: {  	v1 =	vld [tilespmem:s14+$0x3870]  }
0x532: {  	[tilespmem:s0+$0x760] =	vst.add.f32.msk $0xffff, v0  }
0x533: {  	v0 =	vld [tilespmem:s12+$0x3870]  }
0x534: {  	[tilespmem:s28+$0x770] =	vst.add.f32.msk $0xffff, v63  }
0x535: {  	v2 =	vld [tilespmem:s2+$0x3800]  }
0x536: {  	[tilespmem:s29+$0x770] =	vst.add.f32.msk $0xffff, v1  }
0x537: {  	v1 =	vld [tilespmem:s13+$0x3800]  }
0x538: {  	s14 =	spop (v2sf);
	[tilespmem:s0+$0x770] =	vst.add.f32.msk $0xffff, v0  }
0x539: {  	v0 =	vld [tilespmem:s14+$0x3800]  }
0x53a: {  	[tilespmem:s28+$0x780] =	vst.add.f32.msk $0xffff, v2  }
0x53b: {  	v2 =	vld [tilespmem:s2+$0x3810]  }
0x53c: {  	[tilespmem:s29+$0x780] =	vst.add.f32.msk $0xffff, v1  }
0x53d: {  	v1 =	vld [tilespmem:s13+$0x3810]  }
0x53e: {  	[tilespmem:s0+$0x780] =	vst.add.f32.msk $0xffff, v0  }
0x53f: {  	v0 =	vld [tilespmem:s14+$0x3810]  }
0x540: {  	[tilespmem:s28+$0x790] =	vst.add.f32.msk $0xffff, v2  }
0x541: {  	v2 =	vld [tilespmem:s2+$0x3820]  }
0x542: {  	[tilespmem:s29+$0x790] =	vst.add.f32.msk $0xffff, v1  }
0x543: {  	v1 =	vld [tilespmem:s13+$0x3820]  }
0x544: {  	[tilespmem:s0+$0x790] =	vst.add.f32.msk $0xffff, v0  }
0x545: {  	v0 =	vld [tilespmem:s14+$0x3820]  }
0x546: {  	[tilespmem:s28+$0x7A0] =	vst.add.f32.msk $0xffff, v2  }
0x547: {  	v2 =	vld [tilespmem:s2+$0x3830]  }
0x548: {  	[tilespmem:s29+$0x7A0] =	vst.add.f32.msk $0xffff, v1  }
0x549: {  	v1 =	vld [tilespmem:s13+$0x3830]  }
0x54a: {  	[tilespmem:s0+$0x7A0] =	vst.add.f32.msk $0xffff, v0  }
0x54b: {  	v0 =	vld [tilespmem:s14+$0x3830]  }
0x54c: {  	[tilespmem:s28+$0x7B0] =	vst.add.f32.msk $0xffff, v2  }
0x54d: {  	v2 =	vld [tilespmem:s2+$0x3840]  }
0x54e: {  	[tilespmem:s29+$0x7B0] =	vst.add.f32.msk $0xffff, v1  }
0x54f: {  	v1 =	vld [tilespmem:s13+$0x3840]  }
0x550: {  	[tilespmem:s0+$0x7B0] =	vst.add.f32.msk $0xffff, v0  }
0x551: {  	v0 =	vld [tilespmem:s14+$0x3840]  }
0x552: {  	[tilespmem:s28+$0x7C0] =	vst.add.f32.msk $0xffff, v2  }
0x553: {  	v2 =	vld [tilespmem:s2+$0x3850]  }
0x554: {  	[tilespmem:s29+$0x7C0] =	vst.add.f32.msk $0xffff, v1  }
0x555: {  	v1 =	vld [tilespmem:s13+$0x3850]  }
0x556: {  	[tilespmem:s0+$0x7C0] =	vst.add.f32.msk $0xffff, v0  }
0x557: {  	v0 =	vld [tilespmem:s14+$0x3850]  }
0x558: {  	[tilespmem:s28+$0x7D0] =	vst.add.f32.msk $0xffff, v2  }
0x559: {  	v2 =	vld [tilespmem:s2+$0x3860]  }
0x55a: {  	[tilespmem:s29+$0x7D0] =	vst.add.f32.msk $0xffff, v1  }
0x55b: {  	v1 =	vld [tilespmem:s13+$0x3860]  }
0x55c: {  	[tilespmem:s0+$0x7D0] =	vst.add.f32.msk $0xffff, v0  }
0x55d: {  	v0 =	vld [tilespmem:s14+$0x3860]  }
0x55e: {  	[tilespmem:s28+$0x7E0] =	vst.add.f32.msk $0xffff, v2  }
0x55f: {  	v2 =	vld [tilespmem:s2+$0x3870]  }
0x560: {  	[tilespmem:s29+$0x7E0] =	vst.add.f32.msk $0xffff, v1  }
0x561: {  	v1 =	vld [tilespmem:s13+$0x3870]  }
0x562: {  	[tilespmem:s0+$0x7E0] =	vst.add.f32.msk $0xffff, v0  }
0x563: {  	s15 =	sshll.u32 s25, $0xE;
	s25 =	sadd.s32 $0x1, s25;
	v0 =	vld [tilespmem:s14+$0x3870]  }
0x564: {  	p0 =	sne.s32 s25, $0x32  }
.Ltmp1:
0x565: {  	_ = 	snop;
	(pc) =	sbr.rel @p0 .LBB2_2-.Ltmp1, $4  }
0x566: {  	s2 =	sadd.s32 s8, s15;
	[tilespmem:s28+$0x7F0] =	vst.add.f32.msk $0xffff, v2  }
0x567: {  	s24 =	sadd.s32 $0x4000, s24;
	s2 =	sshrl.u32 s2, $0x3;
	[tilespmem:s29+$0x7F0] =	vst.add.f32.msk $0xffff, v1  }
0x568: {  	s23 =	sadd.s32 $0x80, s23;
	s31 =	sadd.s32 $0x7, s26;
	s2 =	sadd.s32 s4, s2;
	[tilespmem:s0+$0x7F0] =	vst.add.f32.msk $0xffff, v0  }
0x569: {  	[hbm4b:s2+s5] =	stream.linear.scatter [tilespmem:s30], [sflag:s31], $0x4000, $0x38;
	[tilespmem:$0x1C000] =	vst v63  }
0x56a: {  	_ =	swait.ge [sflag:s16], $0x4000  }
0x56b: {  	[sflag:s16] =	ssyncset.done $0x0  }
0x56c: {  	[sflag:s16] =	ssyncadd.s32 $0xFFFFC000  }
0x56d: {  	_ =	swait.ge [sflag:s17], $0x4000  }
0x56e: {  	[sflag:s17] =	ssyncset.done $0x0  }
0x56f: {  	[sflag:s17] =	ssyncadd.s32 $0xFFFFC000  }
0x570: {  	_ =	swait.ge [sflag:s18], $0x4000  }
0x571: {  	[sflag:s18] =	ssyncset.done $0x0  }
0x572: {  	[sflag:s18] =	ssyncadd.s32 $0xFFFFC000  }
0x573: {  	_ =	swait.ge [sflag:s19], $0x4000  }
0x574: {  	[sflag:s19] =	ssyncset.done $0x0  }
0x575: {  	[sflag:s19] =	ssyncadd.s32 $0xFFFFC000  }
0x576: {  	_ =	swait.ge [sflag:s20], $0x4000  }
0x577: {  	[sflag:s20] =	ssyncset.done $0x0  }
0x578: {  	[sflag:s20] =	ssyncadd.s32 $0xFFFFC000  }
0x579: {  	_ =	swait.ge [sflag:s21], $0x4000  }
0x57a: {  	s22 =	sadd.s32 $0x1, s22;
	s0 =	rddreg [dreg:$0x7]  }
0x57b: {  	p0 =	sne.s32 s22, s0  }
.Ltmp2:
0x57c: {  	_ = 	snop;
	(pc) =	sbr.rel @p0 .LBB2_1-.Ltmp2, $3  }
0x57d: {  	_ =	sdelay $0x1  }
0x57e: {  	[sflag:s21] =	ssyncset.done $0x0  }
0x57f: {  	[sflag:s21] =	ssyncadd.s32 $0xFFFFC000  }
0x580: {  	_ =	sfence.sel $0x180000  }
0x581: {  	[bflag:$0x0] =	sbarrier.arrive $0xFFFF  }
0x582: {  	_ =	strace $0x90000047  }
0x583: {  	s0 =	stileid.u32;
	[bflag:$0x2] =	sbarrier.arrive $0xFFFF  }
0x584: {  	p0 =	sne.s32 s0, $0x0;
	s0 =	rddreg [dreg:$0x4]  }
0x585: {  	s0 =	sadd.s32 @!p0 $0x100000, s0  }
0x586: {  	[sflag:s0] =	ssyncadd.tile.s32 @!p0 $0x1;
	_ =	shalt  }
.Lfunc_end2:
_tile_overlayer_lowered:
.L_overlay_start_2:
0x587: {  	(tag) =	ssettag $0x2  }
0x588: {  	s0 =	rddreg [dreg:$0x0];
	s2 =	stileid.u32  }
0x589: {  	s1 =	rddreg [dreg:$0x1];
	p0 =	sne.s32 s2, $0x0  }
0x58a: {  	s3 =	rddreg [dreg:$0x2];
	[bflag:$0x3] =	sbarrier.arrive $0xFFFF;
	s2 =	simm.s32 @!p0 $0x1C0D  }
0x58b: {  	[timem:s3], [sflag:s2] =	dma.local @!p0 [hbm:s0], s1  }
0x58c: {  	s0 =	simm.s32 @!p0 $0xD  }
0x58d: {  	_ =	swait.ge @!p0 [sflag:s0], s1  }
0x58e: {  	s1 =	ssub.s32 @!p0 $0x0, s1;
	[sflag:s0] =	ssyncset.done @!p0 $0x0  }
0x58f: {  	[sflag:s0] =	ssyncadd.s32 @!p0 s1  }
0x590: {  	[bflag:$0x3] =	sbarrier.arrive $0xFFFF  }
0x591: {  	_ =	shalt  }

</sc_bundles>
